<compile_context>
chip_gen: v7x
topology: tpu7x:2x2x1
jax: 0.10.2.dev20260603
libtpu: 0.0.44.dev20260713+nightly
codegen_flags: <defaults>
</compile_context>

<pallas_src>
import functools

import jax
import jax.numpy as jnp
from jax.experimental import pallas as pl
from jax.experimental.pallas import tpu as pltpu
from jax.experimental.pallas import tpu_sc as plsc

_DT = 0.001
_N = 100000
_D = 128


def _interp_body(t_hbm, table_hbm, out_hbm, t_s, row_a, row_b, out_s, sem):
    pltpu.sync_copy(t_hbm, t_s)
    t = t_s[0]
    x = t * jnp.float32(1.0 / _DT)
    trunc = x.astype(jnp.int32)
    last_id = jnp.where(x < trunc.astype(jnp.float32), trunc - 1, trunc)
    w = (last_id + 1).astype(jnp.float32) - x
    last_c = jnp.clip(last_id, 0, _N - 1)
    next_c = jnp.clip(last_id + 1, 0, _N - 1)
    cp_a = pltpu.async_copy(table_hbm.at[pl.ds(last_c, 1)], row_a, sem)
    cp_b = pltpu.async_copy(table_hbm.at[pl.ds(next_c, 1)], row_b, sem)
    cp_a.wait()
    cp_b.wait()
    for i in range(_D):
        out_s[i] = w * row_a[0, i] + (jnp.float32(1.0) - w) * row_b[0, i]
    pltpu.sync_copy(out_s, out_hbm)


_interp = functools.partial(
    pl.kernel,
    out_type=jax.ShapeDtypeStruct((_D,), jnp.float32),
    mesh=plsc.ScalarSubcoreMesh(axis_name="c", num_cores=1),
    scratch_types=[
        pltpu.SMEM((1,), jnp.float32),
        pltpu.SMEM((1, _D), jnp.float32),
        pltpu.SMEM((1, _D), jnp.float32),
        pltpu.SMEM((_D,), jnp.float32),
        pltpu.SemaphoreType.DMA,
    ],
)(_interp_body)


def kernel(t, excitation_data):
    return _interp(t.reshape(1), excitation_data)

# --- scband reference (transcript-rebuilt; emitter-appended) ---
"""Pipeline reference for scband-excitation-seconds-linear-interpolation-42889543417989 (READ-ONLY COPY).

The authoritative reference and input builder live on the scoring server;
editing this copy changes nothing except your own understanding.
"""

import jax, jax.numpy as jnp
import numpy as np

DT = 0.001
N_SAMPLES = 100000
D = 128


def setup_inputs(seed: int = 0) -> dict:
    key = jax.random.key(seed)
    k1, k2 = jax.random.split(key)
    t = jax.random.uniform(k1, (), dtype=jnp.float32)
    excitation_data = jax.random.normal(k2, (N_SAMPLES, D), dtype=jnp.float32)
    return {"t": t, "excitation_data": excitation_data}


def reference(t, excitation_data):
    n = excitation_data.shape[0]
    # last_sample_id = (t // dt).long()
    last_sample_id = jnp.floor(t / DT).astype(jnp.int32)
    next_sample_id = last_sample_id + 1
    # linear interpolation weight for the earlier sample
    last_sample_weight = next_sample_id.astype(jnp.float32) - t / DT
    last_c = jnp.clip(last_sample_id, 0, n - 1)
    next_c = jnp.clip(next_sample_id, 0, n - 1)
    mid = last_sample_weight * jnp.take(excitation_data, last_c, axis=0) + (1.0 - last_sample_weight) * jnp.take(excitation_data, next_c, axis=0)
    # branch semantics of the torch module, expressed data-parallel
    out = jnp.where(next_sample_id == 0, excitation_data[0],
                    jnp.where(next_sample_id > n - 1, excitation_data[-1], mid))
    return out

if __name__ == "__main__":
    import jax
    _d = setup_inputs()
    print(jax.jit(kernel)(*tuple(_d.values())))

</pallas_src>

<mosaic_0001>
#map = affine_map<(d0) -> (0)>
#map1 = affine_map<(d0) -> (0, 0)>
module attributes {stable_mosaic.version = 14 : i64} {
  func.func @_interp_body(%arg0: i32, %arg1: memref<1xf32, #tpu.memory_space<hbm>>, %arg2: memref<100000x128xf32, #tpu.memory_space<hbm>>, %arg3: memref<128xf32, #tpu.memory_space<hbm>>, %arg4: memref<1xf32, #tpu.memory_space<smem>>, %arg5: memref<1x128xf32, #tpu.memory_space<smem>>, %arg6: memref<1x128xf32, #tpu.memory_space<smem>>, %arg7: memref<128xf32, #tpu.memory_space<smem>>, %arg8: memref<!tpu.dma_semaphore, #tpu.memory_space<semaphore_mem>>) attributes {dimension_semantics = [#tpu.dimension_semantics<core_parallel>], iteration_bounds = array<i64: 1>, scalar_prefetch = 0 : i64, scratch_operands = 5 : i64, tpu.core_type = #tpu.core_type<sc_scalar_subcore>, window_params = [{transform_indices = #map}, {transform_indices = #map1}, {transform_indices = #map}]} {
    "tpu.region"() ({
      %run_scoped3A = tpu.sem_alloc : memref<!tpu.dma_semaphore, #tpu.memory_space<semaphore_mem>>
      tpu.enqueue_dma source(%arg1 : memref<1xf32, #tpu.memory_space<hbm>>) target(%arg4 : memref<1xf32, #tpu.memory_space<smem>>) target_semaphore(%run_scoped3A : memref<!tpu.dma_semaphore, #tpu.memory_space<semaphore_mem>>)
      tpu.wait_dma2 semaphore(%run_scoped3A : memref<!tpu.dma_semaphore, #tpu.memory_space<semaphore_mem>>) src(%arg1 : memref<1xf32, #tpu.memory_space<hbm>>) dst(%arg4 : memref<1xf32, #tpu.memory_space<smem>>)
      tpu.yield
    }) : () -> ()
    %get3A = arith.constant 0 : i32
    %get3A_0 = arith.index_cast %get3A : i32 to index
    %get3A_1 = memref.load %arg4[%get3A_0] : memref<1xf32, #tpu.memory_space<smem>>
    %mul3A = arith.constant 1.000000e+03 : f32
    %mul3A_2 = arith.mulf %get3A_1, %mul3A : f32
    %convert_element_type3A = arith.fptosi %mul3A_2 : f32 to i32
    %convert_element_type3A_3 = arith.sitofp %convert_element_type3A : i32 to f32
    %lt3A = arith.cmpf olt, %mul3A_2, %convert_element_type3A_3 : f32
    %sub3A = arith.constant 1 : i32
    %sub3A_4 = arith.subi %convert_element_type3A, %sub3A : i32
    %select_n3A = arith.select %lt3A, %sub3A_4, %convert_element_type3A : i32
    %add3A = arith.constant 1 : i32
    %add3A_5 = arith.addi %select_n3A, %add3A : i32
    %convert_element_type3A_6 = arith.sitofp %add3A_5 : i32 to f32
    %sub3A_7 = arith.subf %convert_element_type3A_6, %mul3A_2 : f32
    %jit3A = arith.constant 0 : i32
    %jit3A_8 = arith.constant 99999 : i32
    %max3A = arith.maxsi %jit3A, %select_n3A : i32
    %min3A = arith.minsi %jit3A_8, %max3A : i32
    %add3A_9 = arith.constant 1 : i32
    %add3A_10 = arith.addi %select_n3A, %add3A_9 : i32
    %jit3A_11 = arith.constant 0 : i32
    %jit3A_12 = arith.constant 99999 : i32
    %max3A_13 = arith.maxsi %jit3A_11, %add3A_10 : i32
    %min3A_14 = arith.minsi %jit3A_12, %max3A_13 : i32
    %dma_start3A = arith.constant 0 : i32
    %dma_start3A_15 = tpu.memref_slice %arg2[%min3A, %dma_start3A] : memref<100000x128xf32, #tpu.memory_space<hbm>> -> memref<1x128xf32, #tpu.memory_space<hbm>>
    tpu.enqueue_dma source(%dma_start3A_15 : memref<1x128xf32, #tpu.memory_space<hbm>>) target(%arg5 : memref<1x128xf32, #tpu.memory_space<smem>>) target_semaphore(%arg8 : memref<!tpu.dma_semaphore, #tpu.memory_space<semaphore_mem>>)
    %dma_start3A_16 = arith.constant 0 : i32
    %dma_start3A_17 = tpu.memref_slice %arg2[%min3A_14, %dma_start3A_16] : memref<100000x128xf32, #tpu.memory_space<hbm>> -> memref<1x128xf32, #tpu.memory_space<hbm>>
    tpu.enqueue_dma source(%dma_start3A_17 : memref<1x128xf32, #tpu.memory_space<hbm>>) target(%arg6 : memref<1x128xf32, #tpu.memory_space<smem>>) target_semaphore(%arg8 : memref<!tpu.dma_semaphore, #tpu.memory_space<semaphore_mem>>)
    %dma_wait3A = arith.constant 0 : i32
    %dma_wait3A_18 = tpu.memref_slice %arg2[%min3A, %dma_wait3A] : memref<100000x128xf32, #tpu.memory_space<hbm>> -> memref<1x128xf32, #tpu.memory_space<hbm>>
    tpu.wait_dma2 semaphore(%arg8 : memref<!tpu.dma_semaphore, #tpu.memory_space<semaphore_mem>>) src(%dma_wait3A_18 : memref<1x128xf32, #tpu.memory_space<hbm>>) dst(%arg5 : memref<1x128xf32, #tpu.memory_space<smem>>)
    %dma_wait3A_19 = arith.constant 0 : i32
    %dma_wait3A_20 = tpu.memref_slice %arg2[%min3A_14, %dma_wait3A_19] : memref<100000x128xf32, #tpu.memory_space<hbm>> -> memref<1x128xf32, #tpu.memory_space<hbm>>
    tpu.wait_dma2 semaphore(%arg8 : memref<!tpu.dma_semaphore, #tpu.memory_space<semaphore_mem>>) src(%dma_wait3A_20 : memref<1x128xf32, #tpu.memory_space<hbm>>) dst(%arg6 : memref<1x128xf32, #tpu.memory_space<smem>>)
    %get3A_21 = arith.constant 0 : i32
    %get3A_22 = arith.constant 0 : i32
    %get3A_23 = arith.index_cast %get3A_21 : i32 to index
    %get3A_24 = arith.index_cast %get3A_22 : i32 to index
    %get3A_25 = memref.load %arg5[%get3A_23, %get3A_24] : memref<1x128xf32, #tpu.memory_space<smem>>
    %mul3A_26 = arith.mulf %sub3A_7, %get3A_25 : f32
    %sub3A_27 = arith.constant 1.000000e+00 : f32
    %sub3A_28 = arith.subf %sub3A_27, %sub3A_7 : f32
    %get3A_29 = arith.constant 0 : i32
    %get3A_30 = arith.constant 0 : i32
    %get3A_31 = arith.index_cast %get3A_29 : i32 to index
    %get3A_32 = arith.index_cast %get3A_30 : i32 to index
    %get3A_33 = memref.load %arg6[%get3A_31, %get3A_32] : memref<1x128xf32, #tpu.memory_space<smem>>
    %mul3A_34 = arith.mulf %sub3A_28, %get3A_33 : f32
    %add3A_35 = arith.addf %mul3A_26, %mul3A_34 : f32
    %swap3A = arith.constant 0 : i32
    %swap3A_36 = arith.index_cast %swap3A : i32 to index
    %swap3A_37 = memref.load %arg7[%swap3A_36] : memref<128xf32, #tpu.memory_space<smem>>
    memref.store %add3A_35, %arg7[%swap3A_36] : memref<128xf32, #tpu.memory_space<smem>>
    %get3A_38 = arith.constant 0 : i32
    %get3A_39 = arith.constant 1 : i32
    %get3A_40 = arith.index_cast %get3A_38 : i32 to index
    %get3A_41 = arith.index_cast %get3A_39 : i32 to index
    %get3A_42 = memref.load %arg5[%get3A_40, %get3A_41] : memref<1x128xf32, #tpu.memory_space<smem>>
    %mul3A_43 = arith.mulf %sub3A_7, %get3A_42 : f32
    %sub3A_44 = arith.constant 1.000000e+00 : f32
    %sub3A_45 = arith.subf %sub3A_44, %sub3A_7 : f32
    %get3A_46 = arith.constant 0 : i32
    %get3A_47 = arith.constant 1 : i32
    %get3A_48 = arith.index_cast %get3A_46 : i32 to index
    %get3A_49 = arith.index_cast %get3A_47 : i32 to index
    %get3A_50 = memref.load %arg6[%get3A_48, %get3A_49] : memref<1x128xf32, #tpu.memory_space<smem>>
    %mul3A_51 = arith.mulf %sub3A_45, %get3A_50 : f32
    %add3A_52 = arith.addf %mul3A_43, %mul3A_51 : f32
    %swap3A_53 = arith.constant 1 : i32
    %swap3A_54 = arith.index_cast %swap3A_53 : i32 to index
    %swap3A_55 = memref.load %arg7[%swap3A_54] : memref<128xf32, #tpu.memory_space<smem>>
    memref.store %add3A_52, %arg7[%swap3A_54] : memref<128xf32, #tpu.memory_space<smem>>
    %get3A_56 = arith.constant 0 : i32
    %get3A_57 = arith.constant 2 : i32
    %get3A_58 = arith.index_cast %get3A_56 : i32 to index
    %get3A_59 = arith.index_cast %get3A_57 : i32 to index
    %get3A_60 = memref.load %arg5[%get3A_58, %get3A_59] : memref<1x128xf32, #tpu.memory_space<smem>>
    %mul3A_61 = arith.mulf %sub3A_7, %get3A_60 : f32
    %sub3A_62 = arith.constant 1.000000e+00 : f32
    %sub3A_63 = arith.subf %sub3A_62, %sub3A_7 : f32
    %get3A_64 = arith.constant 0 : i32
    %get3A_65 = arith.constant 2 : i32
    %get3A_66 = arith.index_cast %get3A_64 : i32 to index
    %get3A_67 = arith.index_cast %get3A_65 : i32 to index
    %get3A_68 = memref.load %arg6[%get3A_66, %get3A_67] : memref<1x128xf32, #tpu.memory_space<smem>>
    %mul3A_69 = arith.mulf %sub3A_63, %get3A_68 : f32
    %add3A_70 = arith.addf %mul3A_61, %mul3A_69 : f32
    %swap3A_71 = arith.constant 2 : i32
    %swap3A_72 = arith.index_cast %swap3A_71 : i32 to index
    %swap3A_73 = memref.load %arg7[%swap3A_72] : memref<128xf32, #tpu.memory_space<smem>>
    memref.store %add3A_70, %arg7[%swap3A_72] : memref<128xf32, #tpu.memory_space<smem>>
    %get3A_74 = arith.constant 0 : i32
    %get3A_75 = arith.constant 3 : i32
    %get3A_76 = arith.index_cast %get3A_74 : i32 to index
    %get3A_77 = arith.index_cast %get3A_75 : i32 to index
    %get3A_78 = memref.load %arg5[%get3A_76, %get3A_77] : memref<1x128xf32, #tpu.memory_space<smem>>
    %mul3A_79 = arith.mulf %sub3A_7, %get3A_78 : f32
    %sub3A_80 = arith.constant 1.000000e+00 : f32
    %sub3A_81 = arith.subf %sub3A_80, %sub3A_7 : f32
    %get3A_82 = arith.constant 0 : i32
    %get3A_83 = arith.constant 3 : i32
    %get3A_84 = arith.index_cast %get3A_82 : i32 to index
    %get3A_85 = arith.index_cast %get3A_83 : i32 to index
    %get3A_86 = memref.load %arg6[%get3A_84, %get3A_85] : memref<1x128xf32, #tpu.memory_space<smem>>
    %mul3A_87 = arith.mulf %sub3A_81, %get3A_86 : f32
    %add3A_88 = arith.addf %mul3A_79, %mul3A_87 : f32
    %swap3A_89 = arith.constant 3 : i32
    %swap3A_90 = arith.index_cast %swap3A_89 : i32 to index
    %swap3A_91 = memref.load %arg7[%swap3A_90] : memref<128xf32, #tpu.memory_space<smem>>
    memref.store %add3A_88, %arg7[%swap3A_90] : memref<128xf32, #tpu.memory_space<smem>>
    %get3A_92 = arith.constant 0 : i32
    %get3A_93 = arith.constant 4 : i32
    %get3A_94 = arith.index_cast %get3A_92 : i32 to index
    %get3A_95 = arith.index_cast %get3A_93 : i32 to index
    %get3A_96 = memref.load %arg5[%get3A_94, %get3A_95] : memref<1x128xf32, #tpu.memory_space<smem>>
    %mul3A_97 = arith.mulf %sub3A_7, %get3A_96 : f32
    %sub3A_98 = arith.constant 1.000000e+00 : f32
    %sub3A_99 = arith.subf %sub3A_98, %sub3A_7 : f32
    %get3A_100 = arith.constant 0 : i32
    %get3A_101 = arith.constant 4 : i32
    %get3A_102 = arith.index_cast %get3A_100 : i32 to index
    %get3A_103 = arith.index_cast %get3A_101 : i32 to index
    %get3A_104 = memref.load %arg6[%get3A_102, %get3A_103] : memref<1x128xf32, #tpu.memory_space<smem>>
    %mul3A_105 = arith.mulf %sub3A_99, %get3A_104 : f32
    %add3A_106 = arith.addf %mul3A_97, %mul3A_105 : f32
    %swap3A_107 = arith.constant 4 : i32
    %swap3A_108 = arith.index_cast %swap3A_107 : i32 to index
    %swap3A_109 = memref.load %arg7[%swap3A_108] : memref<128xf32, #tpu.memory_space<smem>>
    memref.store %add3A_106, %arg7[%swap3A_108] : memref<128xf32, #tpu.memory_space<smem>>
    %get3A_110 = arith.constant 0 : i32
    %get3A_111 = arith.constant 5 : i32
    %get3A_112 = arith.index_cast %get3A_110 : i32 to index
    %get3A_113 = arith.index_cast %get3A_111 : i32 to index
    %get3A_114 = memref.load %arg5[%get3A_112, %get3A_113] : memref<1x128xf32, #tpu.memory_space<smem>>
    %mul3A_115 = arith.mulf %sub3A_7, %get3A_114 : f32
    %sub3A_116 = arith.constant 1.000000e+00 : f32
    %sub3A_117 = arith.subf %sub3A_116, %sub3A_7 : f32
    %get3A_118 = arith.constant 0 : i32
    %get3A_119 = arith.constant 5 : i32
    %get3A_120 = arith.index_cast %get3A_118 : i32 to index
    %get3A_121 = arith.index_cast %get3A_119 : i32 to index
    %get3A_122 = memref.load %arg6[%get3A_120, %get3A_121] : memref<1x128xf32, #tpu.memory_space<smem>>
    %mul3A_123 = arith.mulf %sub3A_117, %get3A_122 : f32
    %add3A_124 = arith.addf %mul3A_115, %mul3A_123 : f32
    %swap3A_125 = arith.constant 5 : i32
    %swap3A_126 = arith.index_cast %swap3A_125 : i32 to index
    %swap3A_127 = memref.load %arg7[%swap3A_126] : memref<128xf32, #tpu.memory_space<smem>>
    memref.store %add3A_124, %arg7[%swap3A_126] : memref<128xf32, #tpu.memory_space<smem>>
    %get3A_128 = arith.constant 0 : i32
    %get3A_129 = arith.constant 6 : i32
    %get3A_130 = arith.index_cast %get3A_128 : i32 to index
    %get3A_131 = arith.index_cast %get3A_129 : i32 to index
    %get3A_132 = memref.load %arg5[%get3A_130, %get3A_131] : memref<1x128xf32, #tpu.memory_space<smem>>
    %mul3A_133 = arith.mulf %sub3A_7, %get3A_132 : f32
    %sub3A_134 = arith.constant 1.000000e+00 : f32
    %sub3A_135 = arith.subf %sub3A_134, %sub3A_7 : f32
    %get3A_136 = arith.constant 0 : i32
    %get3A_137 = arith.constant 6 : i32
    %get3A_138 = arith.index_cast %get3A_136 : i32 to index
    %get3A_139 = arith.index_cast %get3A_137 : i32 to index
    %get3A_140 = memref.load %arg6[%get3A_138, %get3A_139] : memref<1x128xf32, #tpu.memory_space<smem>>
    %mul3A_141 = arith.mulf %sub3A_135, %get3A_140 : f32
    %add3A_142 = arith.addf %mul3A_133, %mul3A_141 : f32
    %swap3A_143 = arith.constant 6 : i32
    %swap3A_144 = arith.index_cast %swap3A_143 : i32 to index
    %swap3A_145 = memref.load %arg7[%swap3A_144] : memref<128xf32, #tpu.memory_space<smem>>
    memref.store %add3A_142, %arg7[%swap3A_144] : memref<128xf32, #tpu.memory_space<smem>>
    %get3A_146 = arith.constant 0 : i32
    %get3A_147 = arith.constant 7 : i32
    %get3A_148 = arith.index_cast %get3A_146 : i32 to index
    %get3A_149 = arith.index_cast %get3A_147 : i32 to index
    %get3A_150 = memref.load %arg5[%get3A_148, %get3A_149] : memref<1x128xf32, #tpu.memory_space<smem>>
    %mul3A_151 = arith.mulf %sub3A_7, %get3A_150 : f32
    %sub3A_152 = arith.constant 1.000000e+00 : f32
    %sub3A_153 = arith.subf %sub3A_152, %sub3A_7 : f32
    %get3A_154 = arith.constant 0 : i32
    %get3A_155 = arith.constant 7 : i32
    %get3A_156 = arith.index_cast %get3A_154 : i32 to index
    %get3A_157 = arith.index_cast %get3A_155 : i32 to index
    %get3A_158 = memref.load %arg6[%get3A_156, %get3A_157] : memref<1x128xf32, #tpu.memory_space<smem>>
    %mul3A_159 = arith.mulf %sub3A_153, %get3A_158 : f32
    %add3A_160 = arith.addf %mul3A_151, %mul3A_159 : f32
    %swap3A_161 = arith.constant 7 : i32
    %swap3A_162 = arith.index_cast %swap3A_161 : i32 to index
    %swap3A_163 = memref.load %arg7[%swap3A_162] : memref<128xf32, #tpu.memory_space<smem>>
    memref.store %add3A_160, %arg7[%swap3A_162] : memref<128xf32, #tpu.memory_space<smem>>
    %get3A_164 = arith.constant 0 : i32
    %get3A_165 = arith.constant 8 : i32
    %get3A_166 = arith.index_cast %get3A_164 : i32 to index
    %get3A_167 = arith.index_cast %get3A_165 : i32 to index
    %get3A_168 = memref.load %arg5[%get3A_166, %get3A_167] : memref<1x128xf32, #tpu.memory_space<smem>>
    %mul3A_169 = arith.mulf %sub3A_7, %get3A_168 : f32
    %sub3A_170 = arith.constant 1.000000e+00 : f32
    %sub3A_171 = arith.subf %sub3A_170, %sub3A_7 : f32
    %get3A_172 = arith.constant 0 : i32
    %get3A_173 = arith.constant 8 : i32
    %get3A_174 = arith.index_cast %get3A_172 : i32 to index
    %get3A_175 = arith.index_cast %get3A_173 : i32 to index
    %get3A_176 = memref.load %arg6[%get3A_174, %get3A_175] : memref<1x128xf32, #tpu.memory_space<smem>>
    %mul3A_177 = arith.mulf %sub3A_171, %get3A_176 : f32
    %add3A_178 = arith.addf %mul3A_169, %mul3A_177 : f32
    %swap3A_179 = arith.constant 8 : i32
    %swap3A_180 = arith.index_cast %swap3A_179 : i32 to index
    %swap3A_181 = memref.load %arg7[%swap3A_180] : memref<128xf32, #tpu.memory_space<smem>>
    memref.store %add3A_178, %arg7[%swap3A_180] : memref<128xf32, #tpu.memory_space<smem>>
    %get3A_182 = arith.constant 0 : i32
    %get3A_183 = arith.constant 9 : i32
    %get3A_184 = arith.index_cast %get3A_182 : i32 to index
    %get3A_185 = arith.index_cast %get3A_183 : i32 to index
    %get3A_186 = memref.load %arg5[%get3A_184, %get3A_185] : memref<1x128xf32, #tpu.memory_space<smem>>
    %mul3A_187 = arith.mulf %sub3A_7, %get3A_186 : f32
    %sub3A_188 = arith.constant 1.000000e+00 : f32
    %sub3A_189 = arith.subf %sub3A_188, %sub3A_7 : f32
    %get3A_190 = arith.constant 0 : i32
    %get3A_191 = arith.constant 9 : i32
    %get3A_192 = arith.index_cast %get3A_190 : i32 to index
    %get3A_193 = arith.index_cast %get3A_191 : i32 to index
    %get3A_194 = memref.load %arg6[%get3A_192, %get3A_193] : memref<1x128xf32, #tpu.memory_space<smem>>
    %mul3A_195 = arith.mulf %sub3A_189, %get3A_194 : f32
    %add3A_196 = arith.addf %mul3A_187, %mul3A_195 : f32
    %swap3A_197 = arith.constant 9 : i32
    %swap3A_198 = arith.index_cast %swap3A_197 : i32 to index
    %swap3A_199 = memref.load %arg7[%swap3A_198] : memref<128xf32, #tpu.memory_space<smem>>
    memref.store %add3A_196, %arg7[%swap3A_198] : memref<128xf32, #tpu.memory_space<smem>>
    %get3A_200 = arith.constant 0 : i32
    %get3A_201 = arith.constant 10 : i32
    %get3A_202 = arith.index_cast %get3A_200 : i32 to index
    %get3A_203 = arith.index_cast %get3A_201 : i32 to index
    %get3A_204 = memref.load %arg5[%get3A_202, %get3A_203] : memref<1x128xf32, #tpu.memory_space<smem>>
    %mul3A_205 = arith.mulf %sub3A_7, %get3A_204 : f32
    %sub3A_206 = arith.constant 1.000000e+00 : f32
    %sub3A_207 = arith.subf %sub3A_206, %sub3A_7 : f32
    %get3A_208 = arith.constant 0 : i32
    %get3A_209 = arith.constant 10 : i32
    %get3A_210 = arith.index_cast %get3A_208 : i32 to index
    %get3A_211 = arith.index_cast %get3A_209 : i32 to index
    %get3A_212 = memref.load %arg6[%get3A_210, %get3A_211] : memref<1x128xf32, #tpu.memory_space<smem>>
    %mul3A_213 = arith.mulf %sub3A_207, %get3A_212 : f32
    %add3A_214 = arith.addf %mul3A_205, %mul3A_213 : f32
    %swap3A_215 = arith.constant 10 : i32
    %swap3A_216 = arith.index_cast %swap3A_215 : i32 to index
    %swap3A_217 = memref.load %arg7[%swap3A_216] : memref<128xf32, #tpu.memory_space<smem>>
    memref.store %add3A_214, %arg7[%swap3A_216] : memref<128xf32, #tpu.memory_space<smem>>
    %get3A_218 = arith.constant 0 : i32
    %get3A_219 = arith.constant 11 : i32
    %get3A_220 = arith.index_cast %get3A_218 : i32 to index
    %get3A_221 = arith.index_cast %get3A_219 : i32 to index
    %get3A_222 = memref.load %arg5[%get3A_220, %get3A_221] : memref<1x128xf32, #tpu.memory_space<smem>>
    %mul3A_223 = arith.mulf %sub3A_7, %get3A_222 : f32
    %sub3A_224 = arith.constant 1.000000e+00 : f32
    %sub3A_225 = arith.subf %sub3A_224, %sub3A_7 : f32
    %get3A_226 = arith.constant 0 : i32
    %get3A_227 = arith.constant 11 : i32
    %get3A_228 = arith.index_cast %get3A_226 : i32 to index
    %get3A_229 = arith.index_cast %get3A_227 : i32 to index
    %get3A_230 = memref.load %arg6[%get3A_228, %get3A_229] : memref<1x128xf32, #tpu.memory_space<smem>>
    %mul3A_231 = arith.mulf %sub3A_225, %get3A_230 : f32
    %add3A_232 = arith.addf %mul3A_223, %mul3A_231 : f32
    %swap3A_233 = arith.constant 11 : i32
    %swap3A_234 = arith.index_cast %swap3A_233 : i32 to index
    %swap3A_235 = memref.load %arg7[%swap3A_234] : memref<128xf32, #tpu.memory_space<smem>>
    memref.store %add3A_232, %arg7[%swap3A_234] : memref<128xf32, #tpu.memory_space<smem>>
    %get3A_236 = arith.constant 0 : i32
    %get3A_237 = arith.constant 12 : i32
    %get3A_238 = arith.index_cast %get3A_236 : i32 to index
    %get3A_239 = arith.index_cast %get3A_237 : i32 to index
    %get3A_240 = memref.load %arg5[%get3A_238, %get3A_239] : memref<1x128xf32, #tpu.memory_space<smem>>
    %mul3A_241 = arith.mulf %sub3A_7, %get3A_240 : f32
    %sub3A_242 = arith.constant 1.000000e+00 : f32
    %sub3A_243 = arith.subf %sub3A_242, %sub3A_7 : f32
    %get3A_244 = arith.constant 0 : i32
    %get3A_245 = arith.constant 12 : i32
    %get3A_246 = arith.index_cast %get3A_244 : i32 to index
    %get3A_247 = arith.index_cast %get3A_245 : i32 to index
    %get3A_248 = memref.load %arg6[%get3A_246, %get3A_247] : memref<1x128xf32, #tpu.memory_space<smem>>
    %mul3A_249 = arith.mulf %sub3A_243, %get3A_248 : f32
    %add3A_250 = arith.addf %mul3A_241, %mul3A_249 : f32
    %swap3A_251 = arith.constant 12 : i32
    %swap3A_252 = arith.index_cast %swap3A_251 : i32 to index
    %swap3A_253 = memref.load %arg7[%swap3A_252] : memref<128xf32, #tpu.memory_space<smem>>
    memref.store %add3A_250, %arg7[%swap3A_252] : memref<128xf32, #tpu.memory_space<smem>>
    %get3A_254 = arith.constant 0 : i32
    %get3A_255 = arith.constant 13 : i32
    %get3A_256 = arith.index_cast %get3A_254 : i32 to index
    %get3A_257 = arith.index_cast %get3A_255 : i32 to index
    %get3A_258 = memref.load %arg5[%get3A_256, %get3A_257] : memref<1x128xf32, #tpu.memory_space<smem>>
    %mul3A_259 = arith.mulf %sub3A_7, %get3A_258 : f32
    %sub3A_260 = arith.constant 1.000000e+00 : f32
    %sub3A_261 = arith.subf %sub3A_260, %sub3A_7 : f32
    %get3A_262 = arith.constant 0 : i32
    %get3A_263 = arith.constant 13 : i32
    %get3A_264 = arith.index_cast %get3A_262 : i32 to index
    %get3A_265 = arith.index_cast %get3A_263 : i32 to index
    %get3A_266 = memref.load %arg6[%get3A_264, %get3A_265] : memref<1x128xf32, #tpu.memory_space<smem>>
    %mul3A_267 = arith.mulf %sub3A_261, %get3A_266 : f32
    %add3A_268 = arith.addf %mul3A_259, %mul3A_267 : f32
    %swap3A_269 = arith.constant 13 : i32
    %swap3A_270 = arith.index_cast %swap3A_269 : i32 to index
    %swap3A_271 = memref.load %arg7[%swap3A_270] : memref<128xf32, #tpu.memory_space<smem>>
    memref.store %add3A_268, %arg7[%swap3A_270] : memref<128xf32, #tpu.memory_space<smem>>
    %get3A_272 = arith.constant 0 : i32
    %get3A_273 = arith.constant 14 : i32
    %get3A_274 = arith.index_cast %get3A_272 : i32 to index
    %get3A_275 = arith.index_cast %get3A_273 : i32 to index
    %get3A_276 = memref.load %arg5[%get3A_274, %get3A_275] : memref<1x128xf32, #tpu.memory_space<smem>>
    %mul3A_277 = arith.mulf %sub3A_7, %get3A_276 : f32
    %sub3A_278 = arith.constant 1.000000e+00 : f32
    %sub3A_279 = arith.subf %sub3A_278, %sub3A_7 : f32
    %get3A_280 = arith.constant 0 : i32
    %get3A_281 = arith.constant 14 : i32
    %get3A_282 = arith.index_cast %get3A_280 : i32 to index
    %get3A_283 = arith.index_cast %get3A_281 : i32 to index
    %get3A_284 = memref.load %arg6[%get3A_282, %get3A_283] : memref<1x128xf32, #tpu.memory_space<smem>>
    %mul3A_285 = arith.mulf %sub3A_279, %get3A_284 : f32
    %add3A_286 = arith.addf %mul3A_277, %mul3A_285 : f32
    %swap3A_287 = arith.constant 14 : i32
    %swap3A_288 = arith.index_cast %swap3A_287 : i32 to index
    %swap3A_289 = memref.load %arg7[%swap3A_288] : memref<128xf32, #tpu.memory_space<smem>>
    memref.store %add3A_286, %arg7[%swap3A_288] : memref<128xf32, #tpu.memory_space<smem>>
    %get3A_290 = arith.constant 0 : i32
    %get3A_291 = arith.constant 15 : i32
    %get3A_292 = arith.index_cast %get3A_290 : i32 to index
    %get3A_293 = arith.index_cast %get3A_291 : i32 to index
    %get3A_294 = memref.load %arg5[%get3A_292, %get3A_293] : memref<1x128xf32, #tpu.memory_space<smem>>
    %mul3A_295 = arith.mulf %sub3A_7, %get3A_294 : f32
    %sub3A_296 = arith.constant 1.000000e+00 : f32
    %sub3A_297 = arith.subf %sub3A_296, %sub3A_7 : f32
    %get3A_298 = arith.constant 0 : i32
    %get3A_299 = arith.constant 15 : i32
    %get3A_300 = arith.index_cast %get3A_298 : i32 to index
    %get3A_301 = arith.index_cast %get3A_299 : i32 to index
    %get3A_302 = memref.load %arg6[%get3A_300, %get3A_301] : memref<1x128xf32, #tpu.memory_space<smem>>
    %mul3A_303 = arith.mulf %sub3A_297, %get3A_302 : f32
    %add3A_304 = arith.addf %mul3A_295, %mul3A_303 : f32
    %swap3A_305 = arith.constant 15 : i32
    %swap3A_306 = arith.index_cast %swap3A_305 : i32 to index
    %swap3A_307 = memref.load %arg7[%swap3A_306] : memref<128xf32, #tpu.memory_space<smem>>
    memref.store %add3A_304, %arg7[%swap3A_306] : memref<128xf32, #tpu.memory_space<smem>>
    %get3A_308 = arith.constant 0 : i32
    %get3A_309 = arith.constant 16 : i32
    %get3A_310 = arith.index_cast %get3A_308 : i32 to index
    %get3A_311 = arith.index_cast %get3A_309 : i32 to index
    %get3A_312 = memref.load %arg5[%get3A_310, %get3A_311] : memref<1x128xf32, #tpu.memory_space<smem>>
    %mul3A_313 = arith.mulf %sub3A_7, %get3A_312 : f32
    %sub3A_314 = arith.constant 1.000000e+00 : f32
    %sub3A_315 = arith.subf %sub3A_314, %sub3A_7 : f32
    %get3A_316 = arith.constant 0 : i32
    %get3A_317 = arith.constant 16 : i32
    %get3A_318 = arith.index_cast %get3A_316 : i32 to index
    %get3A_319 = arith.index_cast %get3A_317 : i32 to index
    %get3A_320 = memref.load %arg6[%get3A_318, %get3A_319] : memref<1x128xf32, #tpu.memory_space<smem>>
    %mul3A_321 = arith.mulf %sub3A_315, %get3A_320 : f32
    %add3A_322 = arith.addf %mul3A_313, %mul3A_321 : f32
    %swap3A_323 = arith.constant 16 : i32
    %swap3A_324 = arith.index_cast %swap3A_323 : i32 to index
    %swap3A_325 = memref.load %arg7[%swap3A_324] : memref<128xf32, #tpu.memory_space<smem>>
    memref.store %add3A_322, %arg7[%swap3A_324] : memref<128xf32, #tpu.memory_space<smem>>
    %get3A_326 = arith.constant 0 : i32
    %get3A_327 = arith.constant 17 : i32
    %get3A_328 = arith.index_cast %get3A_326 : i32 to index
    %get3A_329 = arith.index_cast %get3A_327 : i32 to index
    %get3A_330 = memref.load %arg5[%get3A_328, %get3A_329] : memref<1x128xf32, #tpu.memory_space<smem>>
    %mul3A_331 = arith.mulf %sub3A_7, %get3A_330 : f32
    %sub3A_332 = arith.constant 1.000000e+00 : f32
    %sub3A_333 = arith.subf %sub3A_332, %sub3A_7 : f32
    %get3A_334 = arith.constant 0 : i32
    %get3A_335 = arith.constant 17 : i32
    %get3A_336 = arith.index_cast %get3A_334 : i32 to index
    %get3A_337 = arith.index_cast %get3A_335 : i32 to index
    %get3A_338 = memref.load %arg6[%get3A_336, %get3A_337] : memref<1x128xf32, #tpu.memory_space<smem>>
    %mul3A_339 = arith.mulf %sub3A_333, %get3A_338 : f32
    %add3A_340 = arith.addf %mul3A_331, %mul3A_339 : f32
    %swap3A_341 = arith.constant 17 : i32
    %swap3A_342 = arith.index_cast %swap3A_341 : i32 to index
    %swap3A_343 = memref.load %arg7[%swap3A_342] : memref<128xf32, #tpu.memory_space<smem>>
    memref.store %add3A_340, %arg7[%swap3A_342] : memref<128xf32, #tpu.memory_space<smem>>
    %get3A_344 = arith.constant 0 : i32
    %get3A_345 = arith.constant 18 : i32
    %get3A_346 = arith.index_cast %get3A_344 : i32 to index
    %get3A_347 = arith.index_cast %get3A_345 : i32 to index
    %get3A_348 = memref.load %arg5[%get3A_346, %get3A_347] : memref<1x128xf32, #tpu.memory_space<smem>>
    %mul3A_349 = arith.mulf %sub3A_7, %get3A_348 : f32
    %sub3A_350 = arith.constant 1.000000e+00 : f32
    %sub3A_351 = arith.subf %sub3A_350, %sub3A_7 : f32
    %get3A_352 = arith.constant 0 : i32
    %get3A_353 = arith.constant 18 : i32
    %get3A_354 = arith.index_cast %get3A_352 : i32 to index
    %get3A_355 = arith.index_cast %get3A_353 : i32 to index
    %get3A_356 = memref.load %arg6[%get3A_354, %get3A_355] : memref<1x128xf32, #tpu.memory_space<smem>>
    %mul3A_357 = arith.mulf %sub3A_351, %get3A_356 : f32
    %add3A_358 = arith.addf %mul3A_349, %mul3A_357 : f32
    %swap3A_359 = arith.constant 18 : i32
    %swap3A_360 = arith.index_cast %swap3A_359 : i32 to index
    %swap3A_361 = memref.load %arg7[%swap3A_360] : memref<128xf32, #tpu.memory_space<smem>>
    memref.store %add3A_358, %arg7[%swap3A_360] : memref<128xf32, #tpu.memory_space<smem>>
    %get3A_362 = arith.constant 0 : i32
    %get3A_363 = arith.constant 19 : i32
    %get3A_364 = arith.index_cast %get3A_362 : i32 to index
    %get3A_365 = arith.index_cast %get3A_363 : i32 to index
    %get3A_366 = memref.load %arg5[%get3A_364, %get3A_365] : memref<1x128xf32, #tpu.memory_space<smem>>
    %mul3A_367 = arith.mulf %sub3A_7, %get3A_366 : f32
    %sub3A_368 = arith.constant 1.000000e+00 : f32
    %sub3A_369 = arith.subf %sub3A_368, %sub3A_7 : f32
    %get3A_370 = arith.constant 0 : i32
    %get3A_371 = arith.constant 19 : i32
    %get3A_372 = arith.index_cast %get3A_370 : i32 to index
    %get3A_373 = arith.index_cast %get3A_371 : i32 to index
    %get3A_374 = memref.load %arg6[%get3A_372, %get3A_373] : memref<1x128xf32, #tpu.memory_space<smem>>
    %mul3A_375 = arith.mulf %sub3A_369, %get3A_374 : f32
    %add3A_376 = arith.addf %mul3A_367, %mul3A_375 : f32
    %swap3A_377 = arith.constant 19 : i32
    %swap3A_378 = arith.index_cast %swap3A_377 : i32 to index
    %swap3A_379 = memref.load %arg7[%swap3A_378] : memref<128xf32, #tpu.memory_space<smem>>
    memref.store %add3A_376, %arg7[%swap3A_378] : memref<128xf32, #tpu.memory_space<smem>>
    %get3A_380 = arith.constant 0 : i32
    %get3A_381 = arith.constant 20 : i32
    %get3A_382 = arith.index_cast %get3A_380 : i32 to index
    %get3A_383 = arith.index_cast %get3A_381 : i32 to index
    %get3A_384 = memref.load %arg5[%get3A_382, %get3A_383] : memref<1x128xf32, #tpu.memory_space<smem>>
    %mul3A_385 = arith.mulf %sub3A_7, %get3A_384 : f32
    %sub3A_386 = arith.constant 1.000000e+00 : f32
    %sub3A_387 = arith.subf %sub3A_386, %sub3A_7 : f32
    %get3A_388 = arith.constant 0 : i32
    %get3A_389 = arith.constant 20 : i32
    %get3A_390 = arith.index_cast %get3A_388 : i32 to index
    %get3A_391 = arith.index_cast %get3A_389 : i32 to index
    %get3A_392 = memref.load %arg6[%get3A_390, %get3A_391] : memref<1x128xf32, #tpu.memory_space<smem>>
    %mul3A_393 = arith.mulf %sub3A_387, %get3A_392 : f32
    %add3A_394 = arith.addf %mul3A_385, %mul3A_393 : f32
    %swap3A_395 = arith.constant 20 : i32
    %swap3A_396 = arith.index_cast %swap3A_395 : i32 to index
    %swap3A_397 = memref.load %arg7[%swap3A_396] : memref<128xf32, #tpu.memory_space<smem>>
    memref.store %add3A_394, %arg7[%swap3A_396] : memref<128xf32, #tpu.memory_space<smem>>
    %get3A_398 = arith.constant 0 : i32
    %get3A_399 = arith.constant 21 : i32
    %get3A_400 = arith.index_cast %get3A_398 : i32 to index
    %get3A_401 = arith.index_cast %get3A_399 : i32 to index
    %get3A_402 = memref.load %arg5[%get3A_400, %get3A_401] : memref<1x128xf32, #tpu.memory_space<smem>>
    %mul3A_403 = arith.mulf %sub3A_7, %get3A_402 : f32
    %sub3A_404 = arith.constant 1.000000e+00 : f32
    %sub3A_405 = arith.subf %sub3A_404, %sub3A_7 : f32
    %get3A_406 = arith.constant 0 : i32
    %get3A_407 = arith.constant 21 : i32
    %get3A_408 = arith.index_cast %get3A_406 : i32 to index
    %get3A_409 = arith.index_cast %get3A_407 : i32 to index
    %get3A_410 = memref.load %arg6[%get3A_408, %get3A_409] : memref<1x128xf32, #tpu.memory_space<smem>>
    %mul3A_411 = arith.mulf %sub3A_405, %get3A_410 : f32
    %add3A_412 = arith.addf %mul3A_403, %mul3A_411 : f32
    %swap3A_413 = arith.constant 21 : i32
    %swap3A_414 = arith.index_cast %swap3A_413 : i32 to index
    %swap3A_415 = memref.load %arg7[%swap3A_414] : memref<128xf32, #tpu.memory_space<smem>>
    memref.store %add3A_412, %arg7[%swap3A_414] : memref<128xf32, #tpu.memory_space<smem>>
    %get3A_416 = arith.constant 0 : i32
    %get3A_417 = arith.constant 22 : i32
    %get3A_418 = arith.index_cast %get3A_416 : i32 to index
    %get3A_419 = arith.index_cast %get3A_417 : i32 to index
    %get3A_420 = memref.load %arg5[%get3A_418, %get3A_419] : memref<1x128xf32, #tpu.memory_space<smem>>
    %mul3A_421 = arith.mulf %sub3A_7, %get3A_420 : f32
    %sub3A_422 = arith.constant 1.000000e+00 : f32
    %sub3A_423 = arith.subf %sub3A_422, %sub3A_7 : f32
    %get3A_424 = arith.constant 0 : i32
    %get3A_425 = arith.constant 22 : i32
    %get3A_426 = arith.index_cast %get3A_424 : i32 to index
    %get3A_427 = arith.index_cast %get3A_425 : i32 to index
    %get3A_428 = memref.load %arg6[%get3A_426, %get3A_427] : memref<1x128xf32, #tpu.memory_space<smem>>
    %mul3A_429 = arith.mulf %sub3A_423, %get3A_428 : f32
    %add3A_430 = arith.addf %mul3A_421, %mul3A_429 : f32
    %swap3A_431 = arith.constant 22 : i32
    %swap3A_432 = arith.index_cast %swap3A_431 : i32 to index
    %swap3A_433 = memref.load %arg7[%swap3A_432] : memref<128xf32, #tpu.memory_space<smem>>
    memref.store %add3A_430, %arg7[%swap3A_432] : memref<128xf32, #tpu.memory_space<smem>>
    %get3A_434 = arith.constant 0 : i32
    %get3A_435 = arith.constant 23 : i32
    %get3A_436 = arith.index_cast %get3A_434 : i32 to index
    %get3A_437 = arith.index_cast %get3A_435 : i32 to index
    %get3A_438 = memref.load %arg5[%get3A_436, %get3A_437] : memref<1x128xf32, #tpu.memory_space<smem>>
    %mul3A_439 = arith.mulf %sub3A_7, %get3A_438 : f32
    %sub3A_440 = arith.constant 1.000000e+00 : f32
    %sub3A_441 = arith.subf %sub3A_440, %sub3A_7 : f32
    %get3A_442 = arith.constant 0 : i32
    %get3A_443 = arith.constant 23 : i32
    %get3A_444 = arith.index_cast %get3A_442 : i32 to index
    %get3A_445 = arith.index_cast %get3A_443 : i32 to index
    %get3A_446 = memref.load %arg6[%get3A_444, %get3A_445] : memref<1x128xf32, #tpu.memory_space<smem>>
    %mul3A_447 = arith.mulf %sub3A_441, %get3A_446 : f32
    %add3A_448 = arith.addf %mul3A_439, %mul3A_447 : f32
    %swap3A_449 = arith.constant 23 : i32
    %swap3A_450 = arith.index_cast %swap3A_449 : i32 to index
    %swap3A_451 = memref.load %arg7[%swap3A_450] : memref<128xf32, #tpu.memory_space<smem>>
    memref.store %add3A_448, %arg7[%swap3A_450] : memref<128xf32, #tpu.memory_space<smem>>
    %get3A_452 = arith.constant 0 : i32
    %get3A_453 = arith.constant 24 : i32
    %get3A_454 = arith.index_cast %get3A_452 : i32 to index
    %get3A_455 = arith.index_cast %get3A_453 : i32 to index
    %get3A_456 = memref.load %arg5[%get3A_454, %get3A_455] : memref<1x128xf32, #tpu.memory_space<smem>>
    %mul3A_457 = arith.mulf %sub3A_7, %get3A_456 : f32
    %sub3A_458 = arith.constant 1.000000e+00 : f32
    %sub3A_459 = arith.subf %sub3A_458, %sub3A_7 : f32
    %get3A_460 = arith.constant 0 : i32
    %get3A_461 = arith.constant 24 : i32
    %get3A_462 = arith.index_cast %get3A_460 : i32 to index
    %get3A_463 = arith.index_cast %get3A_461 : i32 to index
    %get3A_464 = memref.load %arg6[%get3A_462, %get3A_463] : memref<1x128xf32, #tpu.memory_space<smem>>
    %mul3A_465 = arith.mulf %sub3A_459, %get3A_464 : f32
    %add3A_466 = arith.addf %mul3A_457, %mul3A_465 : f32
    %swap3A_467 = arith.constant 24 : i32
    %swap3A_468 = arith.index_cast %swap3A_467 : i32 to index
    %swap3A_469 = memref.load %arg7[%swap3A_468] : memref<128xf32, #tpu.memory_space<smem>>
    memref.store %add3A_466, %arg7[%swap3A_468] : memref<128xf32, #tpu.memory_space<smem>>
    %get3A_470 = arith.constant 0 : i32
    %get3A_471 = arith.constant 25 : i32
    %get3A_472 = arith.index_cast %get3A_470 : i32 to index
    %get3A_473 = arith.index_cast %get3A_471 : i32 to index
    %get3A_474 = memref.load %arg5[%get3A_472, %get3A_473] : memref<1x128xf32, #tpu.memory_space<smem>>
    %mul3A_475 = arith.mulf %sub3A_7, %get3A_474 : f32
    %sub3A_476 = arith.constant 1.000000e+00 : f32
    %sub3A_477 = arith.subf %sub3A_476, %sub3A_7 : f32
    %get3A_478 = arith.constant 0 : i32
    %get3A_479 = arith.constant 25 : i32
    %get3A_480 = arith.index_cast %get3A_478 : i32 to index
    %get3A_481 = arith.index_cast %get3A_479 : i32 to index
    %get3A_482 = memref.load %arg6[%get3A_480, %get3A_481] : memref<1x128xf32, #tpu.memory_space<smem>>
    %mul3A_483 = arith.mulf %sub3A_477, %get3A_482 : f32
    %add3A_484 = arith.addf %mul3A_475, %mul3A_483 : f32
    %swap3A_485 = arith.constant 25 : i32
    %swap3A_486 = arith.index_cast %swap3A_485 : i32 to index
    %swap3A_487 = memref.load %arg7[%swap3A_486] : memref<128xf32, #tpu.memory_space<smem>>
    memref.store %add3A_484, %arg7[%swap3A_486] : memref<128xf32, #tpu.memory_space<smem>>
    %get3A_488 = arith.constant 0 : i32
    %get3A_489 = arith.constant 26 : i32
    %get3A_490 = arith.index_cast %get3A_488 : i32 to index
    %get3A_491 = arith.index_cast %get3A_489 : i32 to index
    %get3A_492 = memref.load %arg5[%get3A_490, %get3A_491] : memref<1x128xf32, #tpu.memory_space<smem>>
    %mul3A_493 = arith.mulf %sub3A_7, %get3A_492 : f32
    %sub3A_494 = arith.constant 1.000000e+00 : f32
    %sub3A_495 = arith.subf %sub3A_494, %sub3A_7 : f32
    %get3A_496 = arith.constant 0 : i32
    %get3A_497 = arith.constant 26 : i32
    %get3A_498 = arith.index_cast %get3A_496 : i32 to index
    %get3A_499 = arith.index_cast %get3A_497 : i32 to index
    %get3A_500 = memref.load %arg6[%get3A_498, %get3A_499] : memref<1x128xf32, #tpu.memory_space<smem>>
    %mul3A_501 = arith.mulf %sub3A_495, %get3A_500 : f32
    %add3A_502 = arith.addf %mul3A_493, %mul3A_501 : f32
    %swap3A_503 = arith.constant 26 : i32
    %swap3A_504 = arith.index_cast %swap3A_503 : i32 to index
    %swap3A_505 = memref.load %arg7[%swap3A_504] : memref<128xf32, #tpu.memory_space<smem>>
    memref.store %add3A_502, %arg7[%swap3A_504] : memref<128xf32, #tpu.memory_space<smem>>
    %get3A_506 = arith.constant 0 : i32
    %get3A_507 = arith.constant 27 : i32
    %get3A_508 = arith.index_cast %get3A_506 : i32 to index
    %get3A_509 = arith.index_cast %get3A_507 : i32 to index
    %get3A_510 = memref.load %arg5[%get3A_508, %get3A_509] : memref<1x128xf32, #tpu.memory_space<smem>>
    %mul3A_511 = arith.mulf %sub3A_7, %get3A_510 : f32
    %sub3A_512 = arith.constant 1.000000e+00 : f32
    %sub3A_513 = arith.subf %sub3A_512, %sub3A_7 : f32
    %get3A_514 = arith.constant 0 : i32
    %get3A_515 = arith.constant 27 : i32
    %get3A_516 = arith.index_cast %get3A_514 : i32 to index
    %get3A_517 = arith.index_cast %get3A_515 : i32 to index
    %get3A_518 = memref.load %arg6[%get3A_516, %get3A_517] : memref<1x128xf32, #tpu.memory_space<smem>>
    %mul3A_519 = arith.mulf %sub3A_513, %get3A_518 : f32
    %add3A_520 = arith.addf %mul3A_511, %mul3A_519 : f32
    %swap3A_521 = arith.constant 27 : i32
    %swap3A_522 = arith.index_cast %swap3A_521 : i32 to index
    %swap3A_523 = memref.load %arg7[%swap3A_522] : memref<128xf32, #tpu.memory_space<smem>>
    memref.store %add3A_520, %arg7[%swap3A_522] : memref<128xf32, #tpu.memory_space<smem>>
    %get3A_524 = arith.constant 0 : i32
    %get3A_525 = arith.constant 28 : i32
    %get3A_526 = arith.index_cast %get3A_524 : i32 to index
    %get3A_527 = arith.index_cast %get3A_525 : i32 to index
    %get3A_528 = memref.load %arg5[%get3A_526, %get3A_527] : memref<1x128xf32, #tpu.memory_space<smem>>
    %mul3A_529 = arith.mulf %sub3A_7, %get3A_528 : f32
    %sub3A_530 = arith.constant 1.000000e+00 : f32
    %sub3A_531 = arith.subf %sub3A_530, %sub3A_7 : f32
    %get3A_532 = arith.constant 0 : i32
    %get3A_533 = arith.constant 28 : i32
    %get3A_534 = arith.index_cast %get3A_532 : i32 to index
    %get3A_535 = arith.index_cast %get3A_533 : i32 to index
    %get3A_536 = memref.load %arg6[%get3A_534, %get3A_535] : memref<1x128xf32, #tpu.memory_space<smem>>
    %mul3A_537 = arith.mulf %sub3A_531, %get3A_536 : f32
    %add3A_538 = arith.addf %mul3A_529, %mul3A_537 : f32
    %swap3A_539 = arith.constant 28 : i32
    %swap3A_540 = arith.index_cast %swap3A_539 : i32 to index
    %swap3A_541 = memref.load %arg7[%swap3A_540] : memref<128xf32, #tpu.memory_space<smem>>
    memref.store %add3A_538, %arg7[%swap3A_540] : memref<128xf32, #tpu.memory_space<smem>>
    %get3A_542 = arith.constant 0 : i32
    %get3A_543 = arith.constant 29 : i32
    %get3A_544 = arith.index_cast %get3A_542 : i32 to index
    %get3A_545 = arith.index_cast %get3A_543 : i32 to index
    %get3A_546 = memref.load %arg5[%get3A_544, %get3A_545] : memref<1x128xf32, #tpu.memory_space<smem>>
    %mul3A_547 = arith.mulf %sub3A_7, %get3A_546 : f32
    %sub3A_548 = arith.constant 1.000000e+00 : f32
    %sub3A_549 = arith.subf %sub3A_548, %sub3A_7 : f32
    %get3A_550 = arith.constant 0 : i32
    %get3A_551 = arith.constant 29 : i32
    %get3A_552 = arith.index_cast %get3A_550 : i32 to index
    %get3A_553 = arith.index_cast %get3A_551 : i32 to index
    %get3A_554 = memref.load %arg6[%get3A_552, %get3A_553] : memref<1x128xf32, #tpu.memory_space<smem>>
    %mul3A_555 = arith.mulf %sub3A_549, %get3A_554 : f32
    %add3A_556 = arith.addf %mul3A_547, %mul3A_555 : f32
    %swap3A_557 = arith.constant 29 : i32
    %swap3A_558 = arith.index_cast %swap3A_557 : i32 to index
    %swap3A_559 = memref.load %arg7[%swap3A_558] : memref<128xf32, #tpu.memory_space<smem>>
    memref.store %add3A_556, %arg7[%swap3A_558] : memref<128xf32, #tpu.memory_space<smem>>
    %get3A_560 = arith.constant 0 : i32
    %get3A_561 = arith.constant 30 : i32
    %get3A_562 = arith.index_cast %get3A_560 : i32 to index
    %get3A_563 = arith.index_cast %get3A_561 : i32 to index
    %get3A_564 = memref.load %arg5[%get3A_562, %get3A_563] : memref<1x128xf32, #tpu.memory_space<smem>>
    %mul3A_565 = arith.mulf %sub3A_7, %get3A_564 : f32
    %sub3A_566 = arith.constant 1.000000e+00 : f32
    %sub3A_567 = arith.subf %sub3A_566, %sub3A_7 : f32
    %get3A_568 = arith.constant 0 : i32
    %get3A_569 = arith.constant 30 : i32
    %get3A_570 = arith.index_cast %get3A_568 : i32 to index
    %get3A_571 = arith.index_cast %get3A_569 : i32 to index
    %get3A_572 = memref.load %arg6[%get3A_570, %get3A_571] : memref<1x128xf32, #tpu.memory_space<smem>>
    %mul3A_573 = arith.mulf %sub3A_567, %get3A_572 : f32
    %add3A_574 = arith.addf %mul3A_565, %mul3A_573 : f32
    %swap3A_575 = arith.constant 30 : i32
    %swap3A_576 = arith.index_cast %swap3A_575 : i32 to index
    %swap3A_577 = memref.load %arg7[%swap3A_576] : memref<128xf32, #tpu.memory_space<smem>>
    memref.store %add3A_574, %arg7[%swap3A_576] : memref<128xf32, #tpu.memory_space<smem>>
    %get3A_578 = arith.constant 0 : i32
    %get3A_579 = arith.constant 31 : i32
    %get3A_580 = arith.index_cast %get3A_578 : i32 to index
    %get3A_581 = arith.index_cast %get3A_579 : i32 to index
    %get3A_582 = memref.load %arg5[%get3A_580, %get3A_581] : memref<1x128xf32, #tpu.memory_space<smem>>
    %mul3A_583 = arith.mulf %sub3A_7, %get3A_582 : f32
    %sub3A_584 = arith.constant 1.000000e+00 : f32
    %sub3A_585 = arith.subf %sub3A_584, %sub3A_7 : f32
    %get3A_586 = arith.constant 0 : i32
    %get3A_587 = arith.constant 31 : i32
    %get3A_588 = arith.index_cast %get3A_586 : i32 to index
    %get3A_589 = arith.index_cast %get3A_587 : i32 to index
    %get3A_590 = memref.load %arg6[%get3A_588, %get3A_589] : memref<1x128xf32, #tpu.memory_space<smem>>
    %mul3A_591 = arith.mulf %sub3A_585, %get3A_590 : f32
    %add3A_592 = arith.addf %mul3A_583, %mul3A_591 : f32
    %swap3A_593 = arith.constant 31 : i32
    %swap3A_594 = arith.index_cast %swap3A_593 : i32 to index
    %swap3A_595 = memref.load %arg7[%swap3A_594] : memref<128xf32, #tpu.memory_space<smem>>
    memref.store %add3A_592, %arg7[%swap3A_594] : memref<128xf32, #tpu.memory_space<smem>>
    %get3A_596 = arith.constant 0 : i32
    %get3A_597 = arith.constant 32 : i32
    %get3A_598 = arith.index_cast %get3A_596 : i32 to index
    %get3A_599 = arith.index_cast %get3A_597 : i32 to index
    %get3A_600 = memref.load %arg5[%get3A_598, %get3A_599] : memref<1x128xf32, #tpu.memory_space<smem>>
    %mul3A_601 = arith.mulf %sub3A_7, %get3A_600 : f32
    %sub3A_602 = arith.constant 1.000000e+00 : f32
    %sub3A_603 = arith.subf %sub3A_602, %sub3A_7 : f32
    %get3A_604 = arith.constant 0 : i32
    %get3A_605 = arith.constant 32 : i32
    %get3A_606 = arith.index_cast %get3A_604 : i32 to index
    %get3A_607 = arith.index_cast %get3A_605 : i32 to index
    %get3A_608 = memref.load %arg6[%get3A_606, %get3A_607] : memref<1x128xf32, #tpu.memory_space<smem>>
    %mul3A_609 = arith.mulf %sub3A_603, %get3A_608 : f32
    %add3A_610 = arith.addf %mul3A_601, %mul3A_609 : f32
    %swap3A_611 = arith.constant 32 : i32
    %swap3A_612 = arith.index_cast %swap3A_611 : i32 to index
    %swap3A_613 = memref.load %arg7[%swap3A_612] : memref<128xf32, #tpu.memory_space<smem>>
    memref.store %add3A_610, %arg7[%swap3A_612] : memref<128xf32, #tpu.memory_space<smem>>
    %get3A_614 = arith.constant 0 : i32
    %get3A_615 = arith.constant 33 : i32
    %get3A_616 = arith.index_cast %get3A_614 : i32 to index
    %get3A_617 = arith.index_cast %get3A_615 : i32 to index
    %get3A_618 = memref.load %arg5[%get3A_616, %get3A_617] : memref<1x128xf32, #tpu.memory_space<smem>>
    %mul3A_619 = arith.mulf %sub3A_7, %get3A_618 : f32
    %sub3A_620 = arith.constant 1.000000e+00 : f32
    %sub3A_621 = arith.subf %sub3A_620, %sub3A_7 : f32
    %get3A_622 = arith.constant 0 : i32
    %get3A_623 = arith.constant 33 : i32
    %get3A_624 = arith.index_cast %get3A_622 : i32 to index
    %get3A_625 = arith.index_cast %get3A_623 : i32 to index
    %get3A_626 = memref.load %arg6[%get3A_624, %get3A_625] : memref<1x128xf32, #tpu.memory_space<smem>>
    %mul3A_627 = arith.mulf %sub3A_621, %get3A_626 : f32
    %add3A_628 = arith.addf %mul3A_619, %mul3A_627 : f32
    %swap3A_629 = arith.constant 33 : i32
    %swap3A_630 = arith.index_cast %swap3A_629 : i32 to index
    %swap3A_631 = memref.load %arg7[%swap3A_630] : memref<128xf32, #tpu.memory_space<smem>>
    memref.store %add3A_628, %arg7[%swap3A_630] : memref<128xf32, #tpu.memory_space<smem>>
    %get3A_632 = arith.constant 0 : i32
    %get3A_633 = arith.constant 34 : i32
    %get3A_634 = arith.index_cast %get3A_632 : i32 to index
    %get3A_635 = arith.index_cast %get3A_633 : i32 to index
    %get3A_636 = memref.load %arg5[%get3A_634, %get3A_635] : memref<1x128xf32, #tpu.memory_space<smem>>
    %mul3A_637 = arith.mulf %sub3A_7, %get3A_636 : f32
    %sub3A_638 = arith.constant 1.000000e+00 : f32
    %sub3A_639 = arith.subf %sub3A_638, %sub3A_7 : f32
    %get3A_640 = arith.constant 0 : i32
    %get3A_641 = arith.constant 34 : i32
    %get3A_642 = arith.index_cast %get3A_640 : i32 to index
    %get3A_643 = arith.index_cast %get3A_641 : i32 to index
    %get3A_644 = memref.load %arg6[%get3A_642, %get3A_643] : memref<1x128xf32, #tpu.memory_space<smem>>
    %mul3A_645 = arith.mulf %sub3A_639, %get3A_644 : f32
    %add3A_646 = arith.addf %mul3A_637, %mul3A_645 : f32
    %swap3A_647 = arith.constant 34 : i32
    %swap3A_648 = arith.index_cast %swap3A_647 : i32 to index
    %swap3A_649 = memref.load %arg7[%swap3A_648] : memref<128xf32, #tpu.memory_space<smem>>
    memref.store %add3A_646, %arg7[%swap3A_648] : memref<128xf32, #tpu.memory_space<smem>>
    %get3A_650 = arith.constant 0 : i32
    %get3A_651 = arith.constant 35 : i32
    %get3A_652 = arith.index_cast %get3A_650 : i32 to index
    %get3A_653 = arith.index_cast %get3A_651 : i32 to index
    %get3A_654 = memref.load %arg5[%get3A_652, %get3A_653] : memref<1x128xf32, #tpu.memory_space<smem>>
    %mul3A_655 = arith.mulf %sub3A_7, %get3A_654 : f32
    %sub3A_656 = arith.constant 1.000000e+00 : f32
    %sub3A_657 = arith.subf %sub3A_656, %sub3A_7 : f32
    %get3A_658 = arith.constant 0 : i32
    %get3A_659 = arith.constant 35 : i32
    %get3A_660 = arith.index_cast %get3A_658 : i32 to index
    %get3A_661 = arith.index_cast %get3A_659 : i32 to index
    %get3A_662 = memref.load %arg6[%get3A_660, %get3A_661] : memref<1x128xf32, #tpu.memory_space<smem>>
    %mul3A_663 = arith.mulf %sub3A_657, %get3A_662 : f32
    %add3A_664 = arith.addf %mul3A_655, %mul3A_663 : f32
    %swap3A_665 = arith.constant 35 : i32
    %swap3A_666 = arith.index_cast %swap3A_665 : i32 to index
    %swap3A_667 = memref.load %arg7[%swap3A_666] : memref<128xf32, #tpu.memory_space<smem>>
    memref.store %add3A_664, %arg7[%swap3A_666] : memref<128xf32, #tpu.memory_space<smem>>
    %get3A_668 = arith.constant 0 : i32
    %get3A_669 = arith.constant 36 : i32
    %get3A_670 = arith.index_cast %get3A_668 : i32 to index
    %get3A_671 = arith.index_cast %get3A_669 : i32 to index
    %get3A_672 = memref.load %arg5[%get3A_670, %get3A_671] : memref<1x128xf32, #tpu.memory_space<smem>>
    %mul3A_673 = arith.mulf %sub3A_7, %get3A_672 : f32
    %sub3A_674 = arith.constant 1.000000e+00 : f32
    %sub3A_675 = arith.subf %sub3A_674, %sub3A_7 : f32
    %get3A_676 = arith.constant 0 : i32
    %get3A_677 = arith.constant 36 : i32
    %get3A_678 = arith.index_cast %get3A_676 : i32 to index
    %get3A_679 = arith.index_cast %get3A_677 : i32 to index
    %get3A_680 = memref.load %arg6[%get3A_678, %get3A_679] : memref<1x128xf32, #tpu.memory_space<smem>>
    %mul3A_681 = arith.mulf %sub3A_675, %get3A_680 : f32
    %add3A_682 = arith.addf %mul3A_673, %mul3A_681 : f32
    %swap3A_683 = arith.constant 36 : i32
    %swap3A_684 = arith.index_cast %swap3A_683 : i32 to index
    %swap3A_685 = memref.load %arg7[%swap3A_684] : memref<128xf32, #tpu.memory_space<smem>>
    memref.store %add3A_682, %arg7[%swap3A_684] : memref<128xf32, #tpu.memory_space<smem>>
    %get3A_686 = arith.constant 0 : i32
    %get3A_687 = arith.constant 37 : i32
    %get3A_688 = arith.index_cast %get3A_686 : i32 to index
    %get3A_689 = arith.index_cast %get3A_687 : i32 to index
    %get3A_690 = memref.load %arg5[%get3A_688, %get3A_689] : memref<1x128xf32, #tpu.memory_space<smem>>
    %mul3A_691 = arith.mulf %sub3A_7, %get3A_690 : f32
    %sub3A_692 = arith.constant 1.000000e+00 : f32
    %sub3A_693 = arith.subf %sub3A_692, %sub3A_7 : f32
    %get3A_694 = arith.constant 0 : i32
    %get3A_695 = arith.constant 37 : i32
    %get3A_696 = arith.index_cast %get3A_694 : i32 to index
    %get3A_697 = arith.index_cast %get3A_695 : i32 to index
    %get3A_698 = memref.load %arg6[%get3A_696, %get3A_697] : memref<1x128xf32, #tpu.memory_space<smem>>
    %mul3A_699 = arith.mulf %sub3A_693, %get3A_698 : f32
    %add3A_700 = arith.addf %mul3A_691, %mul3A_699 : f32
    %swap3A_701 = arith.constant 37 : i32
    %swap3A_702 = arith.index_cast %swap3A_701 : i32 to index
    %swap3A_703 = memref.load %arg7[%swap3A_702] : memref<128xf32, #tpu.memory_space<smem>>
    memref.store %add3A_700, %arg7[%swap3A_702] : memref<128xf32, #tpu.memory_space<smem>>
    %get3A_704 = arith.constant 0 : i32
    %get3A_705 = arith.constant 38 : i32
    %get3A_706 = arith.index_cast %get3A_704 : i32 to index
    %get3A_707 = arith.index_cast %get3A_705 : i32 to index
    %get3A_708 = memref.load %arg5[%get3A_706, %get3A_707] : memref<1x128xf32, #tpu.memory_space<smem>>
    %mul3A_709 = arith.mulf %sub3A_7, %get3A_708 : f32
    %sub3A_710 = arith.constant 1.000000e+00 : f32
    %sub3A_711 = arith.subf %sub3A_710, %sub3A_7 : f32
    %get3A_712 = arith.constant 0 : i32
    %get3A_713 = arith.constant 38 : i32
    %get3A_714 = arith.index_cast %get3A_712 : i32 to index
    %get3A_715 = arith.index_cast %get3A_713 : i32 to index
    %get3A_716 = memref.load %arg6[%get3A_714, %get3A_715] : memref<1x128xf32, #tpu.memory_space<smem>>
    %mul3A_717 = arith.mulf %sub3A_711, %get3A_716 : f32
    %add3A_718 = arith.addf %mul3A_709, %mul3A_717 : f32
    %swap3A_719 = arith.constant 38 : i32
    %swap3A_720 = arith.index_cast %swap3A_719 : i32 to index
    %swap3A_721 = memref.load %arg7[%swap3A_720] : memref<128xf32, #tpu.memory_space<smem>>
    memref.store %add3A_718, %arg7[%swap3A_720] : memref<128xf32, #tpu.memory_space<smem>>
    %get3A_722 = arith.constant 0 : i32
    %get3A_723 = arith.constant 39 : i32
    %get3A_724 = arith.index_cast %get3A_722 : i32 to index
    %get3A_725 = arith.index_cast %get3A_723 : i32 to index
    %get3A_726 = memref.load %arg5[%get3A_724, %get3A_725] : memref<1x128xf32, #tpu.memory_space<smem>>
    %mul3A_727 = arith.mulf %sub3A_7, %get3A_726 : f32
    %sub3A_728 = arith.constant 1.000000e+00 : f32
    %sub3A_729 = arith.subf %sub3A_728, %sub3A_7 : f32
    %get3A_730 = arith.constant 0 : i32
    %get3A_731 = arith.constant 39 : i32
    %get3A_732 = arith.index_cast %get3A_730 : i32 to index
    %get3A_733 = arith.index_cast %get3A_731 : i32 to index
    %get3A_734 = memref.load %arg6[%get3A_732, %get3A_733] : memref<1x128xf32, #tpu.memory_space<smem>>
    %mul3A_735 = arith.mulf %sub3A_729, %get3A_734 : f32
    %add3A_736 = arith.addf %mul3A_727, %mul3A_735 : f32
    %swap3A_737 = arith.constant 39 : i32
    %swap3A_738 = arith.index_cast %swap3A_737 : i32 to index
    %swap3A_739 = memref.load %arg7[%swap3A_738] : memref<128xf32, #tpu.memory_space<smem>>
    memref.store %add3A_736, %arg7[%swap3A_738] : memref<128xf32, #tpu.memory_space<smem>>
    %get3A_740 = arith.constant 0 : i32
    %get3A_741 = arith.constant 40 : i32
    %get3A_742 = arith.index_cast %get3A_740 : i32 to index
    %get3A_743 = arith.index_cast %get3A_741 : i32 to index
    %get3A_744 = memref.load %arg5[%get3A_742, %get3A_743] : memref<1x128xf32, #tpu.memory_space<smem>>
    %mul3A_745 = arith.mulf %sub3A_7, %get3A_744 : f32
    %sub3A_746 = arith.constant 1.000000e+00 : f32
    %sub3A_747 = arith.subf %sub3A_746, %sub3A_7 : f32
    %get3A_748 = arith.constant 0 : i32
    %get3A_749 = arith.constant 40 : i32
    %get3A_750 = arith.index_cast %get3A_748 : i32 to index
    %get3A_751 = arith.index_cast %get3A_749 : i32 to index
    %get3A_752 = memref.load %arg6[%get3A_750, %get3A_751] : memref<1x128xf32, #tpu.memory_space<smem>>
    %mul3A_753 = arith.mulf %sub3A_747, %get3A_752 : f32
    %add3A_754 = arith.addf %mul3A_745, %mul3A_753 : f32
    %swap3A_755 = arith.constant 40 : i32
    %swap3A_756 = arith.index_cast %swap3A_755 : i32 to index
    %swap3A_757 = memref.load %arg7[%swap3A_756] : memref<128xf32, #tpu.memory_space<smem>>
    memref.store %add3A_754, %arg7[%swap3A_756] : memref<128xf32, #tpu.memory_space<smem>>
    %get3A_758 = arith.constant 0 : i32
    %get3A_759 = arith.constant 41 : i32
    %get3A_760 = arith.index_cast %get3A_758 : i32 to index
    %get3A_761 = arith.index_cast %get3A_759 : i32 to index
    %get3A_762 = memref.load %arg5[%get3A_760, %get3A_761] : memref<1x128xf32, #tpu.memory_space<smem>>
    %mul3A_763 = arith.mulf %sub3A_7, %get3A_762 : f32
    %sub3A_764 = arith.constant 1.000000e+00 : f32
    %sub3A_765 = arith.subf %sub3A_764, %sub3A_7 : f32
    %get3A_766 = arith.constant 0 : i32
    %get3A_767 = arith.constant 41 : i32
    %get3A_768 = arith.index_cast %get3A_766 : i32 to index
    %get3A_769 = arith.index_cast %get3A_767 : i32 to index
    %get3A_770 = memref.load %arg6[%get3A_768, %get3A_769] : memref<1x128xf32, #tpu.memory_space<smem>>
    %mul3A_771 = arith.mulf %sub3A_765, %get3A_770 : f32
    %add3A_772 = arith.addf %mul3A_763, %mul3A_771 : f32
    %swap3A_773 = arith.constant 41 : i32
    %swap3A_774 = arith.index_cast %swap3A_773 : i32 to index
    %swap3A_775 = memref.load %arg7[%swap3A_774] : memref<128xf32, #tpu.memory_space<smem>>
    memref.store %add3A_772, %arg7[%swap3A_774] : memref<128xf32, #tpu.memory_space<smem>>
    %get3A_776 = arith.constant 0 : i32
    %get3A_777 = arith.constant 42 : i32
    %get3A_778 = arith.index_cast %get3A_776 : i32 to index
    %get3A_779 = arith.index_cast %get3A_777 : i32 to index
    %get3A_780 = memref.load %arg5[%get3A_778, %get3A_779] : memref<1x128xf32, #tpu.memory_space<smem>>
    %mul3A_781 = arith.mulf %sub3A_7, %get3A_780 : f32
    %sub3A_782 = arith.constant 1.000000e+00 : f32
    %sub3A_783 = arith.subf %sub3A_782, %sub3A_7 : f32
    %get3A_784 = arith.constant 0 : i32
    %get3A_785 = arith.constant 42 : i32
    %get3A_786 = arith.index_cast %get3A_784 : i32 to index
    %get3A_787 = arith.index_cast %get3A_785 : i32 to index
    %get3A_788 = memref.load %arg6[%get3A_786, %get3A_787] : memref<1x128xf32, #tpu.memory_space<smem>>
    %mul3A_789 = arith.mulf %sub3A_783, %get3A_788 : f32
    %add3A_790 = arith.addf %mul3A_781, %mul3A_789 : f32
    %swap3A_791 = arith.constant 42 : i32
    %swap3A_792 = arith.index_cast %swap3A_791 : i32 to index
    %swap3A_793 = memref.load %arg7[%swap3A_792] : memref<128xf32, #tpu.memory_space<smem>>
    memref.store %add3A_790, %arg7[%swap3A_792] : memref<128xf32, #tpu.memory_space<smem>>
    %get3A_794 = arith.constant 0 : i32
    %get3A_795 = arith.constant 43 : i32
    %get3A_796 = arith.index_cast %get3A_794 : i32 to index
    %get3A_797 = arith.index_cast %get3A_795 : i32 to index
    %get3A_798 = memref.load %arg5[%get3A_796, %get3A_797] : memref<1x128xf32, #tpu.memory_space<smem>>
    %mul3A_799 = arith.mulf %sub3A_7, %get3A_798 : f32
    %sub3A_800 = arith.constant 1.000000e+00 : f32
    %sub3A_801 = arith.subf %sub3A_800, %sub3A_7 : f32
    %get3A_802 = arith.constant 0 : i32
    %get3A_803 = arith.constant 43 : i32
    %get3A_804 = arith.index_cast %get3A_802 : i32 to index
    %get3A_805 = arith.index_cast %get3A_803 : i32 to index
    %get3A_806 = memref.load %arg6[%get3A_804, %get3A_805] : memref<1x128xf32, #tpu.memory_space<smem>>
    %mul3A_807 = arith.mulf %sub3A_801, %get3A_806 : f32
    %add3A_808 = arith.addf %mul3A_799, %mul3A_807 : f32
    %swap3A_809 = arith.constant 43 : i32
    %swap3A_810 = arith.index_cast %swap3A_809 : i32 to index
    %swap3A_811 = memref.load %arg7[%swap3A_810] : memref<128xf32, #tpu.memory_space<smem>>
    memref.store %add3A_808, %arg7[%swap3A_810] : memref<128xf32, #tpu.memory_space<smem>>
    %get3A_812 = arith.constant 0 : i32
    %get3A_813 = arith.constant 44 : i32
    %get3A_814 = arith.index_cast %get3A_812 : i32 to index
    %get3A_815 = arith.index_cast %get3A_813 : i32 to index
    %get3A_816 = memref.load %arg5[%get3A_814, %get3A_815] : memref<1x128xf32, #tpu.memory_space<smem>>
    %mul3A_817 = arith.mulf %sub3A_7, %get3A_816 : f32
    %sub3A_818 = arith.constant 1.000000e+00 : f32
    %sub3A_819 = arith.subf %sub3A_818, %sub3A_7 : f32
    %get3A_820 = arith.constant 0 : i32
    %get3A_821 = arith.constant 44 : i32
    %get3A_822 = arith.index_cast %get3A_820 : i32 to index
    %get3A_823 = arith.index_cast %get3A_821 : i32 to index
    %get3A_824 = memref.load %arg6[%get3A_822, %get3A_823] : memref<1x128xf32, #tpu.memory_space<smem>>
    %mul3A_825 = arith.mulf %sub3A_819, %get3A_824 : f32
    %add3A_826 = arith.addf %mul3A_817, %mul3A_825 : f32
    %swap3A_827 = arith.constant 44 : i32
    %swap3A_828 = arith.index_cast %swap3A_827 : i32 to index
    %swap3A_829 = memref.load %arg7[%swap3A_828] : memref<128xf32, #tpu.memory_space<smem>>
    memref.store %add3A_826, %arg7[%swap3A_828] : memref<128xf32, #tpu.memory_space<smem>>
    %get3A_830 = arith.constant 0 : i32
    %get3A_831 = arith.constant 45 : i32
    %get3A_832 = arith.index_cast %get3A_830 : i32 to index
    %get3A_833 = arith.index_cast %get3A_831 : i32 to index
    %get3A_834 = memref.load %arg5[%get3A_832, %get3A_833] : memref<1x128xf32, #tpu.memory_space<smem>>
    %mul3A_835 = arith.mulf %sub3A_7, %get3A_834 : f32
    %sub3A_836 = arith.constant 1.000000e+00 : f32
    %sub3A_837 = arith.subf %sub3A_836, %sub3A_7 : f32
    %get3A_838 = arith.constant 0 : i32
    %get3A_839 = arith.constant 45 : i32
    %get3A_840 = arith.index_cast %get3A_838 : i32 to index
    %get3A_841 = arith.index_cast %get3A_839 : i32 to index
    %get3A_842 = memref.load %arg6[%get3A_840, %get3A_841] : memref<1x128xf32, #tpu.memory_space<smem>>
    %mul3A_843 = arith.mulf %sub3A_837, %get3A_842 : f32
    %add3A_844 = arith.addf %mul3A_835, %mul3A_843 : f32
    %swap3A_845 = arith.constant 45 : i32
    %swap3A_846 = arith.index_cast %swap3A_845 : i32 to index
    %swap3A_847 = memref.load %arg7[%swap3A_846] : memref<128xf32, #tpu.memory_space<smem>>
    memref.store %add3A_844, %arg7[%swap3A_846] : memref<128xf32, #tpu.memory_space<smem>>
    %get3A_848 = arith.constant 0 : i32
    %get3A_849 = arith.constant 46 : i32
    %get3A_850 = arith.index_cast %get3A_848 : i32 to index
    %get3A_851 = arith.index_cast %get3A_849 : i32 to index
    %get3A_852 = memref.load %arg5[%get3A_850, %get3A_851] : memref<1x128xf32, #tpu.memory_space<smem>>
    %mul3A_853 = arith.mulf %sub3A_7, %get3A_852 : f32
    %sub3A_854 = arith.constant 1.000000e+00 : f32
    %sub3A_855 = arith.subf %sub3A_854, %sub3A_7 : f32
    %get3A_856 = arith.constant 0 : i32
    %get3A_857 = arith.constant 46 : i32
    %get3A_858 = arith.index_cast %get3A_856 : i32 to index
    %get3A_859 = arith.index_cast %get3A_857 : i32 to index
    %get3A_860 = memref.load %arg6[%get3A_858, %get3A_859] : memref<1x128xf32, #tpu.memory_space<smem>>
    %mul3A_861 = arith.mulf %sub3A_855, %get3A_860 : f32
    %add3A_862 = arith.addf %mul3A_853, %mul3A_861 : f32
    %swap3A_863 = arith.constant 46 : i32
    %swap3A_864 = arith.index_cast %swap3A_863 : i32 to index
    %swap3A_865 = memref.load %arg7[%swap3A_864] : memref<128xf32, #tpu.memory_space<smem>>
    memref.store %add3A_862, %arg7[%swap3A_864] : memref<128xf32, #tpu.memory_space<smem>>
    %get3A_866 = arith.constant 0 : i32
    %get3A_867 = arith.constant 47 : i32
    %get3A_868 = arith.index_cast %get3A_866 : i32 to index
    %get3A_869 = arith.index_cast %get3A_867 : i32 to index
    %get3A_870 = memref.load %arg5[%get3A_868, %get3A_869] : memref<1x128xf32, #tpu.memory_space<smem>>
    %mul3A_871 = arith.mulf %sub3A_7, %get3A_870 : f32
    %sub3A_872 = arith.constant 1.000000e+00 : f32
    %sub3A_873 = arith.subf %sub3A_872, %sub3A_7 : f32
    %get3A_874 = arith.constant 0 : i32
    %get3A_875 = arith.constant 47 : i32
    %get3A_876 = arith.index_cast %get3A_874 : i32 to index
    %get3A_877 = arith.index_cast %get3A_875 : i32 to index
    %get3A_878 = memref.load %arg6[%get3A_876, %get3A_877] : memref<1x128xf32, #tpu.memory_space<smem>>
    %mul3A_879 = arith.mulf %sub3A_873, %get3A_878 : f32
    %add3A_880 = arith.addf %mul3A_871, %mul3A_879 : f32
    %swap3A_881 = arith.constant 47 : i32
    %swap3A_882 = arith.index_cast %swap3A_881 : i32 to index
    %swap3A_883 = memref.load %arg7[%swap3A_882] : memref<128xf32, #tpu.memory_space<smem>>
    memref.store %add3A_880, %arg7[%swap3A_882] : memref<128xf32, #tpu.memory_space<smem>>
    %get3A_884 = arith.constant 0 : i32
    %get3A_885 = arith.constant 48 : i32
    %get3A_886 = arith.index_cast %get3A_884 : i32 to index
    %get3A_887 = arith.index_cast %get3A_885 : i32 to index
    %get3A_888 = memref.load %arg5[%get3A_886, %get3A_887] : memref<1x128xf32, #tpu.memory_space<smem>>
    %mul3A_889 = arith.mulf %sub3A_7, %get3A_888 : f32
    %sub3A_890 = arith.constant 1.000000e+00 : f32
    %sub3A_891 = arith.subf %sub3A_890, %sub3A_7 : f32
    %get3A_892 = arith.constant 0 : i32
    %get3A_893 = arith.constant 48 : i32
    %get3A_894 = arith.index_cast %get3A_892 : i32 to index
    %get3A_895 = arith.index_cast %get3A_893 : i32 to index
    %get3A_896 = memref.load %arg6[%get3A_894, %get3A_895] : memref<1x128xf32, #tpu.memory_space<smem>>
    %mul3A_897 = arith.mulf %sub3A_891, %get3A_896 : f32
    %add3A_898 = arith.addf %mul3A_889, %mul3A_897 : f32
    %swap3A_899 = arith.constant 48 : i32
    %swap3A_900 = arith.index_cast %swap3A_899 : i32 to index
    %swap3A_901 = memref.load %arg7[%swap3A_900] : memref<128xf32, #tpu.memory_space<smem>>
    memref.store %add3A_898, %arg7[%swap3A_900] : memref<128xf32, #tpu.memory_space<smem>>
    %get3A_902 = arith.constant 0 : i32
    %get3A_903 = arith.constant 49 : i32
    %get3A_904 = arith.index_cast %get3A_902 : i32 to index
    %get3A_905 = arith.index_cast %get3A_903 : i32 to index
    %get3A_906 = memref.load %arg5[%get3A_904, %get3A_905] : memref<1x128xf32, #tpu.memory_space<smem>>
    %mul3A_907 = arith.mulf %sub3A_7, %get3A_906 : f32
    %sub3A_908 = arith.constant 1.000000e+00 : f32
    %sub3A_909 = arith.subf %sub3A_908, %sub3A_7 : f32
    %get3A_910 = arith.constant 0 : i32
    %get3A_911 = arith.constant 49 : i32
    %get3A_912 = arith.index_cast %get3A_910 : i32 to index
    %get3A_913 = arith.index_cast %get3A_911 : i32 to index
    %get3A_914 = memref.load %arg6[%get3A_912, %get3A_913] : memref<1x128xf32, #tpu.memory_space<smem>>
    %mul3A_915 = arith.mulf %sub3A_909, %get3A_914 : f32
    %add3A_916 = arith.addf %mul3A_907, %mul3A_915 : f32
    %swap3A_917 = arith.constant 49 : i32
    %swap3A_918 = arith.index_cast %swap3A_917 : i32 to index
    %swap3A_919 = memref.load %arg7[%swap3A_918] : memref<128xf32, #tpu.memory_space<smem>>
    memref.store %add3A_916, %arg7[%swap3A_918] : memref<128xf32, #tpu.memory_space<smem>>
    %get3A_920 = arith.constant 0 : i32
    %get3A_921 = arith.constant 50 : i32
    %get3A_922 = arith.index_cast %get3A_920 : i32 to index
    %get3A_923 = arith.index_cast %get3A_921 : i32 to index
    %get3A_924 = memref.load %arg5[%get3A_922, %get3A_923] : memref<1x128xf32, #tpu.memory_space<smem>>
    %mul3A_925 = arith.mulf %sub3A_7, %get3A_924 : f32
    %sub3A_926 = arith.constant 1.000000e+00 : f32
    %sub3A_927 = arith.subf %sub3A_926, %sub3A_7 : f32
    %get3A_928 = arith.constant 0 : i32
    %get3A_929 = arith.constant 50 : i32
    %get3A_930 = arith.index_cast %get3A_928 : i32 to index
    %get3A_931 = arith.index_cast %get3A_929 : i32 to index
    %get3A_932 = memref.load %arg6[%get3A_930, %get3A_931] : memref<1x128xf32, #tpu.memory_space<smem>>
    %mul3A_933 = arith.mulf %sub3A_927, %get3A_932 : f32
    %add3A_934 = arith.addf %mul3A_925, %mul3A_933 : f32
    %swap3A_935 = arith.constant 50 : i32
    %swap3A_936 = arith.index_cast %swap3A_935 : i32 to index
    %swap3A_937 = memref.load %arg7[%swap3A_936] : memref<128xf32, #tpu.memory_space<smem>>
    memref.store %add3A_934, %arg7[%swap3A_936] : memref<128xf32, #tpu.memory_space<smem>>
    %get3A_938 = arith.constant 0 : i32
    %get3A_939 = arith.constant 51 : i32
    %get3A_940 = arith.index_cast %get3A_938 : i32 to index
    %get3A_941 = arith.index_cast %get3A_939 : i32 to index
    %get3A_942 = memref.load %arg5[%get3A_940, %get3A_941] : memref<1x128xf32, #tpu.memory_space<smem>>
    %mul3A_943 = arith.mulf %sub3A_7, %get3A_942 : f32
    %sub3A_944 = arith.constant 1.000000e+00 : f32
    %sub3A_945 = arith.subf %sub3A_944, %sub3A_7 : f32
    %get3A_946 = arith.constant 0 : i32
    %get3A_947 = arith.constant 51 : i32
    %get3A_948 = arith.index_cast %get3A_946 : i32 to index
    %get3A_949 = arith.index_cast %get3A_947 : i32 to index
    %get3A_950 = memref.load %arg6[%get3A_948, %get3A_949] : memref<1x128xf32, #tpu.memory_space<smem>>
    %mul3A_951 = arith.mulf %sub3A_945, %get3A_950 : f32
    %add3A_952 = arith.addf %mul3A_943, %mul3A_951 : f32
    %swap3A_953 = arith.constant 51 : i32
    %swap3A_954 = arith.index_cast %swap3A_953 : i32 to index
    %swap3A_955 = memref.load %arg7[%swap3A_954] : memref<128xf32, #tpu.memory_space<smem>>
    memref.store %add3A_952, %arg7[%swap3A_954] : memref<128xf32, #tpu.memory_space<smem>>
    %get3A_956 = arith.constant 0 : i32
    %get3A_957 = arith.constant 52 : i32
    %get3A_958 = arith.index_cast %get3A_956 : i32 to index
    %get3A_959 = arith.index_cast %get3A_957 : i32 to index
    %get3A_960 = memref.load %arg5[%get3A_958, %get3A_959] : memref<1x128xf32, #tpu.memory_space<smem>>
    %mul3A_961 = arith.mulf %sub3A_7, %get3A_960 : f32
    %sub3A_962 = arith.constant 1.000000e+00 : f32
    %sub3A_963 = arith.subf %sub3A_962, %sub3A_7 : f32
    %get3A_964 = arith.constant 0 : i32
    %get3A_965 = arith.constant 52 : i32
    %get3A_966 = arith.index_cast %get3A_964 : i32 to index
    %get3A_967 = arith.index_cast %get3A_965 : i32 to index
    %get3A_968 = memref.load %arg6[%get3A_966, %get3A_967] : memref<1x128xf32, #tpu.memory_space<smem>>
    %mul3A_969 = arith.mulf %sub3A_963, %get3A_968 : f32
    %add3A_970 = arith.addf %mul3A_961, %mul3A_969 : f32
    %swap3A_971 = arith.constant 52 : i32
    %swap3A_972 = arith.index_cast %swap3A_971 : i32 to index
    %swap3A_973 = memref.load %arg7[%swap3A_972] : memref<128xf32, #tpu.memory_space<smem>>
    memref.store %add3A_970, %arg7[%swap3A_972] : memref<128xf32, #tpu.memory_space<smem>>
    %get3A_974 = arith.constant 0 : i32
    %get3A_975 = arith.constant 53 : i32
    %get3A_976 = arith.index_cast %get3A_974 : i32 to index
    %get3A_977 = arith.index_cast %get3A_975 : i32 to index
    %get3A_978 = memref.load %arg5[%get3A_976, %get3A_977] : memref<1x128xf32, #tpu.memory_space<smem>>
    %mul3A_979 = arith.mulf %sub3A_7, %get3A_978 : f32
    %sub3A_980 = arith.constant 1.000000e+00 : f32
    %sub3A_981 = arith.subf %sub3A_980, %sub3A_7 : f32
    %get3A_982 = arith.constant 0 : i32
    %get3A_983 = arith.constant 53 : i32
    %get3A_984 = arith.index_cast %get3A_982 : i32 to index
    %get3A_985 = arith.index_cast %get3A_983 : i32 to index
    %get3A_986 = memref.load %arg6[%get3A_984, %get3A_985] : memref<1x128xf32, #tpu.memory_space<smem>>
    %mul3A_987 = arith.mulf %sub3A_981, %get3A_986 : f32
    %add3A_988 = arith.addf %mul3A_979, %mul3A_987 : f32
    %swap3A_989 = arith.constant 53 : i32
    %swap3A_990 = arith.index_cast %swap3A_989 : i32 to index
    %swap3A_991 = memref.load %arg7[%swap3A_990] : memref<128xf32, #tpu.memory_space<smem>>
    memref.store %add3A_988, %arg7[%swap3A_990] : memref<128xf32, #tpu.memory_space<smem>>
    %get3A_992 = arith.constant 0 : i32
    %get3A_993 = arith.constant 54 : i32
    %get3A_994 = arith.index_cast %get3A_992 : i32 to index
    %get3A_995 = arith.index_cast %get3A_993 : i32 to index
    %get3A_996 = memref.load %arg5[%get3A_994, %get3A_995] : memref<1x128xf32, #tpu.memory_space<smem>>
    %mul3A_997 = arith.mulf %sub3A_7, %get3A_996 : f32
    %sub3A_998 = arith.constant 1.000000e+00 : f32
    %sub3A_999 = arith.subf %sub3A_998, %sub3A_7 : f32
    %get3A_1000 = arith.constant 0 : i32
    %get3A_1001 = arith.constant 54 : i32
    %get3A_1002 = arith.index_cast %get3A_1000 : i32 to index
    %get3A_1003 = arith.index_cast %get3A_1001 : i32 to index
    %get3A_1004 = memref.load %arg6[%get3A_1002, %get3A_1003] : memref<1x128xf32, #tpu.memory_space<smem>>
    %mul3A_1005 = arith.mulf %sub3A_999, %get3A_1004 : f32
    %add3A_1006 = arith.addf %mul3A_997, %mul3A_1005 : f32
    %swap3A_1007 = arith.constant 54 : i32
    %swap3A_1008 = arith.index_cast %swap3A_1007 : i32 to index
    %swap3A_1009 = memref.load %arg7[%swap3A_1008] : memref<128xf32, #tpu.memory_space<smem>>
    memref.store %add3A_1006, %arg7[%swap3A_1008] : memref<128xf32, #tpu.memory_space<smem>>
    %get3A_1010 = arith.constant 0 : i32
    %get3A_1011 = arith.constant 55 : i32
    %get3A_1012 = arith.index_cast %get3A_1010 : i32 to index
    %get3A_1013 = arith.index_cast %get3A_1011 : i32 to index
    %get3A_1014 = memref.load %arg5[%get3A_1012, %get3A_1013] : memref<1x128xf32, #tpu.memory_space<smem>>
    %mul3A_1015 = arith.mulf %sub3A_7, %get3A_1014 : f32
    %sub3A_1016 = arith.constant 1.000000e+00 : f32
    %sub3A_1017 = arith.subf %sub3A_1016, %sub3A_7 : f32
    %get3A_1018 = arith.constant 0 : i32
    %get3A_1019 = arith.constant 55 : i32
    %get3A_1020 = arith.index_cast %get3A_1018 : i32 to index
    %get3A_1021 = arith.index_cast %get3A_1019 : i32 to index
    %get3A_1022 = memref.load %arg6[%get3A_1020, %get3A_1021] : memref<1x128xf32, #tpu.memory_space<smem>>
    %mul3A_1023 = arith.mulf %sub3A_1017, %get3A_1022 : f32
    %add3A_1024 = arith.addf %mul3A_1015, %mul3A_1023 : f32
    %swap3A_1025 = arith.constant 55 : i32
    %swap3A_1026 = arith.index_cast %swap3A_1025 : i32 to index
    %swap3A_1027 = memref.load %arg7[%swap3A_1026] : memref<128xf32, #tpu.memory_space<smem>>
    memref.store %add3A_1024, %arg7[%swap3A_1026] : memref<128xf32, #tpu.memory_space<smem>>
    %get3A_1028 = arith.constant 0 : i32
    %get3A_1029 = arith.constant 56 : i32
    %get3A_1030 = arith.index_cast %get3A_1028 : i32 to index
    %get3A_1031 = arith.index_cast %get3A_1029 : i32 to index
    %get3A_1032 = memref.load %arg5[%get3A_1030, %get3A_1031] : memref<1x128xf32, #tpu.memory_space<smem>>
    %mul3A_1033 = arith.mulf %sub3A_7, %get3A_1032 : f32
    %sub3A_1034 = arith.constant 1.000000e+00 : f32
    %sub3A_1035 = arith.subf %sub3A_1034, %sub3A_7 : f32
    %get3A_1036 = arith.constant 0 : i32
    %get3A_1037 = arith.constant 56 : i32
    %get3A_1038 = arith.index_cast %get3A_1036 : i32 to index
    %get3A_1039 = arith.index_cast %get3A_1037 : i32 to index
    %get3A_1040 = memref.load %arg6[%get3A_1038, %get3A_1039] : memref<1x128xf32, #tpu.memory_space<smem>>
    %mul3A_1041 = arith.mulf %sub3A_1035, %get3A_1040 : f32
    %add3A_1042 = arith.addf %mul3A_1033, %mul3A_1041 : f32
    %swap3A_1043 = arith.constant 56 : i32
    %swap3A_1044 = arith.index_cast %swap3A_1043 : i32 to index
    %swap3A_1045 = memref.load %arg7[%swap3A_1044] : memref<128xf32, #tpu.memory_space<smem>>
    memref.store %add3A_1042, %arg7[%swap3A_1044] : memref<128xf32, #tpu.memory_space<smem>>
    %get3A_1046 = arith.constant 0 : i32
    %get3A_1047 = arith.constant 57 : i32
    %get3A_1048 = arith.index_cast %get3A_1046 : i32 to index
    %get3A_1049 = arith.index_cast %get3A_1047 : i32 to index
    %get3A_1050 = memref.load %arg5[%get3A_1048, %get3A_1049] : memref<1x128xf32, #tpu.memory_space<smem>>
    %mul3A_1051 = arith.mulf %sub3A_7, %get3A_1050 : f32
    %sub3A_1052 = arith.constant 1.000000e+00 : f32
    %sub3A_1053 = arith.subf %sub3A_1052, %sub3A_7 : f32
    %get3A_1054 = arith.constant 0 : i32
    %get3A_1055 = arith.constant 57 : i32
    %get3A_1056 = arith.index_cast %get3A_1054 : i32 to index
    %get3A_1057 = arith.index_cast %get3A_1055 : i32 to index
    %get3A_1058 = memref.load %arg6[%get3A_1056, %get3A_1057] : memref<1x128xf32, #tpu.memory_space<smem>>
    %mul3A_1059 = arith.mulf %sub3A_1053, %get3A_1058 : f32
    %add3A_1060 = arith.addf %mul3A_1051, %mul3A_1059 : f32
    %swap3A_1061 = arith.constant 57 : i32
    %swap3A_1062 = arith.index_cast %swap3A_1061 : i32 to index
    %swap3A_1063 = memref.load %arg7[%swap3A_1062] : memref<128xf32, #tpu.memory_space<smem>>
    memref.store %add3A_1060, %arg7[%swap3A_1062] : memref<128xf32, #tpu.memory_space<smem>>
    %get3A_1064 = arith.constant 0 : i32
    %get3A_1065 = arith.constant 58 : i32
    %get3A_1066 = arith.index_cast %get3A_1064 : i32 to index
    %get3A_1067 = arith.index_cast %get3A_1065 : i32 to index
    %get3A_1068 = memref.load %arg5[%get3A_1066, %get3A_1067] : memref<1x128xf32, #tpu.memory_space<smem>>
    %mul3A_1069 = arith.mulf %sub3A_7, %get3A_1068 : f32
    %sub3A_1070 = arith.constant 1.000000e+00 : f32
    %sub3A_1071 = arith.subf %sub3A_1070, %sub3A_7 : f32
    %get3A_1072 = arith.constant 0 : i32
    %get3A_1073 = arith.constant 58 : i32
    %get3A_1074 = arith.index_cast %get3A_1072 : i32 to index
    %get3A_1075 = arith.index_cast %get3A_1073 : i32 to index
    %get3A_1076 = memref.load %arg6[%get3A_1074, %get3A_1075] : memref<1x128xf32, #tpu.memory_space<smem>>
    %mul3A_1077 = arith.mulf %sub3A_1071, %get3A_1076 : f32
    %add3A_1078 = arith.addf %mul3A_1069, %mul3A_1077 : f32
    %swap3A_1079 = arith.constant 58 : i32
    %swap3A_1080 = arith.index_cast %swap3A_1079 : i32 to index
    %swap3A_1081 = memref.load %arg7[%swap3A_1080] : memref<128xf32, #tpu.memory_space<smem>>
    memref.store %add3A_1078, %arg7[%swap3A_1080] : memref<128xf32, #tpu.memory_space<smem>>
    %get3A_1082 = arith.constant 0 : i32
    %get3A_1083 = arith.constant 59 : i32
    %get3A_1084 = arith.index_cast %get3A_1082 : i32 to index
    %get3A_1085 = arith.index_cast %get3A_1083 : i32 to index
    %get3A_1086 = memref.load %arg5[%get3A_1084, %get3A_1085] : memref<1x128xf32, #tpu.memory_space<smem>>
    %mul3A_1087 = arith.mulf %sub3A_7, %get3A_1086 : f32
    %sub3A_1088 = arith.constant 1.000000e+00 : f32
    %sub3A_1089 = arith.subf %sub3A_1088, %sub3A_7 : f32
    %get3A_1090 = arith.constant 0 : i32
    %get3A_1091 = arith.constant 59 : i32
    %get3A_1092 = arith.index_cast %get3A_1090 : i32 to index
    %get3A_1093 = arith.index_cast %get3A_1091 : i32 to index
    %get3A_1094 = memref.load %arg6[%get3A_1092, %get3A_1093] : memref<1x128xf32, #tpu.memory_space<smem>>
    %mul3A_1095 = arith.mulf %sub3A_1089, %get3A_1094 : f32
    %add3A_1096 = arith.addf %mul3A_1087, %mul3A_1095 : f32
    %swap3A_1097 = arith.constant 59 : i32
    %swap3A_1098 = arith.index_cast %swap3A_1097 : i32 to index
    %swap3A_1099 = memref.load %arg7[%swap3A_1098] : memref<128xf32, #tpu.memory_space<smem>>
    memref.store %add3A_1096, %arg7[%swap3A_1098] : memref<128xf32, #tpu.memory_space<smem>>
    %get3A_1100 = arith.constant 0 : i32
    %get3A_1101 = arith.constant 60 : i32
    %get3A_1102 = arith.index_cast %get3A_1100 : i32 to index
    %get3A_1103 = arith.index_cast %get3A_1101 : i32 to index
    %get3A_1104 = memref.load %arg5[%get3A_1102, %get3A_1103] : memref<1x128xf32, #tpu.memory_space<smem>>
    %mul3A_1105 = arith.mulf %sub3A_7, %get3A_1104 : f32
    %sub3A_1106 = arith.constant 1.000000e+00 : f32
    %sub3A_1107 = arith.subf %sub3A_1106, %sub3A_7 : f32
    %get3A_1108 = arith.constant 0 : i32
    %get3A_1109 = arith.constant 60 : i32
    %get3A_1110 = arith.index_cast %get3A_1108 : i32 to index
    %get3A_1111 = arith.index_cast %get3A_1109 : i32 to index
    %get3A_1112 = memref.load %arg6[%get3A_1110, %get3A_1111] : memref<1x128xf32, #tpu.memory_space<smem>>
    %mul3A_1113 = arith.mulf %sub3A_1107, %get3A_1112 : f32
    %add3A_1114 = arith.addf %mul3A_1105, %mul3A_1113 : f32
    %swap3A_1115 = arith.constant 60 : i32
    %swap3A_1116 = arith.index_cast %swap3A_1115 : i32 to index
    %swap3A_1117 = memref.load %arg7[%swap3A_1116] : memref<128xf32, #tpu.memory_space<smem>>
    memref.store %add3A_1114, %arg7[%swap3A_1116] : memref<128xf32, #tpu.memory_space<smem>>
    %get3A_1118 = arith.constant 0 : i32
    %get3A_1119 = arith.constant 61 : i32
    %get3A_1120 = arith.index_cast %get3A_1118 : i32 to index
    %get3A_1121 = arith.index_cast %get3A_1119 : i32 to index
    %get3A_1122 = memref.load %arg5[%get3A_1120, %get3A_1121] : memref<1x128xf32, #tpu.memory_space<smem>>
    %mul3A_1123 = arith.mulf %sub3A_7, %get3A_1122 : f32
    %sub3A_1124 = arith.constant 1.000000e+00 : f32
    %sub3A_1125 = arith.subf %sub3A_1124, %sub3A_7 : f32
    %get3A_1126 = arith.constant 0 : i32
    %get3A_1127 = arith.constant 61 : i32
    %get3A_1128 = arith.index_cast %get3A_1126 : i32 to index
    %get3A_1129 = arith.index_cast %get3A_1127 : i32 to index
    %get3A_1130 = memref.load %arg6[%get3A_1128, %get3A_1129] : memref<1x128xf32, #tpu.memory_space<smem>>
    %mul3A_1131 = arith.mulf %sub3A_1125, %get3A_1130 : f32
    %add3A_1132 = arith.addf %mul3A_1123, %mul3A_1131 : f32
    %swap3A_1133 = arith.constant 61 : i32
    %swap3A_1134 = arith.index_cast %swap3A_1133 : i32 to index
    %swap3A_1135 = memref.load %arg7[%swap3A_1134] : memref<128xf32, #tpu.memory_space<smem>>
    memref.store %add3A_1132, %arg7[%swap3A_1134] : memref<128xf32, #tpu.memory_space<smem>>
    %get3A_1136 = arith.constant 0 : i32
    %get3A_1137 = arith.constant 62 : i32
    %get3A_1138 = arith.index_cast %get3A_1136 : i32 to index
    %get3A_1139 = arith.index_cast %get3A_1137 : i32 to index
    %get3A_1140 = memref.load %arg5[%get3A_1138, %get3A_1139] : memref<1x128xf32, #tpu.memory_space<smem>>
    %mul3A_1141 = arith.mulf %sub3A_7, %get3A_1140 : f32
    %sub3A_1142 = arith.constant 1.000000e+00 : f32
    %sub3A_1143 = arith.subf %sub3A_1142, %sub3A_7 : f32
    %get3A_1144 = arith.constant 0 : i32
    %get3A_1145 = arith.constant 62 : i32
    %get3A_1146 = arith.index_cast %get3A_1144 : i32 to index
    %get3A_1147 = arith.index_cast %get3A_1145 : i32 to index
    %get3A_1148 = memref.load %arg6[%get3A_1146, %get3A_1147] : memref<1x128xf32, #tpu.memory_space<smem>>
    %mul3A_1149 = arith.mulf %sub3A_1143, %get3A_1148 : f32
    %add3A_1150 = arith.addf %mul3A_1141, %mul3A_1149 : f32
    %swap3A_1151 = arith.constant 62 : i32
    %swap3A_1152 = arith.index_cast %swap3A_1151 : i32 to index
    %swap3A_1153 = memref.load %arg7[%swap3A_1152] : memref<128xf32, #tpu.memory_space<smem>>
    memref.store %add3A_1150, %arg7[%swap3A_1152] : memref<128xf32, #tpu.memory_space<smem>>
    %get3A_1154 = arith.constant 0 : i32
    %get3A_1155 = arith.constant 63 : i32
    %get3A_1156 = arith.index_cast %get3A_1154 : i32 to index
    %get3A_1157 = arith.index_cast %get3A_1155 : i32 to index
    %get3A_1158 = memref.load %arg5[%get3A_1156, %get3A_1157] : memref<1x128xf32, #tpu.memory_space<smem>>
    %mul3A_1159 = arith.mulf %sub3A_7, %get3A_1158 : f32
    %sub3A_1160 = arith.constant 1.000000e+00 : f32
    %sub3A_1161 = arith.subf %sub3A_1160, %sub3A_7 : f32
    %get3A_1162 = arith.constant 0 : i32
    %get3A_1163 = arith.constant 63 : i32
    %get3A_1164 = arith.index_cast %get3A_1162 : i32 to index
    %get3A_1165 = arith.index_cast %get3A_1163 : i32 to index
    %get3A_1166 = memref.load %arg6[%get3A_1164, %get3A_1165] : memref<1x128xf32, #tpu.memory_space<smem>>
    %mul3A_1167 = arith.mulf %sub3A_1161, %get3A_1166 : f32
    %add3A_1168 = arith.addf %mul3A_1159, %mul3A_1167 : f32
    %swap3A_1169 = arith.constant 63 : i32
    %swap3A_1170 = arith.index_cast %swap3A_1169 : i32 to index
    %swap3A_1171 = memref.load %arg7[%swap3A_1170] : memref<128xf32, #tpu.memory_space<smem>>
    memref.store %add3A_1168, %arg7[%swap3A_1170] : memref<128xf32, #tpu.memory_space<smem>>
    %get3A_1172 = arith.constant 0 : i32
    %get3A_1173 = arith.constant 64 : i32
    %get3A_1174 = arith.index_cast %get3A_1172 : i32 to index
    %get3A_1175 = arith.index_cast %get3A_1173 : i32 to index
    %get3A_1176 = memref.load %arg5[%get3A_1174, %get3A_1175] : memref<1x128xf32, #tpu.memory_space<smem>>
    %mul3A_1177 = arith.mulf %sub3A_7, %get3A_1176 : f32
    %sub3A_1178 = arith.constant 1.000000e+00 : f32
    %sub3A_1179 = arith.subf %sub3A_1178, %sub3A_7 : f32
    %get3A_1180 = arith.constant 0 : i32
    %get3A_1181 = arith.constant 64 : i32
    %get3A_1182 = arith.index_cast %get3A_1180 : i32 to index
    %get3A_1183 = arith.index_cast %get3A_1181 : i32 to index
    %get3A_1184 = memref.load %arg6[%get3A_1182, %get3A_1183] : memref<1x128xf32, #tpu.memory_space<smem>>
    %mul3A_1185 = arith.mulf %sub3A_1179, %get3A_1184 : f32
    %add3A_1186 = arith.addf %mul3A_1177, %mul3A_1185 : f32
    %swap3A_1187 = arith.constant 64 : i32
    %swap3A_1188 = arith.index_cast %swap3A_1187 : i32 to index
    %swap3A_1189 = memref.load %arg7[%swap3A_1188] : memref<128xf32, #tpu.memory_space<smem>>
    memref.store %add3A_1186, %arg7[%swap3A_1188] : memref<128xf32, #tpu.memory_space<smem>>
    %get3A_1190 = arith.constant 0 : i32
    %get3A_1191 = arith.constant 65 : i32
    %get3A_1192 = arith.index_cast %get3A_1190 : i32 to index
    %get3A_1193 = arith.index_cast %get3A_1191 : i32 to index
    %get3A_1194 = memref.load %arg5[%get3A_1192, %get3A_1193] : memref<1x128xf32, #tpu.memory_space<smem>>
    %mul3A_1195 = arith.mulf %sub3A_7, %get3A_1194 : f32
    %sub3A_1196 = arith.constant 1.000000e+00 : f32
    %sub3A_1197 = arith.subf %sub3A_1196, %sub3A_7 : f32
    %get3A_1198 = arith.constant 0 : i32
    %get3A_1199 = arith.constant 65 : i32
    %get3A_1200 = arith.index_cast %get3A_1198 : i32 to index
    %get3A_1201 = arith.index_cast %get3A_1199 : i32 to index
    %get3A_1202 = memref.load %arg6[%get3A_1200, %get3A_1201] : memref<1x128xf32, #tpu.memory_space<smem>>
    %mul3A_1203 = arith.mulf %sub3A_1197, %get3A_1202 : f32
    %add3A_1204 = arith.addf %mul3A_1195, %mul3A_1203 : f32
    %swap3A_1205 = arith.constant 65 : i32
    %swap3A_1206 = arith.index_cast %swap3A_1205 : i32 to index
    %swap3A_1207 = memref.load %arg7[%swap3A_1206] : memref<128xf32, #tpu.memory_space<smem>>
    memref.store %add3A_1204, %arg7[%swap3A_1206] : memref<128xf32, #tpu.memory_space<smem>>
    %get3A_1208 = arith.constant 0 : i32
    %get3A_1209 = arith.constant 66 : i32
    %get3A_1210 = arith.index_cast %get3A_1208 : i32 to index
    %get3A_1211 = arith.index_cast %get3A_1209 : i32 to index
    %get3A_1212 = memref.load %arg5[%get3A_1210, %get3A_1211] : memref<1x128xf32, #tpu.memory_space<smem>>
    %mul3A_1213 = arith.mulf %sub3A_7, %get3A_1212 : f32
    %sub3A_1214 = arith.constant 1.000000e+00 : f32
    %sub3A_1215 = arith.subf %sub3A_1214, %sub3A_7 : f32
    %get3A_1216 = arith.constant 0 : i32
    %get3A_1217 = arith.constant 66 : i32
    %get3A_1218 = arith.index_cast %get3A_1216 : i32 to index
    %get3A_1219 = arith.index_cast %get3A_1217 : i32 to index
    %get3A_1220 = memref.load %arg6[%get3A_1218, %get3A_1219] : memref<1x128xf32, #tpu.memory_space<smem>>
    %mul3A_1221 = arith.mulf %sub3A_1215, %get3A_1220 : f32
    %add3A_1222 = arith.addf %mul3A_1213, %mul3A_1221 : f32
    %swap3A_1223 = arith.constant 66 : i32
    %swap3A_1224 = arith.index_cast %swap3A_1223 : i32 to index
    %swap3A_1225 = memref.load %arg7[%swap3A_1224] : memref<128xf32, #tpu.memory_space<smem>>
    memref.store %add3A_1222, %arg7[%swap3A_1224] : memref<128xf32, #tpu.memory_space<smem>>
    %get3A_1226 = arith.constant 0 : i32
    %get3A_1227 = arith.constant 67 : i32
    %get3A_1228 = arith.index_cast %get3A_1226 : i32 to index
    %get3A_1229 = arith.index_cast %get3A_1227 : i32 to index
    %get3A_1230 = memref.load %arg5[%get3A_1228, %get3A_1229] : memref<1x128xf32, #tpu.memory_space<smem>>
    %mul3A_1231 = arith.mulf %sub3A_7, %get3A_1230 : f32
    %sub3A_1232 = arith.constant 1.000000e+00 : f32
    %sub3A_1233 = arith.subf %sub3A_1232, %sub3A_7 : f32
    %get3A_1234 = arith.constant 0 : i32
    %get3A_1235 = arith.constant 67 : i32
    %get3A_1236 = arith.index_cast %get3A_1234 : i32 to index
    %get3A_1237 = arith.index_cast %get3A_1235 : i32 to index
    %get3A_1238 = memref.load %arg6[%get3A_1236, %get3A_1237] : memref<1x128xf32, #tpu.memory_space<smem>>
    %mul3A_1239 = arith.mulf %sub3A_1233, %get3A_1238 : f32
    %add3A_1240 = arith.addf %mul3A_1231, %mul3A_1239 : f32
    %swap3A_1241 = arith.constant 67 : i32
    %swap3A_1242 = arith.index_cast %swap3A_1241 : i32 to index
    %swap3A_1243 = memref.load %arg7[%swap3A_1242] : memref<128xf32, #tpu.memory_space<smem>>
    memref.store %add3A_1240, %arg7[%swap3A_1242] : memref<128xf32, #tpu.memory_space<smem>>
    %get3A_1244 = arith.constant 0 : i32
    %get3A_1245 = arith.constant 68 : i32
    %get3A_1246 = arith.index_cast %get3A_1244 : i32 to index
    %get3A_1247 = arith.index_cast %get3A_1245 : i32 to index
    %get3A_1248 = memref.load %arg5[%get3A_1246, %get3A_1247] : memref<1x128xf32, #tpu.memory_space<smem>>
    %mul3A_1249 = arith.mulf %sub3A_7, %get3A_1248 : f32
    %sub3A_1250 = arith.constant 1.000000e+00 : f32
    %sub3A_1251 = arith.subf %sub3A_1250, %sub3A_7 : f32
    %get3A_1252 = arith.constant 0 : i32
    %get3A_1253 = arith.constant 68 : i32
    %get3A_1254 = arith.index_cast %get3A_1252 : i32 to index
    %get3A_1255 = arith.index_cast %get3A_1253 : i32 to index
    %get3A_1256 = memref.load %arg6[%get3A_1254, %get3A_1255] : memref<1x128xf32, #tpu.memory_space<smem>>
    %mul3A_1257 = arith.mulf %sub3A_1251, %get3A_1256 : f32
    %add3A_1258 = arith.addf %mul3A_1249, %mul3A_1257 : f32
    %swap3A_1259 = arith.constant 68 : i32
    %swap3A_1260 = arith.index_cast %swap3A_1259 : i32 to index
    %swap3A_1261 = memref.load %arg7[%swap3A_1260] : memref<128xf32, #tpu.memory_space<smem>>
    memref.store %add3A_1258, %arg7[%swap3A_1260] : memref<128xf32, #tpu.memory_space<smem>>
    %get3A_1262 = arith.constant 0 : i32
    %get3A_1263 = arith.constant 69 : i32
    %get3A_1264 = arith.index_cast %get3A_1262 : i32 to index
    %get3A_1265 = arith.index_cast %get3A_1263 : i32 to index
    %get3A_1266 = memref.load %arg5[%get3A_1264, %get3A_1265] : memref<1x128xf32, #tpu.memory_space<smem>>
    %mul3A_1267 = arith.mulf %sub3A_7, %get3A_1266 : f32
    %sub3A_1268 = arith.constant 1.000000e+00 : f32
    %sub3A_1269 = arith.subf %sub3A_1268, %sub3A_7 : f32
    %get3A_1270 = arith.constant 0 : i32
    %get3A_1271 = arith.constant 69 : i32
    %get3A_1272 = arith.index_cast %get3A_1270 : i32 to index
    %get3A_1273 = arith.index_cast %get3A_1271 : i32 to index
    %get3A_1274 = memref.load %arg6[%get3A_1272, %get3A_1273] : memref<1x128xf32, #tpu.memory_space<smem>>
    %mul3A_1275 = arith.mulf %sub3A_1269, %get3A_1274 : f32
    %add3A_1276 = arith.addf %mul3A_1267, %mul3A_1275 : f32
    %swap3A_1277 = arith.constant 69 : i32
    %swap3A_1278 = arith.index_cast %swap3A_1277 : i32 to index
    %swap3A_1279 = memref.load %arg7[%swap3A_1278] : memref<128xf32, #tpu.memory_space<smem>>
    memref.store %add3A_1276, %arg7[%swap3A_1278] : memref<128xf32, #tpu.memory_space<smem>>
    %get3A_1280 = arith.constant 0 : i32
    %get3A_1281 = arith.constant 70 : i32
    %get3A_1282 = arith.index_cast %get3A_1280 : i32 to index
    %get3A_1283 = arith.index_cast %get3A_1281 : i32 to index
    %get3A_1284 = memref.load %arg5[%get3A_1282, %get3A_1283] : memref<1x128xf32, #tpu.memory_space<smem>>
    %mul3A_1285 = arith.mulf %sub3A_7, %get3A_1284 : f32
    %sub3A_1286 = arith.constant 1.000000e+00 : f32
    %sub3A_1287 = arith.subf %sub3A_1286, %sub3A_7 : f32
    %get3A_1288 = arith.constant 0 : i32
    %get3A_1289 = arith.constant 70 : i32
    %get3A_1290 = arith.index_cast %get3A_1288 : i32 to index
    %get3A_1291 = arith.index_cast %get3A_1289 : i32 to index
    %get3A_1292 = memref.load %arg6[%get3A_1290, %get3A_1291] : memref<1x128xf32, #tpu.memory_space<smem>>
    %mul3A_1293 = arith.mulf %sub3A_1287, %get3A_1292 : f32
    %add3A_1294 = arith.addf %mul3A_1285, %mul3A_1293 : f32
    %swap3A_1295 = arith.constant 70 : i32
    %swap3A_1296 = arith.index_cast %swap3A_1295 : i32 to index
    %swap3A_1297 = memref.load %arg7[%swap3A_1296] : memref<128xf32, #tpu.memory_space<smem>>
    memref.store %add3A_1294, %arg7[%swap3A_1296] : memref<128xf32, #tpu.memory_space<smem>>
    %get3A_1298 = arith.constant 0 : i32
    %get3A_1299 = arith.constant 71 : i32
    %get3A_1300 = arith.index_cast %get3A_1298 : i32 to index
    %get3A_1301 = arith.index_cast %get3A_1299 : i32 to index
    %get3A_1302 = memref.load %arg5[%get3A_1300, %get3A_1301] : memref<1x128xf32, #tpu.memory_space<smem>>
    %mul3A_1303 = arith.mulf %sub3A_7, %get3A_1302 : f32
    %sub3A_1304 = arith.constant 1.000000e+00 : f32
    %sub3A_1305 = arith.subf %sub3A_1304, %sub3A_7 : f32
    %get3A_1306 = arith.constant 0 : i32
    %get3A_1307 = arith.constant 71 : i32
    %get3A_1308 = arith.index_cast %get3A_1306 : i32 to index
    %get3A_1309 = arith.index_cast %get3A_1307 : i32 to index
    %get3A_1310 = memref.load %arg6[%get3A_1308, %get3A_1309] : memref<1x128xf32, #tpu.memory_space<smem>>
    %mul3A_1311 = arith.mulf %sub3A_1305, %get3A_1310 : f32
    %add3A_1312 = arith.addf %mul3A_1303, %mul3A_1311 : f32
    %swap3A_1313 = arith.constant 71 : i32
    %swap3A_1314 = arith.index_cast %swap3A_1313 : i32 to index
    %swap3A_1315 = memref.load %arg7[%swap3A_1314] : memref<128xf32, #tpu.memory_space<smem>>
    memref.store %add3A_1312, %arg7[%swap3A_1314] : memref<128xf32, #tpu.memory_space<smem>>
    %get3A_1316 = arith.constant 0 : i32
    %get3A_1317 = arith.constant 72 : i32
    %get3A_1318 = arith.index_cast %get3A_1316 : i32 to index
    %get3A_1319 = arith.index_cast %get3A_1317 : i32 to index
    %get3A_1320 = memref.load %arg5[%get3A_1318, %get3A_1319] : memref<1x128xf32, #tpu.memory_space<smem>>
    %mul3A_1321 = arith.mulf %sub3A_7, %get3A_1320 : f32
    %sub3A_1322 = arith.constant 1.000000e+00 : f32
    %sub3A_1323 = arith.subf %sub3A_1322, %sub3A_7 : f32
    %get3A_1324 = arith.constant 0 : i32
    %get3A_1325 = arith.constant 72 : i32
    %get3A_1326 = arith.index_cast %get3A_1324 : i32 to index
    %get3A_1327 = arith.index_cast %get3A_1325 : i32 to index
    %get3A_1328 = memref.load %arg6[%get3A_1326, %get3A_1327] : memref<1x128xf32, #tpu.memory_space<smem>>
    %mul3A_1329 = arith.mulf %sub3A_1323, %get3A_1328 : f32
    %add3A_1330 = arith.addf %mul3A_1321, %mul3A_1329 : f32
    %swap3A_1331 = arith.constant 72 : i32
    %swap3A_1332 = arith.index_cast %swap3A_1331 : i32 to index
    %swap3A_1333 = memref.load %arg7[%swap3A_1332] : memref<128xf32, #tpu.memory_space<smem>>
    memref.store %add3A_1330, %arg7[%swap3A_1332] : memref<128xf32, #tpu.memory_space<smem>>
    %get3A_1334 = arith.constant 0 : i32
    %get3A_1335 = arith.constant 73 : i32
    %get3A_1336 = arith.index_cast %get3A_1334 : i32 to index
    %get3A_1337 = arith.index_cast %get3A_1335 : i32 to index
    %get3A_1338 = memref.load %arg5[%get3A_1336, %get3A_1337] : memref<1x128xf32, #tpu.memory_space<smem>>
    %mul3A_1339 = arith.mulf %sub3A_7, %get3A_1338 : f32
    %sub3A_1340 = arith.constant 1.000000e+00 : f32
    %sub3A_1341 = arith.subf %sub3A_1340, %sub3A_7 : f32
    %get3A_1342 = arith.constant 0 : i32
    %get3A_1343 = arith.constant 73 : i32
    %get3A_1344 = arith.index_cast %get3A_1342 : i32 to index
    %get3A_1345 = arith.index_cast %get3A_1343 : i32 to index
    %get3A_1346 = memref.load %arg6[%get3A_1344, %get3A_1345] : memref<1x128xf32, #tpu.memory_space<smem>>
    %mul3A_1347 = arith.mulf %sub3A_1341, %get3A_1346 : f32
    %add3A_1348 = arith.addf %mul3A_1339, %mul3A_1347 : f32
    %swap3A_1349 = arith.constant 73 : i32
    %swap3A_1350 = arith.index_cast %swap3A_1349 : i32 to index
    %swap3A_1351 = memref.load %arg7[%swap3A_1350] : memref<128xf32, #tpu.memory_space<smem>>
    memref.store %add3A_1348, %arg7[%swap3A_1350] : memref<128xf32, #tpu.memory_space<smem>>
    %get3A_1352 = arith.constant 0 : i32
    %get3A_1353 = arith.constant 74 : i32
    %get3A_1354 = arith.index_cast %get3A_1352 : i32 to index
    %get3A_1355 = arith.index_cast %get3A_1353 : i32 to index
    %get3A_1356 = memref.load %arg5[%get3A_1354, %get3A_1355] : memref<1x128xf32, #tpu.memory_space<smem>>
    %mul3A_1357 = arith.mulf %sub3A_7, %get3A_1356 : f32
    %sub3A_1358 = arith.constant 1.000000e+00 : f32
    %sub3A_1359 = arith.subf %sub3A_1358, %sub3A_7 : f32
    %get3A_1360 = arith.constant 0 : i32
    %get3A_1361 = arith.constant 74 : i32
    %get3A_1362 = arith.index_cast %get3A_1360 : i32 to index
    %get3A_1363 = arith.index_cast %get3A_1361 : i32 to index
    %get3A_1364 = memref.load %arg6[%get3A_1362, %get3A_1363] : memref<1x128xf32, #tpu.memory_space<smem>>
    %mul3A_1365 = arith.mulf %sub3A_1359, %get3A_1364 : f32
    %add3A_1366 = arith.addf %mul3A_1357, %mul3A_1365 : f32
    %swap3A_1367 = arith.constant 74 : i32
    %swap3A_1368 = arith.index_cast %swap3A_1367 : i32 to index
    %swap3A_1369 = memref.load %arg7[%swap3A_1368] : memref<128xf32, #tpu.memory_space<smem>>
    memref.store %add3A_1366, %arg7[%swap3A_1368] : memref<128xf32, #tpu.memory_space<smem>>
    %get3A_1370 = arith.constant 0 : i32
    %get3A_1371 = arith.constant 75 : i32
    %get3A_1372 = arith.index_cast %get3A_1370 : i32 to index
    %get3A_1373 = arith.index_cast %get3A_1371 : i32 to index
    %get3A_1374 = memref.load %arg5[%get3A_1372, %get3A_1373] : memref<1x128xf32, #tpu.memory_space<smem>>
    %mul3A_1375 = arith.mulf %sub3A_7, %get3A_1374 : f32
    %sub3A_1376 = arith.constant 1.000000e+00 : f32
    %sub3A_1377 = arith.subf %sub3A_1376, %sub3A_7 : f32
    %get3A_1378 = arith.constant 0 : i32
    %get3A_1379 = arith.constant 75 : i32
    %get3A_1380 = arith.index_cast %get3A_1378 : i32 to index
    %get3A_1381 = arith.index_cast %get3A_1379 : i32 to index
    %get3A_1382 = memref.load %arg6[%get3A_1380, %get3A_1381] : memref<1x128xf32, #tpu.memory_space<smem>>
    %mul3A_1383 = arith.mulf %sub3A_1377, %get3A_1382 : f32
    %add3A_1384 = arith.addf %mul3A_1375, %mul3A_1383 : f32
    %swap3A_1385 = arith.constant 75 : i32
    %swap3A_1386 = arith.index_cast %swap3A_1385 : i32 to index
    %swap3A_1387 = memref.load %arg7[%swap3A_1386] : memref<128xf32, #tpu.memory_space<smem>>
    memref.store %add3A_1384, %arg7[%swap3A_1386] : memref<128xf32, #tpu.memory_space<smem>>
    %get3A_1388 = arith.constant 0 : i32
    %get3A_1389 = arith.constant 76 : i32
    %get3A_1390 = arith.index_cast %get3A_1388 : i32 to index
    %get3A_1391 = arith.index_cast %get3A_1389 : i32 to index
    %get3A_1392 = memref.load %arg5[%get3A_1390, %get3A_1391] : memref<1x128xf32, #tpu.memory_space<smem>>
    %mul3A_1393 = arith.mulf %sub3A_7, %get3A_1392 : f32
    %sub3A_1394 = arith.constant 1.000000e+00 : f32
    %sub3A_1395 = arith.subf %sub3A_1394, %sub3A_7 : f32
    %get3A_1396 = arith.constant 0 : i32
    %get3A_1397 = arith.constant 76 : i32
    %get3A_1398 = arith.index_cast %get3A_1396 : i32 to index
    %get3A_1399 = arith.index_cast %get3A_1397 : i32 to index
    %get3A_1400 = memref.load %arg6[%get3A_1398, %get3A_1399] : memref<1x128xf32, #tpu.memory_space<smem>>
    %mul3A_1401 = arith.mulf %sub3A_1395, %get3A_1400 : f32
    %add3A_1402 = arith.addf %mul3A_1393, %mul3A_1401 : f32
    %swap3A_1403 = arith.constant 76 : i32
    %swap3A_1404 = arith.index_cast %swap3A_1403 : i32 to index
    %swap3A_1405 = memref.load %arg7[%swap3A_1404] : memref<128xf32, #tpu.memory_space<smem>>
    memref.store %add3A_1402, %arg7[%swap3A_1404] : memref<128xf32, #tpu.memory_space<smem>>
    %get3A_1406 = arith.constant 0 : i32
    %get3A_1407 = arith.constant 77 : i32
    %get3A_1408 = arith.index_cast %get3A_1406 : i32 to index
    %get3A_1409 = arith.index_cast %get3A_1407 : i32 to index
    %get3A_1410 = memref.load %arg5[%get3A_1408, %get3A_1409] : memref<1x128xf32, #tpu.memory_space<smem>>
    %mul3A_1411 = arith.mulf %sub3A_7, %get3A_1410 : f32
    %sub3A_1412 = arith.constant 1.000000e+00 : f32
    %sub3A_1413 = arith.subf %sub3A_1412, %sub3A_7 : f32
    %get3A_1414 = arith.constant 0 : i32
    %get3A_1415 = arith.constant 77 : i32
    %get3A_1416 = arith.index_cast %get3A_1414 : i32 to index
    %get3A_1417 = arith.index_cast %get3A_1415 : i32 to index
    %get3A_1418 = memref.load %arg6[%get3A_1416, %get3A_1417] : memref<1x128xf32, #tpu.memory_space<smem>>
    %mul3A_1419 = arith.mulf %sub3A_1413, %get3A_1418 : f32
    %add3A_1420 = arith.addf %mul3A_1411, %mul3A_1419 : f32
    %swap3A_1421 = arith.constant 77 : i32
    %swap3A_1422 = arith.index_cast %swap3A_1421 : i32 to index
    %swap3A_1423 = memref.load %arg7[%swap3A_1422] : memref<128xf32, #tpu.memory_space<smem>>
    memref.store %add3A_1420, %arg7[%swap3A_1422] : memref<128xf32, #tpu.memory_space<smem>>
    %get3A_1424 = arith.constant 0 : i32
    %get3A_1425 = arith.constant 78 : i32
    %get3A_1426 = arith.index_cast %get3A_1424 : i32 to index
    %get3A_1427 = arith.index_cast %get3A_1425 : i32 to index
    %get3A_1428 = memref.load %arg5[%get3A_1426, %get3A_1427] : memref<1x128xf32, #tpu.memory_space<smem>>
    %mul3A_1429 = arith.mulf %sub3A_7, %get3A_1428 : f32
    %sub3A_1430 = arith.constant 1.000000e+00 : f32
    %sub3A_1431 = arith.subf %sub3A_1430, %sub3A_7 : f32
    %get3A_1432 = arith.constant 0 : i32
    %get3A_1433 = arith.constant 78 : i32
    %get3A_1434 = arith.index_cast %get3A_1432 : i32 to index
    %get3A_1435 = arith.index_cast %get3A_1433 : i32 to index
    %get3A_1436 = memref.load %arg6[%get3A_1434, %get3A_1435] : memref<1x128xf32, #tpu.memory_space<smem>>
    %mul3A_1437 = arith.mulf %sub3A_1431, %get3A_1436 : f32
    %add3A_1438 = arith.addf %mul3A_1429, %mul3A_1437 : f32
    %swap3A_1439 = arith.constant 78 : i32
    %swap3A_1440 = arith.index_cast %swap3A_1439 : i32 to index
    %swap3A_1441 = memref.load %arg7[%swap3A_1440] : memref<128xf32, #tpu.memory_space<smem>>
    memref.store %add3A_1438, %arg7[%swap3A_1440] : memref<128xf32, #tpu.memory_space<smem>>
    %get3A_1442 = arith.constant 0 : i32
    %get3A_1443 = arith.constant 79 : i32
    %get3A_1444 = arith.index_cast %get3A_1442 : i32 to index
    %get3A_1445 = arith.index_cast %get3A_1443 : i32 to index
    %get3A_1446 = memref.load %arg5[%get3A_1444, %get3A_1445] : memref<1x128xf32, #tpu.memory_space<smem>>
    %mul3A_1447 = arith.mulf %sub3A_7, %get3A_1446 : f32
    %sub3A_1448 = arith.constant 1.000000e+00 : f32
    %sub3A_1449 = arith.subf %sub3A_1448, %sub3A_7 : f32
    %get3A_1450 = arith.constant 0 : i32
    %get3A_1451 = arith.constant 79 : i32
    %get3A_1452 = arith.index_cast %get3A_1450 : i32 to index
    %get3A_1453 = arith.index_cast %get3A_1451 : i32 to index
    %get3A_1454 = memref.load %arg6[%get3A_1452, %get3A_1453] : memref<1x128xf32, #tpu.memory_space<smem>>
    %mul3A_1455 = arith.mulf %sub3A_1449, %get3A_1454 : f32
    %add3A_1456 = arith.addf %mul3A_1447, %mul3A_1455 : f32
    %swap3A_1457 = arith.constant 79 : i32
    %swap3A_1458 = arith.index_cast %swap3A_1457 : i32 to index
    %swap3A_1459 = memref.load %arg7[%swap3A_1458] : memref<128xf32, #tpu.memory_space<smem>>
    memref.store %add3A_1456, %arg7[%swap3A_1458] : memref<128xf32, #tpu.memory_space<smem>>
    %get3A_1460 = arith.constant 0 : i32
    %get3A_1461 = arith.constant 80 : i32
    %get3A_1462 = arith.index_cast %get3A_1460 : i32 to index
    %get3A_1463 = arith.index_cast %get3A_1461 : i32 to index
    %get3A_1464 = memref.load %arg5[%get3A_1462, %get3A_1463] : memref<1x128xf32, #tpu.memory_space<smem>>
    %mul3A_1465 = arith.mulf %sub3A_7, %get3A_1464 : f32
    %sub3A_1466 = arith.constant 1.000000e+00 : f32
    %sub3A_1467 = arith.subf %sub3A_1466, %sub3A_7 : f32
    %get3A_1468 = arith.constant 0 : i32
    %get3A_1469 = arith.constant 80 : i32
    %get3A_1470 = arith.index_cast %get3A_1468 : i32 to index
    %get3A_1471 = arith.index_cast %get3A_1469 : i32 to index
    %get3A_1472 = memref.load %arg6[%get3A_1470, %get3A_1471] : memref<1x128xf32, #tpu.memory_space<smem>>
    %mul3A_1473 = arith.mulf %sub3A_1467, %get3A_1472 : f32
    %add3A_1474 = arith.addf %mul3A_1465, %mul3A_1473 : f32
    %swap3A_1475 = arith.constant 80 : i32
    %swap3A_1476 = arith.index_cast %swap3A_1475 : i32 to index
    %swap3A_1477 = memref.load %arg7[%swap3A_1476] : memref<128xf32, #tpu.memory_space<smem>>
    memref.store %add3A_1474, %arg7[%swap3A_1476] : memref<128xf32, #tpu.memory_space<smem>>
    %get3A_1478 = arith.constant 0 : i32
    %get3A_1479 = arith.constant 81 : i32
    %get3A_1480 = arith.index_cast %get3A_1478 : i32 to index
    %get3A_1481 = arith.index_cast %get3A_1479 : i32 to index
    %get3A_1482 = memref.load %arg5[%get3A_1480, %get3A_1481] : memref<1x128xf32, #tpu.memory_space<smem>>
    %mul3A_1483 = arith.mulf %sub3A_7, %get3A_1482 : f32
    %sub3A_1484 = arith.constant 1.000000e+00 : f32
    %sub3A_1485 = arith.subf %sub3A_1484, %sub3A_7 : f32
    %get3A_1486 = arith.constant 0 : i32
    %get3A_1487 = arith.constant 81 : i32
    %get3A_1488 = arith.index_cast %get3A_1486 : i32 to index
    %get3A_1489 = arith.index_cast %get3A_1487 : i32 to index
    %get3A_1490 = memref.load %arg6[%get3A_1488, %get3A_1489] : memref<1x128xf32, #tpu.memory_space<smem>>
    %mul3A_1491 = arith.mulf %sub3A_1485, %get3A_1490 : f32
    %add3A_1492 = arith.addf %mul3A_1483, %mul3A_1491 : f32
    %swap3A_1493 = arith.constant 81 : i32
    %swap3A_1494 = arith.index_cast %swap3A_1493 : i32 to index
    %swap3A_1495 = memref.load %arg7[%swap3A_1494] : memref<128xf32, #tpu.memory_space<smem>>
    memref.store %add3A_1492, %arg7[%swap3A_1494] : memref<128xf32, #tpu.memory_space<smem>>
    %get3A_1496 = arith.constant 0 : i32
    %get3A_1497 = arith.constant 82 : i32
    %get3A_1498 = arith.index_cast %get3A_1496 : i32 to index
    %get3A_1499 = arith.index_cast %get3A_1497 : i32 to index
    %get3A_1500 = memref.load %arg5[%get3A_1498, %get3A_1499] : memref<1x128xf32, #tpu.memory_space<smem>>
    %mul3A_1501 = arith.mulf %sub3A_7, %get3A_1500 : f32
    %sub3A_1502 = arith.constant 1.000000e+00 : f32
    %sub3A_1503 = arith.subf %sub3A_1502, %sub3A_7 : f32
    %get3A_1504 = arith.constant 0 : i32
    %get3A_1505 = arith.constant 82 : i32
    %get3A_1506 = arith.index_cast %get3A_1504 : i32 to index
    %get3A_1507 = arith.index_cast %get3A_1505 : i32 to index
    %get3A_1508 = memref.load %arg6[%get3A_1506, %get3A_1507] : memref<1x128xf32, #tpu.memory_space<smem>>
    %mul3A_1509 = arith.mulf %sub3A_1503, %get3A_1508 : f32
    %add3A_1510 = arith.addf %mul3A_1501, %mul3A_1509 : f32
    %swap3A_1511 = arith.constant 82 : i32
    %swap3A_1512 = arith.index_cast %swap3A_1511 : i32 to index
    %swap3A_1513 = memref.load %arg7[%swap3A_1512] : memref<128xf32, #tpu.memory_space<smem>>
    memref.store %add3A_1510, %arg7[%swap3A_1512] : memref<128xf32, #tpu.memory_space<smem>>
    %get3A_1514 = arith.constant 0 : i32
    %get3A_1515 = arith.constant 83 : i32
    %get3A_1516 = arith.index_cast %get3A_1514 : i32 to index
    %get3A_1517 = arith.index_cast %get3A_1515 : i32 to index
    %get3A_1518 = memref.load %arg5[%get3A_1516, %get3A_1517] : memref<1x128xf32, #tpu.memory_space<smem>>
    %mul3A_1519 = arith.mulf %sub3A_7, %get3A_1518 : f32
    %sub3A_1520 = arith.constant 1.000000e+00 : f32
    %sub3A_1521 = arith.subf %sub3A_1520, %sub3A_7 : f32
    %get3A_1522 = arith.constant 0 : i32
    %get3A_1523 = arith.constant 83 : i32
    %get3A_1524 = arith.index_cast %get3A_1522 : i32 to index
    %get3A_1525 = arith.index_cast %get3A_1523 : i32 to index
    %get3A_1526 = memref.load %arg6[%get3A_1524, %get3A_1525] : memref<1x128xf32, #tpu.memory_space<smem>>
    %mul3A_1527 = arith.mulf %sub3A_1521, %get3A_1526 : f32
    %add3A_1528 = arith.addf %mul3A_1519, %mul3A_1527 : f32
    %swap3A_1529 = arith.constant 83 : i32
    %swap3A_1530 = arith.index_cast %swap3A_1529 : i32 to index
    %swap3A_1531 = memref.load %arg7[%swap3A_1530] : memref<128xf32, #tpu.memory_space<smem>>
    memref.store %add3A_1528, %arg7[%swap3A_1530] : memref<128xf32, #tpu.memory_space<smem>>
    %get3A_1532 = arith.constant 0 : i32
    %get3A_1533 = arith.constant 84 : i32
    %get3A_1534 = arith.index_cast %get3A_1532 : i32 to index
    %get3A_1535 = arith.index_cast %get3A_1533 : i32 to index
    %get3A_1536 = memref.load %arg5[%get3A_1534, %get3A_1535] : memref<1x128xf32, #tpu.memory_space<smem>>
    %mul3A_1537 = arith.mulf %sub3A_7, %get3A_1536 : f32
    %sub3A_1538 = arith.constant 1.000000e+00 : f32
    %sub3A_1539 = arith.subf %sub3A_1538, %sub3A_7 : f32
    %get3A_1540 = arith.constant 0 : i32
    %get3A_1541 = arith.constant 84 : i32
    %get3A_1542 = arith.index_cast %get3A_1540 : i32 to index
    %get3A_1543 = arith.index_cast %get3A_1541 : i32 to index
    %get3A_1544 = memref.load %arg6[%get3A_1542, %get3A_1543] : memref<1x128xf32, #tpu.memory_space<smem>>
    %mul3A_1545 = arith.mulf %sub3A_1539, %get3A_1544 : f32
    %add3A_1546 = arith.addf %mul3A_1537, %mul3A_1545 : f32
    %swap3A_1547 = arith.constant 84 : i32
    %swap3A_1548 = arith.index_cast %swap3A_1547 : i32 to index
    %swap3A_1549 = memref.load %arg7[%swap3A_1548] : memref<128xf32, #tpu.memory_space<smem>>
    memref.store %add3A_1546, %arg7[%swap3A_1548] : memref<128xf32, #tpu.memory_space<smem>>
    %get3A_1550 = arith.constant 0 : i32
    %get3A_1551 = arith.constant 85 : i32
    %get3A_1552 = arith.index_cast %get3A_1550 : i32 to index
    %get3A_1553 = arith.index_cast %get3A_1551 : i32 to index
    %get3A_1554 = memref.load %arg5[%get3A_1552, %get3A_1553] : memref<1x128xf32, #tpu.memory_space<smem>>
    %mul3A_1555 = arith.mulf %sub3A_7, %get3A_1554 : f32
    %sub3A_1556 = arith.constant 1.000000e+00 : f32
    %sub3A_1557 = arith.subf %sub3A_1556, %sub3A_7 : f32
    %get3A_1558 = arith.constant 0 : i32
    %get3A_1559 = arith.constant 85 : i32
    %get3A_1560 = arith.index_cast %get3A_1558 : i32 to index
    %get3A_1561 = arith.index_cast %get3A_1559 : i32 to index
    %get3A_1562 = memref.load %arg6[%get3A_1560, %get3A_1561] : memref<1x128xf32, #tpu.memory_space<smem>>
    %mul3A_1563 = arith.mulf %sub3A_1557, %get3A_1562 : f32
    %add3A_1564 = arith.addf %mul3A_1555, %mul3A_1563 : f32
    %swap3A_1565 = arith.constant 85 : i32
    %swap3A_1566 = arith.index_cast %swap3A_1565 : i32 to index
    %swap3A_1567 = memref.load %arg7[%swap3A_1566] : memref<128xf32, #tpu.memory_space<smem>>
    memref.store %add3A_1564, %arg7[%swap3A_1566] : memref<128xf32, #tpu.memory_space<smem>>
    %get3A_1568 = arith.constant 0 : i32
    %get3A_1569 = arith.constant 86 : i32
    %get3A_1570 = arith.index_cast %get3A_1568 : i32 to index
    %get3A_1571 = arith.index_cast %get3A_1569 : i32 to index
    %get3A_1572 = memref.load %arg5[%get3A_1570, %get3A_1571] : memref<1x128xf32, #tpu.memory_space<smem>>
    %mul3A_1573 = arith.mulf %sub3A_7, %get3A_1572 : f32
    %sub3A_1574 = arith.constant 1.000000e+00 : f32
    %sub3A_1575 = arith.subf %sub3A_1574, %sub3A_7 : f32
    %get3A_1576 = arith.constant 0 : i32
    %get3A_1577 = arith.constant 86 : i32
    %get3A_1578 = arith.index_cast %get3A_1576 : i32 to index
    %get3A_1579 = arith.index_cast %get3A_1577 : i32 to index
    %get3A_1580 = memref.load %arg6[%get3A_1578, %get3A_1579] : memref<1x128xf32, #tpu.memory_space<smem>>
    %mul3A_1581 = arith.mulf %sub3A_1575, %get3A_1580 : f32
    %add3A_1582 = arith.addf %mul3A_1573, %mul3A_1581 : f32
    %swap3A_1583 = arith.constant 86 : i32
    %swap3A_1584 = arith.index_cast %swap3A_1583 : i32 to index
    %swap3A_1585 = memref.load %arg7[%swap3A_1584] : memref<128xf32, #tpu.memory_space<smem>>
    memref.store %add3A_1582, %arg7[%swap3A_1584] : memref<128xf32, #tpu.memory_space<smem>>
    %get3A_1586 = arith.constant 0 : i32
    %get3A_1587 = arith.constant 87 : i32
    %get3A_1588 = arith.index_cast %get3A_1586 : i32 to index
    %get3A_1589 = arith.index_cast %get3A_1587 : i32 to index
    %get3A_1590 = memref.load %arg5[%get3A_1588, %get3A_1589] : memref<1x128xf32, #tpu.memory_space<smem>>
    %mul3A_1591 = arith.mulf %sub3A_7, %get3A_1590 : f32
    %sub3A_1592 = arith.constant 1.000000e+00 : f32
    %sub3A_1593 = arith.subf %sub3A_1592, %sub3A_7 : f32
    %get3A_1594 = arith.constant 0 : i32
    %get3A_1595 = arith.constant 87 : i32
    %get3A_1596 = arith.index_cast %get3A_1594 : i32 to index
    %get3A_1597 = arith.index_cast %get3A_1595 : i32 to index
    %get3A_1598 = memref.load %arg6[%get3A_1596, %get3A_1597] : memref<1x128xf32, #tpu.memory_space<smem>>
    %mul3A_1599 = arith.mulf %sub3A_1593, %get3A_1598 : f32
    %add3A_1600 = arith.addf %mul3A_1591, %mul3A_1599 : f32
    %swap3A_1601 = arith.constant 87 : i32
    %swap3A_1602 = arith.index_cast %swap3A_1601 : i32 to index
    %swap3A_1603 = memref.load %arg7[%swap3A_1602] : memref<128xf32, #tpu.memory_space<smem>>
    memref.store %add3A_1600, %arg7[%swap3A_1602] : memref<128xf32, #tpu.memory_space<smem>>
    %get3A_1604 = arith.constant 0 : i32
    %get3A_1605 = arith.constant 88 : i32
    %get3A_1606 = arith.index_cast %get3A_1604 : i32 to index
    %get3A_1607 = arith.index_cast %get3A_1605 : i32 to index
    %get3A_1608 = memref.load %arg5[%get3A_1606, %get3A_1607] : memref<1x128xf32, #tpu.memory_space<smem>>
    %mul3A_1609 = arith.mulf %sub3A_7, %get3A_1608 : f32
    %sub3A_1610 = arith.constant 1.000000e+00 : f32
    %sub3A_1611 = arith.subf %sub3A_1610, %sub3A_7 : f32
    %get3A_1612 = arith.constant 0 : i32
    %get3A_1613 = arith.constant 88 : i32
    %get3A_1614 = arith.index_cast %get3A_1612 : i32 to index
    %get3A_1615 = arith.index_cast %get3A_1613 : i32 to index
    %get3A_1616 = memref.load %arg6[%get3A_1614, %get3A_1615] : memref<1x128xf32, #tpu.memory_space<smem>>
    %mul3A_1617 = arith.mulf %sub3A_1611, %get3A_1616 : f32
    %add3A_1618 = arith.addf %mul3A_1609, %mul3A_1617 : f32
    %swap3A_1619 = arith.constant 88 : i32
    %swap3A_1620 = arith.index_cast %swap3A_1619 : i32 to index
    %swap3A_1621 = memref.load %arg7[%swap3A_1620] : memref<128xf32, #tpu.memory_space<smem>>
    memref.store %add3A_1618, %arg7[%swap3A_1620] : memref<128xf32, #tpu.memory_space<smem>>
    %get3A_1622 = arith.constant 0 : i32
    %get3A_1623 = arith.constant 89 : i32
    %get3A_1624 = arith.index_cast %get3A_1622 : i32 to index
    %get3A_1625 = arith.index_cast %get3A_1623 : i32 to index
    %get3A_1626 = memref.load %arg5[%get3A_1624, %get3A_1625] : memref<1x128xf32, #tpu.memory_space<smem>>
    %mul3A_1627 = arith.mulf %sub3A_7, %get3A_1626 : f32
    %sub3A_1628 = arith.constant 1.000000e+00 : f32
    %sub3A_1629 = arith.subf %sub3A_1628, %sub3A_7 : f32
    %get3A_1630 = arith.constant 0 : i32
    %get3A_1631 = arith.constant 89 : i32
    %get3A_1632 = arith.index_cast %get3A_1630 : i32 to index
    %get3A_1633 = arith.index_cast %get3A_1631 : i32 to index
    %get3A_1634 = memref.load %arg6[%get3A_1632, %get3A_1633] : memref<1x128xf32, #tpu.memory_space<smem>>
    %mul3A_1635 = arith.mulf %sub3A_1629, %get3A_1634 : f32
    %add3A_1636 = arith.addf %mul3A_1627, %mul3A_1635 : f32
    %swap3A_1637 = arith.constant 89 : i32
    %swap3A_1638 = arith.index_cast %swap3A_1637 : i32 to index
    %swap3A_1639 = memref.load %arg7[%swap3A_1638] : memref<128xf32, #tpu.memory_space<smem>>
    memref.store %add3A_1636, %arg7[%swap3A_1638] : memref<128xf32, #tpu.memory_space<smem>>
    %get3A_1640 = arith.constant 0 : i32
    %get3A_1641 = arith.constant 90 : i32
    %get3A_1642 = arith.index_cast %get3A_1640 : i32 to index
    %get3A_1643 = arith.index_cast %get3A_1641 : i32 to index
    %get3A_1644 = memref.load %arg5[%get3A_1642, %get3A_1643] : memref<1x128xf32, #tpu.memory_space<smem>>
    %mul3A_1645 = arith.mulf %sub3A_7, %get3A_1644 : f32
    %sub3A_1646 = arith.constant 1.000000e+00 : f32
    %sub3A_1647 = arith.subf %sub3A_1646, %sub3A_7 : f32
    %get3A_1648 = arith.constant 0 : i32
    %get3A_1649 = arith.constant 90 : i32
    %get3A_1650 = arith.index_cast %get3A_1648 : i32 to index
    %get3A_1651 = arith.index_cast %get3A_1649 : i32 to index
    %get3A_1652 = memref.load %arg6[%get3A_1650, %get3A_1651] : memref<1x128xf32, #tpu.memory_space<smem>>
    %mul3A_1653 = arith.mulf %sub3A_1647, %get3A_1652 : f32
    %add3A_1654 = arith.addf %mul3A_1645, %mul3A_1653 : f32
    %swap3A_1655 = arith.constant 90 : i32
    %swap3A_1656 = arith.index_cast %swap3A_1655 : i32 to index
    %swap3A_1657 = memref.load %arg7[%swap3A_1656] : memref<128xf32, #tpu.memory_space<smem>>
    memref.store %add3A_1654, %arg7[%swap3A_1656] : memref<128xf32, #tpu.memory_space<smem>>
    %get3A_1658 = arith.constant 0 : i32
    %get3A_1659 = arith.constant 91 : i32
    %get3A_1660 = arith.index_cast %get3A_1658 : i32 to index
    %get3A_1661 = arith.index_cast %get3A_1659 : i32 to index
    %get3A_1662 = memref.load %arg5[%get3A_1660, %get3A_1661] : memref<1x128xf32, #tpu.memory_space<smem>>
    %mul3A_1663 = arith.mulf %sub3A_7, %get3A_1662 : f32
    %sub3A_1664 = arith.constant 1.000000e+00 : f32
    %sub3A_1665 = arith.subf %sub3A_1664, %sub3A_7 : f32
    %get3A_1666 = arith.constant 0 : i32
    %get3A_1667 = arith.constant 91 : i32
    %get3A_1668 = arith.index_cast %get3A_1666 : i32 to index
    %get3A_1669 = arith.index_cast %get3A_1667 : i32 to index
    %get3A_1670 = memref.load %arg6[%get3A_1668, %get3A_1669] : memref<1x128xf32, #tpu.memory_space<smem>>
    %mul3A_1671 = arith.mulf %sub3A_1665, %get3A_1670 : f32
    %add3A_1672 = arith.addf %mul3A_1663, %mul3A_1671 : f32
    %swap3A_1673 = arith.constant 91 : i32
    %swap3A_1674 = arith.index_cast %swap3A_1673 : i32 to index
    %swap3A_1675 = memref.load %arg7[%swap3A_1674] : memref<128xf32, #tpu.memory_space<smem>>
    memref.store %add3A_1672, %arg7[%swap3A_1674] : memref<128xf32, #tpu.memory_space<smem>>
    %get3A_1676 = arith.constant 0 : i32
    %get3A_1677 = arith.constant 92 : i32
    %get3A_1678 = arith.index_cast %get3A_1676 : i32 to index
    %get3A_1679 = arith.index_cast %get3A_1677 : i32 to index
    %get3A_1680 = memref.load %arg5[%get3A_1678, %get3A_1679] : memref<1x128xf32, #tpu.memory_space<smem>>
    %mul3A_1681 = arith.mulf %sub3A_7, %get3A_1680 : f32
    %sub3A_1682 = arith.constant 1.000000e+00 : f32
    %sub3A_1683 = arith.subf %sub3A_1682, %sub3A_7 : f32
    %get3A_1684 = arith.constant 0 : i32
    %get3A_1685 = arith.constant 92 : i32
    %get3A_1686 = arith.index_cast %get3A_1684 : i32 to index
    %get3A_1687 = arith.index_cast %get3A_1685 : i32 to index
    %get3A_1688 = memref.load %arg6[%get3A_1686, %get3A_1687] : memref<1x128xf32, #tpu.memory_space<smem>>
    %mul3A_1689 = arith.mulf %sub3A_1683, %get3A_1688 : f32
    %add3A_1690 = arith.addf %mul3A_1681, %mul3A_1689 : f32
    %swap3A_1691 = arith.constant 92 : i32
    %swap3A_1692 = arith.index_cast %swap3A_1691 : i32 to index
    %swap3A_1693 = memref.load %arg7[%swap3A_1692] : memref<128xf32, #tpu.memory_space<smem>>
    memref.store %add3A_1690, %arg7[%swap3A_1692] : memref<128xf32, #tpu.memory_space<smem>>
    %get3A_1694 = arith.constant 0 : i32
    %get3A_1695 = arith.constant 93 : i32
    %get3A_1696 = arith.index_cast %get3A_1694 : i32 to index
    %get3A_1697 = arith.index_cast %get3A_1695 : i32 to index
    %get3A_1698 = memref.load %arg5[%get3A_1696, %get3A_1697] : memref<1x128xf32, #tpu.memory_space<smem>>
    %mul3A_1699 = arith.mulf %sub3A_7, %get3A_1698 : f32
    %sub3A_1700 = arith.constant 1.000000e+00 : f32
    %sub3A_1701 = arith.subf %sub3A_1700, %sub3A_7 : f32
    %get3A_1702 = arith.constant 0 : i32
    %get3A_1703 = arith.constant 93 : i32
    %get3A_1704 = arith.index_cast %get3A_1702 : i32 to index
    %get3A_1705 = arith.index_cast %get3A_1703 : i32 to index
    %get3A_1706 = memref.load %arg6[%get3A_1704, %get3A_1705] : memref<1x128xf32, #tpu.memory_space<smem>>
    %mul3A_1707 = arith.mulf %sub3A_1701, %get3A_1706 : f32
    %add3A_1708 = arith.addf %mul3A_1699, %mul3A_1707 : f32
    %swap3A_1709 = arith.constant 93 : i32
    %swap3A_1710 = arith.index_cast %swap3A_1709 : i32 to index
    %swap3A_1711 = memref.load %arg7[%swap3A_1710] : memref<128xf32, #tpu.memory_space<smem>>
    memref.store %add3A_1708, %arg7[%swap3A_1710] : memref<128xf32, #tpu.memory_space<smem>>
    %get3A_1712 = arith.constant 0 : i32
    %get3A_1713 = arith.constant 94 : i32
    %get3A_1714 = arith.index_cast %get3A_1712 : i32 to index
    %get3A_1715 = arith.index_cast %get3A_1713 : i32 to index
    %get3A_1716 = memref.load %arg5[%get3A_1714, %get3A_1715] : memref<1x128xf32, #tpu.memory_space<smem>>
    %mul3A_1717 = arith.mulf %sub3A_7, %get3A_1716 : f32
    %sub3A_1718 = arith.constant 1.000000e+00 : f32
    %sub3A_1719 = arith.subf %sub3A_1718, %sub3A_7 : f32
    %get3A_1720 = arith.constant 0 : i32
    %get3A_1721 = arith.constant 94 : i32
    %get3A_1722 = arith.index_cast %get3A_1720 : i32 to index
    %get3A_1723 = arith.index_cast %get3A_1721 : i32 to index
    %get3A_1724 = memref.load %arg6[%get3A_1722, %get3A_1723] : memref<1x128xf32, #tpu.memory_space<smem>>
    %mul3A_1725 = arith.mulf %sub3A_1719, %get3A_1724 : f32
    %add3A_1726 = arith.addf %mul3A_1717, %mul3A_1725 : f32
    %swap3A_1727 = arith.constant 94 : i32
    %swap3A_1728 = arith.index_cast %swap3A_1727 : i32 to index
    %swap3A_1729 = memref.load %arg7[%swap3A_1728] : memref<128xf32, #tpu.memory_space<smem>>
    memref.store %add3A_1726, %arg7[%swap3A_1728] : memref<128xf32, #tpu.memory_space<smem>>
    %get3A_1730 = arith.constant 0 : i32
    %get3A_1731 = arith.constant 95 : i32
    %get3A_1732 = arith.index_cast %get3A_1730 : i32 to index
    %get3A_1733 = arith.index_cast %get3A_1731 : i32 to index
    %get3A_1734 = memref.load %arg5[%get3A_1732, %get3A_1733] : memref<1x128xf32, #tpu.memory_space<smem>>
    %mul3A_1735 = arith.mulf %sub3A_7, %get3A_1734 : f32
    %sub3A_1736 = arith.constant 1.000000e+00 : f32
    %sub3A_1737 = arith.subf %sub3A_1736, %sub3A_7 : f32
    %get3A_1738 = arith.constant 0 : i32
    %get3A_1739 = arith.constant 95 : i32
    %get3A_1740 = arith.index_cast %get3A_1738 : i32 to index
    %get3A_1741 = arith.index_cast %get3A_1739 : i32 to index
    %get3A_1742 = memref.load %arg6[%get3A_1740, %get3A_1741] : memref<1x128xf32, #tpu.memory_space<smem>>
    %mul3A_1743 = arith.mulf %sub3A_1737, %get3A_1742 : f32
    %add3A_1744 = arith.addf %mul3A_1735, %mul3A_1743 : f32
    %swap3A_1745 = arith.constant 95 : i32
    %swap3A_1746 = arith.index_cast %swap3A_1745 : i32 to index
    %swap3A_1747 = memref.load %arg7[%swap3A_1746] : memref<128xf32, #tpu.memory_space<smem>>
    memref.store %add3A_1744, %arg7[%swap3A_1746] : memref<128xf32, #tpu.memory_space<smem>>
    %get3A_1748 = arith.constant 0 : i32
    %get3A_1749 = arith.constant 96 : i32
    %get3A_1750 = arith.index_cast %get3A_1748 : i32 to index
    %get3A_1751 = arith.index_cast %get3A_1749 : i32 to index
    %get3A_1752 = memref.load %arg5[%get3A_1750, %get3A_1751] : memref<1x128xf32, #tpu.memory_space<smem>>
    %mul3A_1753 = arith.mulf %sub3A_7, %get3A_1752 : f32
    %sub3A_1754 = arith.constant 1.000000e+00 : f32
    %sub3A_1755 = arith.subf %sub3A_1754, %sub3A_7 : f32
    %get3A_1756 = arith.constant 0 : i32
    %get3A_1757 = arith.constant 96 : i32
    %get3A_1758 = arith.index_cast %get3A_1756 : i32 to index
    %get3A_1759 = arith.index_cast %get3A_1757 : i32 to index
    %get3A_1760 = memref.load %arg6[%get3A_1758, %get3A_1759] : memref<1x128xf32, #tpu.memory_space<smem>>
    %mul3A_1761 = arith.mulf %sub3A_1755, %get3A_1760 : f32
    %add3A_1762 = arith.addf %mul3A_1753, %mul3A_1761 : f32
    %swap3A_1763 = arith.constant 96 : i32
    %swap3A_1764 = arith.index_cast %swap3A_1763 : i32 to index
    %swap3A_1765 = memref.load %arg7[%swap3A_1764] : memref<128xf32, #tpu.memory_space<smem>>
    memref.store %add3A_1762, %arg7[%swap3A_1764] : memref<128xf32, #tpu.memory_space<smem>>
    %get3A_1766 = arith.constant 0 : i32
    %get3A_1767 = arith.constant 97 : i32
    %get3A_1768 = arith.index_cast %get3A_1766 : i32 to index
    %get3A_1769 = arith.index_cast %get3A_1767 : i32 to index
    %get3A_1770 = memref.load %arg5[%get3A_1768, %get3A_1769] : memref<1x128xf32, #tpu.memory_space<smem>>
    %mul3A_1771 = arith.mulf %sub3A_7, %get3A_1770 : f32
    %sub3A_1772 = arith.constant 1.000000e+00 : f32
    %sub3A_1773 = arith.subf %sub3A_1772, %sub3A_7 : f32
    %get3A_1774 = arith.constant 0 : i32
    %get3A_1775 = arith.constant 97 : i32
    %get3A_1776 = arith.index_cast %get3A_1774 : i32 to index
    %get3A_1777 = arith.index_cast %get3A_1775 : i32 to index
    %get3A_1778 = memref.load %arg6[%get3A_1776, %get3A_1777] : memref<1x128xf32, #tpu.memory_space<smem>>
    %mul3A_1779 = arith.mulf %sub3A_1773, %get3A_1778 : f32
    %add3A_1780 = arith.addf %mul3A_1771, %mul3A_1779 : f32
    %swap3A_1781 = arith.constant 97 : i32
    %swap3A_1782 = arith.index_cast %swap3A_1781 : i32 to index
    %swap3A_1783 = memref.load %arg7[%swap3A_1782] : memref<128xf32, #tpu.memory_space<smem>>
    memref.store %add3A_1780, %arg7[%swap3A_1782] : memref<128xf32, #tpu.memory_space<smem>>
    %get3A_1784 = arith.constant 0 : i32
    %get3A_1785 = arith.constant 98 : i32
    %get3A_1786 = arith.index_cast %get3A_1784 : i32 to index
    %get3A_1787 = arith.index_cast %get3A_1785 : i32 to index
    %get3A_1788 = memref.load %arg5[%get3A_1786, %get3A_1787] : memref<1x128xf32, #tpu.memory_space<smem>>
    %mul3A_1789 = arith.mulf %sub3A_7, %get3A_1788 : f32
    %sub3A_1790 = arith.constant 1.000000e+00 : f32
    %sub3A_1791 = arith.subf %sub3A_1790, %sub3A_7 : f32
    %get3A_1792 = arith.constant 0 : i32
    %get3A_1793 = arith.constant 98 : i32
    %get3A_1794 = arith.index_cast %get3A_1792 : i32 to index
    %get3A_1795 = arith.index_cast %get3A_1793 : i32 to index
    %get3A_1796 = memref.load %arg6[%get3A_1794, %get3A_1795] : memref<1x128xf32, #tpu.memory_space<smem>>
    %mul3A_1797 = arith.mulf %sub3A_1791, %get3A_1796 : f32
    %add3A_1798 = arith.addf %mul3A_1789, %mul3A_1797 : f32
    %swap3A_1799 = arith.constant 98 : i32
    %swap3A_1800 = arith.index_cast %swap3A_1799 : i32 to index
    %swap3A_1801 = memref.load %arg7[%swap3A_1800] : memref<128xf32, #tpu.memory_space<smem>>
    memref.store %add3A_1798, %arg7[%swap3A_1800] : memref<128xf32, #tpu.memory_space<smem>>
    %get3A_1802 = arith.constant 0 : i32
    %get3A_1803 = arith.constant 99 : i32
    %get3A_1804 = arith.index_cast %get3A_1802 : i32 to index
    %get3A_1805 = arith.index_cast %get3A_1803 : i32 to index
    %get3A_1806 = memref.load %arg5[%get3A_1804, %get3A_1805] : memref<1x128xf32, #tpu.memory_space<smem>>
    %mul3A_1807 = arith.mulf %sub3A_7, %get3A_1806 : f32
    %sub3A_1808 = arith.constant 1.000000e+00 : f32
    %sub3A_1809 = arith.subf %sub3A_1808, %sub3A_7 : f32
    %get3A_1810 = arith.constant 0 : i32
    %get3A_1811 = arith.constant 99 : i32
    %get3A_1812 = arith.index_cast %get3A_1810 : i32 to index
    %get3A_1813 = arith.index_cast %get3A_1811 : i32 to index
    %get3A_1814 = memref.load %arg6[%get3A_1812, %get3A_1813] : memref<1x128xf32, #tpu.memory_space<smem>>
    %mul3A_1815 = arith.mulf %sub3A_1809, %get3A_1814 : f32
    %add3A_1816 = arith.addf %mul3A_1807, %mul3A_1815 : f32
    %swap3A_1817 = arith.constant 99 : i32
    %swap3A_1818 = arith.index_cast %swap3A_1817 : i32 to index
    %swap3A_1819 = memref.load %arg7[%swap3A_1818] : memref<128xf32, #tpu.memory_space<smem>>
    memref.store %add3A_1816, %arg7[%swap3A_1818] : memref<128xf32, #tpu.memory_space<smem>>
    %get3A_1820 = arith.constant 0 : i32
    %get3A_1821 = arith.constant 100 : i32
    %get3A_1822 = arith.index_cast %get3A_1820 : i32 to index
    %get3A_1823 = arith.index_cast %get3A_1821 : i32 to index
    %get3A_1824 = memref.load %arg5[%get3A_1822, %get3A_1823] : memref<1x128xf32, #tpu.memory_space<smem>>
    %mul3A_1825 = arith.mulf %sub3A_7, %get3A_1824 : f32
    %sub3A_1826 = arith.constant 1.000000e+00 : f32
    %sub3A_1827 = arith.subf %sub3A_1826, %sub3A_7 : f32
    %get3A_1828 = arith.constant 0 : i32
    %get3A_1829 = arith.constant 100 : i32
    %get3A_1830 = arith.index_cast %get3A_1828 : i32 to index
    %get3A_1831 = arith.index_cast %get3A_1829 : i32 to index
    %get3A_1832 = memref.load %arg6[%get3A_1830, %get3A_1831] : memref<1x128xf32, #tpu.memory_space<smem>>
    %mul3A_1833 = arith.mulf %sub3A_1827, %get3A_1832 : f32
    %add3A_1834 = arith.addf %mul3A_1825, %mul3A_1833 : f32
    %swap3A_1835 = arith.constant 100 : i32
    %swap3A_1836 = arith.index_cast %swap3A_1835 : i32 to index
    %swap3A_1837 = memref.load %arg7[%swap3A_1836] : memref<128xf32, #tpu.memory_space<smem>>
    memref.store %add3A_1834, %arg7[%swap3A_1836] : memref<128xf32, #tpu.memory_space<smem>>
    %get3A_1838 = arith.constant 0 : i32
    %get3A_1839 = arith.constant 101 : i32
    %get3A_1840 = arith.index_cast %get3A_1838 : i32 to index
    %get3A_1841 = arith.index_cast %get3A_1839 : i32 to index
    %get3A_1842 = memref.load %arg5[%get3A_1840, %get3A_1841] : memref<1x128xf32, #tpu.memory_space<smem>>
    %mul3A_1843 = arith.mulf %sub3A_7, %get3A_1842 : f32
    %sub3A_1844 = arith.constant 1.000000e+00 : f32
    %sub3A_1845 = arith.subf %sub3A_1844, %sub3A_7 : f32
    %get3A_1846 = arith.constant 0 : i32
    %get3A_1847 = arith.constant 101 : i32
    %get3A_1848 = arith.index_cast %get3A_1846 : i32 to index
    %get3A_1849 = arith.index_cast %get3A_1847 : i32 to index
    %get3A_1850 = memref.load %arg6[%get3A_1848, %get3A_1849] : memref<1x128xf32, #tpu.memory_space<smem>>
    %mul3A_1851 = arith.mulf %sub3A_1845, %get3A_1850 : f32
    %add3A_1852 = arith.addf %mul3A_1843, %mul3A_1851 : f32
    %swap3A_1853 = arith.constant 101 : i32
    %swap3A_1854 = arith.index_cast %swap3A_1853 : i32 to index
    %swap3A_1855 = memref.load %arg7[%swap3A_1854] : memref<128xf32, #tpu.memory_space<smem>>
    memref.store %add3A_1852, %arg7[%swap3A_1854] : memref<128xf32, #tpu.memory_space<smem>>
    %get3A_1856 = arith.constant 0 : i32
    %get3A_1857 = arith.constant 102 : i32
    %get3A_1858 = arith.index_cast %get3A_1856 : i32 to index
    %get3A_1859 = arith.index_cast %get3A_1857 : i32 to index
    %get3A_1860 = memref.load %arg5[%get3A_1858, %get3A_1859] : memref<1x128xf32, #tpu.memory_space<smem>>
    %mul3A_1861 = arith.mulf %sub3A_7, %get3A_1860 : f32
    %sub3A_1862 = arith.constant 1.000000e+00 : f32
    %sub3A_1863 = arith.subf %sub3A_1862, %sub3A_7 : f32
    %get3A_1864 = arith.constant 0 : i32
    %get3A_1865 = arith.constant 102 : i32
    %get3A_1866 = arith.index_cast %get3A_1864 : i32 to index
    %get3A_1867 = arith.index_cast %get3A_1865 : i32 to index
    %get3A_1868 = memref.load %arg6[%get3A_1866, %get3A_1867] : memref<1x128xf32, #tpu.memory_space<smem>>
    %mul3A_1869 = arith.mulf %sub3A_1863, %get3A_1868 : f32
    %add3A_1870 = arith.addf %mul3A_1861, %mul3A_1869 : f32
    %swap3A_1871 = arith.constant 102 : i32
    %swap3A_1872 = arith.index_cast %swap3A_1871 : i32 to index
    %swap3A_1873 = memref.load %arg7[%swap3A_1872] : memref<128xf32, #tpu.memory_space<smem>>
    memref.store %add3A_1870, %arg7[%swap3A_1872] : memref<128xf32, #tpu.memory_space<smem>>
    %get3A_1874 = arith.constant 0 : i32
    %get3A_1875 = arith.constant 103 : i32
    %get3A_1876 = arith.index_cast %get3A_1874 : i32 to index
    %get3A_1877 = arith.index_cast %get3A_1875 : i32 to index
    %get3A_1878 = memref.load %arg5[%get3A_1876, %get3A_1877] : memref<1x128xf32, #tpu.memory_space<smem>>
    %mul3A_1879 = arith.mulf %sub3A_7, %get3A_1878 : f32
    %sub3A_1880 = arith.constant 1.000000e+00 : f32
    %sub3A_1881 = arith.subf %sub3A_1880, %sub3A_7 : f32
    %get3A_1882 = arith.constant 0 : i32
    %get3A_1883 = arith.constant 103 : i32
    %get3A_1884 = arith.index_cast %get3A_1882 : i32 to index
    %get3A_1885 = arith.index_cast %get3A_1883 : i32 to index
    %get3A_1886 = memref.load %arg6[%get3A_1884, %get3A_1885] : memref<1x128xf32, #tpu.memory_space<smem>>
    %mul3A_1887 = arith.mulf %sub3A_1881, %get3A_1886 : f32
    %add3A_1888 = arith.addf %mul3A_1879, %mul3A_1887 : f32
    %swap3A_1889 = arith.constant 103 : i32
    %swap3A_1890 = arith.index_cast %swap3A_1889 : i32 to index
    %swap3A_1891 = memref.load %arg7[%swap3A_1890] : memref<128xf32, #tpu.memory_space<smem>>
    memref.store %add3A_1888, %arg7[%swap3A_1890] : memref<128xf32, #tpu.memory_space<smem>>
    %get3A_1892 = arith.constant 0 : i32
    %get3A_1893 = arith.constant 104 : i32
    %get3A_1894 = arith.index_cast %get3A_1892 : i32 to index
    %get3A_1895 = arith.index_cast %get3A_1893 : i32 to index
    %get3A_1896 = memref.load %arg5[%get3A_1894, %get3A_1895] : memref<1x128xf32, #tpu.memory_space<smem>>
    %mul3A_1897 = arith.mulf %sub3A_7, %get3A_1896 : f32
    %sub3A_1898 = arith.constant 1.000000e+00 : f32
    %sub3A_1899 = arith.subf %sub3A_1898, %sub3A_7 : f32
    %get3A_1900 = arith.constant 0 : i32
    %get3A_1901 = arith.constant 104 : i32
    %get3A_1902 = arith.index_cast %get3A_1900 : i32 to index
    %get3A_1903 = arith.index_cast %get3A_1901 : i32 to index
    %get3A_1904 = memref.load %arg6[%get3A_1902, %get3A_1903] : memref<1x128xf32, #tpu.memory_space<smem>>
    %mul3A_1905 = arith.mulf %sub3A_1899, %get3A_1904 : f32
    %add3A_1906 = arith.addf %mul3A_1897, %mul3A_1905 : f32
    %swap3A_1907 = arith.constant 104 : i32
    %swap3A_1908 = arith.index_cast %swap3A_1907 : i32 to index
    %swap3A_1909 = memref.load %arg7[%swap3A_1908] : memref<128xf32, #tpu.memory_space<smem>>
    memref.store %add3A_1906, %arg7[%swap3A_1908] : memref<128xf32, #tpu.memory_space<smem>>
    %get3A_1910 = arith.constant 0 : i32
    %get3A_1911 = arith.constant 105 : i32
    %get3A_1912 = arith.index_cast %get3A_1910 : i32 to index
    %get3A_1913 = arith.index_cast %get3A_1911 : i32 to index
    %get3A_1914 = memref.load %arg5[%get3A_1912, %get3A_1913] : memref<1x128xf32, #tpu.memory_space<smem>>
    %mul3A_1915 = arith.mulf %sub3A_7, %get3A_1914 : f32
    %sub3A_1916 = arith.constant 1.000000e+00 : f32
    %sub3A_1917 = arith.subf %sub3A_1916, %sub3A_7 : f32
    %get3A_1918 = arith.constant 0 : i32
    %get3A_1919 = arith.constant 105 : i32
    %get3A_1920 = arith.index_cast %get3A_1918 : i32 to index
    %get3A_1921 = arith.index_cast %get3A_1919 : i32 to index
    %get3A_1922 = memref.load %arg6[%get3A_1920, %get3A_1921] : memref<1x128xf32, #tpu.memory_space<smem>>
    %mul3A_1923 = arith.mulf %sub3A_1917, %get3A_1922 : f32
    %add3A_1924 = arith.addf %mul3A_1915, %mul3A_1923 : f32
    %swap3A_1925 = arith.constant 105 : i32
    %swap3A_1926 = arith.index_cast %swap3A_1925 : i32 to index
    %swap3A_1927 = memref.load %arg7[%swap3A_1926] : memref<128xf32, #tpu.memory_space<smem>>
    memref.store %add3A_1924, %arg7[%swap3A_1926] : memref<128xf32, #tpu.memory_space<smem>>
    %get3A_1928 = arith.constant 0 : i32
    %get3A_1929 = arith.constant 106 : i32
    %get3A_1930 = arith.index_cast %get3A_1928 : i32 to index
    %get3A_1931 = arith.index_cast %get3A_1929 : i32 to index
    %get3A_1932 = memref.load %arg5[%get3A_1930, %get3A_1931] : memref<1x128xf32, #tpu.memory_space<smem>>
    %mul3A_1933 = arith.mulf %sub3A_7, %get3A_1932 : f32
    %sub3A_1934 = arith.constant 1.000000e+00 : f32
    %sub3A_1935 = arith.subf %sub3A_1934, %sub3A_7 : f32
    %get3A_1936 = arith.constant 0 : i32
    %get3A_1937 = arith.constant 106 : i32
    %get3A_1938 = arith.index_cast %get3A_1936 : i32 to index
    %get3A_1939 = arith.index_cast %get3A_1937 : i32 to index
    %get3A_1940 = memref.load %arg6[%get3A_1938, %get3A_1939] : memref<1x128xf32, #tpu.memory_space<smem>>
    %mul3A_1941 = arith.mulf %sub3A_1935, %get3A_1940 : f32
    %add3A_1942 = arith.addf %mul3A_1933, %mul3A_1941 : f32
    %swap3A_1943 = arith.constant 106 : i32
    %swap3A_1944 = arith.index_cast %swap3A_1943 : i32 to index
    %swap3A_1945 = memref.load %arg7[%swap3A_1944] : memref<128xf32, #tpu.memory_space<smem>>
    memref.store %add3A_1942, %arg7[%swap3A_1944] : memref<128xf32, #tpu.memory_space<smem>>
    %get3A_1946 = arith.constant 0 : i32
    %get3A_1947 = arith.constant 107 : i32
    %get3A_1948 = arith.index_cast %get3A_1946 : i32 to index
    %get3A_1949 = arith.index_cast %get3A_1947 : i32 to index
    %get3A_1950 = memref.load %arg5[%get3A_1948, %get3A_1949] : memref<1x128xf32, #tpu.memory_space<smem>>
    %mul3A_1951 = arith.mulf %sub3A_7, %get3A_1950 : f32
    %sub3A_1952 = arith.constant 1.000000e+00 : f32
    %sub3A_1953 = arith.subf %sub3A_1952, %sub3A_7 : f32
    %get3A_1954 = arith.constant 0 : i32
    %get3A_1955 = arith.constant 107 : i32
    %get3A_1956 = arith.index_cast %get3A_1954 : i32 to index
    %get3A_1957 = arith.index_cast %get3A_1955 : i32 to index
    %get3A_1958 = memref.load %arg6[%get3A_1956, %get3A_1957] : memref<1x128xf32, #tpu.memory_space<smem>>
    %mul3A_1959 = arith.mulf %sub3A_1953, %get3A_1958 : f32
    %add3A_1960 = arith.addf %mul3A_1951, %mul3A_1959 : f32
    %swap3A_1961 = arith.constant 107 : i32
    %swap3A_1962 = arith.index_cast %swap3A_1961 : i32 to index
    %swap3A_1963 = memref.load %arg7[%swap3A_1962] : memref<128xf32, #tpu.memory_space<smem>>
    memref.store %add3A_1960, %arg7[%swap3A_1962] : memref<128xf32, #tpu.memory_space<smem>>
    %get3A_1964 = arith.constant 0 : i32
    %get3A_1965 = arith.constant 108 : i32
    %get3A_1966 = arith.index_cast %get3A_1964 : i32 to index
    %get3A_1967 = arith.index_cast %get3A_1965 : i32 to index
    %get3A_1968 = memref.load %arg5[%get3A_1966, %get3A_1967] : memref<1x128xf32, #tpu.memory_space<smem>>
    %mul3A_1969 = arith.mulf %sub3A_7, %get3A_1968 : f32
    %sub3A_1970 = arith.constant 1.000000e+00 : f32
    %sub3A_1971 = arith.subf %sub3A_1970, %sub3A_7 : f32
    %get3A_1972 = arith.constant 0 : i32
    %get3A_1973 = arith.constant 108 : i32
    %get3A_1974 = arith.index_cast %get3A_1972 : i32 to index
    %get3A_1975 = arith.index_cast %get3A_1973 : i32 to index
    %get3A_1976 = memref.load %arg6[%get3A_1974, %get3A_1975] : memref<1x128xf32, #tpu.memory_space<smem>>
    %mul3A_1977 = arith.mulf %sub3A_1971, %get3A_1976 : f32
    %add3A_1978 = arith.addf %mul3A_1969, %mul3A_1977 : f32
    %swap3A_1979 = arith.constant 108 : i32
    %swap3A_1980 = arith.index_cast %swap3A_1979 : i32 to index
    %swap3A_1981 = memref.load %arg7[%swap3A_1980] : memref<128xf32, #tpu.memory_space<smem>>
    memref.store %add3A_1978, %arg7[%swap3A_1980] : memref<128xf32, #tpu.memory_space<smem>>
    %get3A_1982 = arith.constant 0 : i32
    %get3A_1983 = arith.constant 109 : i32
    %get3A_1984 = arith.index_cast %get3A_1982 : i32 to index
    %get3A_1985 = arith.index_cast %get3A_1983 : i32 to index
    %get3A_1986 = memref.load %arg5[%get3A_1984, %get3A_1985] : memref<1x128xf32, #tpu.memory_space<smem>>
    %mul3A_1987 = arith.mulf %sub3A_7, %get3A_1986 : f32
    %sub3A_1988 = arith.constant 1.000000e+00 : f32
    %sub3A_1989 = arith.subf %sub3A_1988, %sub3A_7 : f32
    %get3A_1990 = arith.constant 0 : i32
    %get3A_1991 = arith.constant 109 : i32
    %get3A_1992 = arith.index_cast %get3A_1990 : i32 to index
    %get3A_1993 = arith.index_cast %get3A_1991 : i32 to index
    %get3A_1994 = memref.load %arg6[%get3A_1992, %get3A_1993] : memref<1x128xf32, #tpu.memory_space<smem>>
    %mul3A_1995 = arith.mulf %sub3A_1989, %get3A_1994 : f32
    %add3A_1996 = arith.addf %mul3A_1987, %mul3A_1995 : f32
    %swap3A_1997 = arith.constant 109 : i32
    %swap3A_1998 = arith.index_cast %swap3A_1997 : i32 to index
    %swap3A_1999 = memref.load %arg7[%swap3A_1998] : memref<128xf32, #tpu.memory_space<smem>>
    memref.store %add3A_1996, %arg7[%swap3A_1998] : memref<128xf32, #tpu.memory_space<smem>>
    %get3A_2000 = arith.constant 0 : i32
    %get3A_2001 = arith.constant 110 : i32
    %get3A_2002 = arith.index_cast %get3A_2000 : i32 to index
    %get3A_2003 = arith.index_cast %get3A_2001 : i32 to index
    %get3A_2004 = memref.load %arg5[%get3A_2002, %get3A_2003] : memref<1x128xf32, #tpu.memory_space<smem>>
    %mul3A_2005 = arith.mulf %sub3A_7, %get3A_2004 : f32
    %sub3A_2006 = arith.constant 1.000000e+00 : f32
    %sub3A_2007 = arith.subf %sub3A_2006, %sub3A_7 : f32
    %get3A_2008 = arith.constant 0 : i32
    %get3A_2009 = arith.constant 110 : i32
    %get3A_2010 = arith.index_cast %get3A_2008 : i32 to index
    %get3A_2011 = arith.index_cast %get3A_2009 : i32 to index
    %get3A_2012 = memref.load %arg6[%get3A_2010, %get3A_2011] : memref<1x128xf32, #tpu.memory_space<smem>>
    %mul3A_2013 = arith.mulf %sub3A_2007, %get3A_2012 : f32
    %add3A_2014 = arith.addf %mul3A_2005, %mul3A_2013 : f32
    %swap3A_2015 = arith.constant 110 : i32
    %swap3A_2016 = arith.index_cast %swap3A_2015 : i32 to index
    %swap3A_2017 = memref.load %arg7[%swap3A_2016] : memref<128xf32, #tpu.memory_space<smem>>
    memref.store %add3A_2014, %arg7[%swap3A_2016] : memref<128xf32, #tpu.memory_space<smem>>
    %get3A_2018 = arith.constant 0 : i32
    %get3A_2019 = arith.constant 111 : i32
    %get3A_2020 = arith.index_cast %get3A_2018 : i32 to index
    %get3A_2021 = arith.index_cast %get3A_2019 : i32 to index
    %get3A_2022 = memref.load %arg5[%get3A_2020, %get3A_2021] : memref<1x128xf32, #tpu.memory_space<smem>>
    %mul3A_2023 = arith.mulf %sub3A_7, %get3A_2022 : f32
    %sub3A_2024 = arith.constant 1.000000e+00 : f32
    %sub3A_2025 = arith.subf %sub3A_2024, %sub3A_7 : f32
    %get3A_2026 = arith.constant 0 : i32
    %get3A_2027 = arith.constant 111 : i32
    %get3A_2028 = arith.index_cast %get3A_2026 : i32 to index
    %get3A_2029 = arith.index_cast %get3A_2027 : i32 to index
    %get3A_2030 = memref.load %arg6[%get3A_2028, %get3A_2029] : memref<1x128xf32, #tpu.memory_space<smem>>
    %mul3A_2031 = arith.mulf %sub3A_2025, %get3A_2030 : f32
    %add3A_2032 = arith.addf %mul3A_2023, %mul3A_2031 : f32
    %swap3A_2033 = arith.constant 111 : i32
    %swap3A_2034 = arith.index_cast %swap3A_2033 : i32 to index
    %swap3A_2035 = memref.load %arg7[%swap3A_2034] : memref<128xf32, #tpu.memory_space<smem>>
    memref.store %add3A_2032, %arg7[%swap3A_2034] : memref<128xf32, #tpu.memory_space<smem>>
    %get3A_2036 = arith.constant 0 : i32
    %get3A_2037 = arith.constant 112 : i32
    %get3A_2038 = arith.index_cast %get3A_2036 : i32 to index
    %get3A_2039 = arith.index_cast %get3A_2037 : i32 to index
    %get3A_2040 = memref.load %arg5[%get3A_2038, %get3A_2039] : memref<1x128xf32, #tpu.memory_space<smem>>
    %mul3A_2041 = arith.mulf %sub3A_7, %get3A_2040 : f32
    %sub3A_2042 = arith.constant 1.000000e+00 : f32
    %sub3A_2043 = arith.subf %sub3A_2042, %sub3A_7 : f32
    %get3A_2044 = arith.constant 0 : i32
    %get3A_2045 = arith.constant 112 : i32
    %get3A_2046 = arith.index_cast %get3A_2044 : i32 to index
    %get3A_2047 = arith.index_cast %get3A_2045 : i32 to index
    %get3A_2048 = memref.load %arg6[%get3A_2046, %get3A_2047] : memref<1x128xf32, #tpu.memory_space<smem>>
    %mul3A_2049 = arith.mulf %sub3A_2043, %get3A_2048 : f32
    %add3A_2050 = arith.addf %mul3A_2041, %mul3A_2049 : f32
    %swap3A_2051 = arith.constant 112 : i32
    %swap3A_2052 = arith.index_cast %swap3A_2051 : i32 to index
    %swap3A_2053 = memref.load %arg7[%swap3A_2052] : memref<128xf32, #tpu.memory_space<smem>>
    memref.store %add3A_2050, %arg7[%swap3A_2052] : memref<128xf32, #tpu.memory_space<smem>>
    %get3A_2054 = arith.constant 0 : i32
    %get3A_2055 = arith.constant 113 : i32
    %get3A_2056 = arith.index_cast %get3A_2054 : i32 to index
    %get3A_2057 = arith.index_cast %get3A_2055 : i32 to index
    %get3A_2058 = memref.load %arg5[%get3A_2056, %get3A_2057] : memref<1x128xf32, #tpu.memory_space<smem>>
    %mul3A_2059 = arith.mulf %sub3A_7, %get3A_2058 : f32
    %sub3A_2060 = arith.constant 1.000000e+00 : f32
    %sub3A_2061 = arith.subf %sub3A_2060, %sub3A_7 : f32
    %get3A_2062 = arith.constant 0 : i32
    %get3A_2063 = arith.constant 113 : i32
    %get3A_2064 = arith.index_cast %get3A_2062 : i32 to index
    %get3A_2065 = arith.index_cast %get3A_2063 : i32 to index
    %get3A_2066 = memref.load %arg6[%get3A_2064, %get3A_2065] : memref<1x128xf32, #tpu.memory_space<smem>>
    %mul3A_2067 = arith.mulf %sub3A_2061, %get3A_2066 : f32
    %add3A_2068 = arith.addf %mul3A_2059, %mul3A_2067 : f32
    %swap3A_2069 = arith.constant 113 : i32
    %swap3A_2070 = arith.index_cast %swap3A_2069 : i32 to index
    %swap3A_2071 = memref.load %arg7[%swap3A_2070] : memref<128xf32, #tpu.memory_space<smem>>
    memref.store %add3A_2068, %arg7[%swap3A_2070] : memref<128xf32, #tpu.memory_space<smem>>
    %get3A_2072 = arith.constant 0 : i32
    %get3A_2073 = arith.constant 114 : i32
    %get3A_2074 = arith.index_cast %get3A_2072 : i32 to index
    %get3A_2075 = arith.index_cast %get3A_2073 : i32 to index
    %get3A_2076 = memref.load %arg5[%get3A_2074, %get3A_2075] : memref<1x128xf32, #tpu.memory_space<smem>>
    %mul3A_2077 = arith.mulf %sub3A_7, %get3A_2076 : f32
    %sub3A_2078 = arith.constant 1.000000e+00 : f32
    %sub3A_2079 = arith.subf %sub3A_2078, %sub3A_7 : f32
    %get3A_2080 = arith.constant 0 : i32
    %get3A_2081 = arith.constant 114 : i32
    %get3A_2082 = arith.index_cast %get3A_2080 : i32 to index
    %get3A_2083 = arith.index_cast %get3A_2081 : i32 to index
    %get3A_2084 = memref.load %arg6[%get3A_2082, %get3A_2083] : memref<1x128xf32, #tpu.memory_space<smem>>
    %mul3A_2085 = arith.mulf %sub3A_2079, %get3A_2084 : f32
    %add3A_2086 = arith.addf %mul3A_2077, %mul3A_2085 : f32
    %swap3A_2087 = arith.constant 114 : i32
    %swap3A_2088 = arith.index_cast %swap3A_2087 : i32 to index
    %swap3A_2089 = memref.load %arg7[%swap3A_2088] : memref<128xf32, #tpu.memory_space<smem>>
    memref.store %add3A_2086, %arg7[%swap3A_2088] : memref<128xf32, #tpu.memory_space<smem>>
    %get3A_2090 = arith.constant 0 : i32
    %get3A_2091 = arith.constant 115 : i32
    %get3A_2092 = arith.index_cast %get3A_2090 : i32 to index
    %get3A_2093 = arith.index_cast %get3A_2091 : i32 to index
    %get3A_2094 = memref.load %arg5[%get3A_2092, %get3A_2093] : memref<1x128xf32, #tpu.memory_space<smem>>
    %mul3A_2095 = arith.mulf %sub3A_7, %get3A_2094 : f32
    %sub3A_2096 = arith.constant 1.000000e+00 : f32
    %sub3A_2097 = arith.subf %sub3A_2096, %sub3A_7 : f32
    %get3A_2098 = arith.constant 0 : i32
    %get3A_2099 = arith.constant 115 : i32
    %get3A_2100 = arith.index_cast %get3A_2098 : i32 to index
    %get3A_2101 = arith.index_cast %get3A_2099 : i32 to index
    %get3A_2102 = memref.load %arg6[%get3A_2100, %get3A_2101] : memref<1x128xf32, #tpu.memory_space<smem>>
    %mul3A_2103 = arith.mulf %sub3A_2097, %get3A_2102 : f32
    %add3A_2104 = arith.addf %mul3A_2095, %mul3A_2103 : f32
    %swap3A_2105 = arith.constant 115 : i32
    %swap3A_2106 = arith.index_cast %swap3A_2105 : i32 to index
    %swap3A_2107 = memref.load %arg7[%swap3A_2106] : memref<128xf32, #tpu.memory_space<smem>>
    memref.store %add3A_2104, %arg7[%swap3A_2106] : memref<128xf32, #tpu.memory_space<smem>>
    %get3A_2108 = arith.constant 0 : i32
    %get3A_2109 = arith.constant 116 : i32
    %get3A_2110 = arith.index_cast %get3A_2108 : i32 to index
    %get3A_2111 = arith.index_cast %get3A_2109 : i32 to index
    %get3A_2112 = memref.load %arg5[%get3A_2110, %get3A_2111] : memref<1x128xf32, #tpu.memory_space<smem>>
    %mul3A_2113 = arith.mulf %sub3A_7, %get3A_2112 : f32
    %sub3A_2114 = arith.constant 1.000000e+00 : f32
    %sub3A_2115 = arith.subf %sub3A_2114, %sub3A_7 : f32
    %get3A_2116 = arith.constant 0 : i32
    %get3A_2117 = arith.constant 116 : i32
    %get3A_2118 = arith.index_cast %get3A_2116 : i32 to index
    %get3A_2119 = arith.index_cast %get3A_2117 : i32 to index
    %get3A_2120 = memref.load %arg6[%get3A_2118, %get3A_2119] : memref<1x128xf32, #tpu.memory_space<smem>>
    %mul3A_2121 = arith.mulf %sub3A_2115, %get3A_2120 : f32
    %add3A_2122 = arith.addf %mul3A_2113, %mul3A_2121 : f32
    %swap3A_2123 = arith.constant 116 : i32
    %swap3A_2124 = arith.index_cast %swap3A_2123 : i32 to index
    %swap3A_2125 = memref.load %arg7[%swap3A_2124] : memref<128xf32, #tpu.memory_space<smem>>
    memref.store %add3A_2122, %arg7[%swap3A_2124] : memref<128xf32, #tpu.memory_space<smem>>
    %get3A_2126 = arith.constant 0 : i32
    %get3A_2127 = arith.constant 117 : i32
    %get3A_2128 = arith.index_cast %get3A_2126 : i32 to index
    %get3A_2129 = arith.index_cast %get3A_2127 : i32 to index
    %get3A_2130 = memref.load %arg5[%get3A_2128, %get3A_2129] : memref<1x128xf32, #tpu.memory_space<smem>>
    %mul3A_2131 = arith.mulf %sub3A_7, %get3A_2130 : f32
    %sub3A_2132 = arith.constant 1.000000e+00 : f32
    %sub3A_2133 = arith.subf %sub3A_2132, %sub3A_7 : f32
    %get3A_2134 = arith.constant 0 : i32
    %get3A_2135 = arith.constant 117 : i32
    %get3A_2136 = arith.index_cast %get3A_2134 : i32 to index
    %get3A_2137 = arith.index_cast %get3A_2135 : i32 to index
    %get3A_2138 = memref.load %arg6[%get3A_2136, %get3A_2137] : memref<1x128xf32, #tpu.memory_space<smem>>
    %mul3A_2139 = arith.mulf %sub3A_2133, %get3A_2138 : f32
    %add3A_2140 = arith.addf %mul3A_2131, %mul3A_2139 : f32
    %swap3A_2141 = arith.constant 117 : i32
    %swap3A_2142 = arith.index_cast %swap3A_2141 : i32 to index
    %swap3A_2143 = memref.load %arg7[%swap3A_2142] : memref<128xf32, #tpu.memory_space<smem>>
    memref.store %add3A_2140, %arg7[%swap3A_2142] : memref<128xf32, #tpu.memory_space<smem>>
    %get3A_2144 = arith.constant 0 : i32
    %get3A_2145 = arith.constant 118 : i32
    %get3A_2146 = arith.index_cast %get3A_2144 : i32 to index
    %get3A_2147 = arith.index_cast %get3A_2145 : i32 to index
    %get3A_2148 = memref.load %arg5[%get3A_2146, %get3A_2147] : memref<1x128xf32, #tpu.memory_space<smem>>
    %mul3A_2149 = arith.mulf %sub3A_7, %get3A_2148 : f32
    %sub3A_2150 = arith.constant 1.000000e+00 : f32
    %sub3A_2151 = arith.subf %sub3A_2150, %sub3A_7 : f32
    %get3A_2152 = arith.constant 0 : i32
    %get3A_2153 = arith.constant 118 : i32
    %get3A_2154 = arith.index_cast %get3A_2152 : i32 to index
    %get3A_2155 = arith.index_cast %get3A_2153 : i32 to index
    %get3A_2156 = memref.load %arg6[%get3A_2154, %get3A_2155] : memref<1x128xf32, #tpu.memory_space<smem>>
    %mul3A_2157 = arith.mulf %sub3A_2151, %get3A_2156 : f32
    %add3A_2158 = arith.addf %mul3A_2149, %mul3A_2157 : f32
    %swap3A_2159 = arith.constant 118 : i32
    %swap3A_2160 = arith.index_cast %swap3A_2159 : i32 to index
    %swap3A_2161 = memref.load %arg7[%swap3A_2160] : memref<128xf32, #tpu.memory_space<smem>>
    memref.store %add3A_2158, %arg7[%swap3A_2160] : memref<128xf32, #tpu.memory_space<smem>>
    %get3A_2162 = arith.constant 0 : i32
    %get3A_2163 = arith.constant 119 : i32
    %get3A_2164 = arith.index_cast %get3A_2162 : i32 to index
    %get3A_2165 = arith.index_cast %get3A_2163 : i32 to index
    %get3A_2166 = memref.load %arg5[%get3A_2164, %get3A_2165] : memref<1x128xf32, #tpu.memory_space<smem>>
    %mul3A_2167 = arith.mulf %sub3A_7, %get3A_2166 : f32
    %sub3A_2168 = arith.constant 1.000000e+00 : f32
    %sub3A_2169 = arith.subf %sub3A_2168, %sub3A_7 : f32
    %get3A_2170 = arith.constant 0 : i32
    %get3A_2171 = arith.constant 119 : i32
    %get3A_2172 = arith.index_cast %get3A_2170 : i32 to index
    %get3A_2173 = arith.index_cast %get3A_2171 : i32 to index
    %get3A_2174 = memref.load %arg6[%get3A_2172, %get3A_2173] : memref<1x128xf32, #tpu.memory_space<smem>>
    %mul3A_2175 = arith.mulf %sub3A_2169, %get3A_2174 : f32
    %add3A_2176 = arith.addf %mul3A_2167, %mul3A_2175 : f32
    %swap3A_2177 = arith.constant 119 : i32
    %swap3A_2178 = arith.index_cast %swap3A_2177 : i32 to index
    %swap3A_2179 = memref.load %arg7[%swap3A_2178] : memref<128xf32, #tpu.memory_space<smem>>
    memref.store %add3A_2176, %arg7[%swap3A_2178] : memref<128xf32, #tpu.memory_space<smem>>
    %get3A_2180 = arith.constant 0 : i32
    %get3A_2181 = arith.constant 120 : i32
    %get3A_2182 = arith.index_cast %get3A_2180 : i32 to index
    %get3A_2183 = arith.index_cast %get3A_2181 : i32 to index
    %get3A_2184 = memref.load %arg5[%get3A_2182, %get3A_2183] : memref<1x128xf32, #tpu.memory_space<smem>>
    %mul3A_2185 = arith.mulf %sub3A_7, %get3A_2184 : f32
    %sub3A_2186 = arith.constant 1.000000e+00 : f32
    %sub3A_2187 = arith.subf %sub3A_2186, %sub3A_7 : f32
    %get3A_2188 = arith.constant 0 : i32
    %get3A_2189 = arith.constant 120 : i32
    %get3A_2190 = arith.index_cast %get3A_2188 : i32 to index
    %get3A_2191 = arith.index_cast %get3A_2189 : i32 to index
    %get3A_2192 = memref.load %arg6[%get3A_2190, %get3A_2191] : memref<1x128xf32, #tpu.memory_space<smem>>
    %mul3A_2193 = arith.mulf %sub3A_2187, %get3A_2192 : f32
    %add3A_2194 = arith.addf %mul3A_2185, %mul3A_2193 : f32
    %swap3A_2195 = arith.constant 120 : i32
    %swap3A_2196 = arith.index_cast %swap3A_2195 : i32 to index
    %swap3A_2197 = memref.load %arg7[%swap3A_2196] : memref<128xf32, #tpu.memory_space<smem>>
    memref.store %add3A_2194, %arg7[%swap3A_2196] : memref<128xf32, #tpu.memory_space<smem>>
    %get3A_2198 = arith.constant 0 : i32
    %get3A_2199 = arith.constant 121 : i32
    %get3A_2200 = arith.index_cast %get3A_2198 : i32 to index
    %get3A_2201 = arith.index_cast %get3A_2199 : i32 to index
    %get3A_2202 = memref.load %arg5[%get3A_2200, %get3A_2201] : memref<1x128xf32, #tpu.memory_space<smem>>
    %mul3A_2203 = arith.mulf %sub3A_7, %get3A_2202 : f32
    %sub3A_2204 = arith.constant 1.000000e+00 : f32
    %sub3A_2205 = arith.subf %sub3A_2204, %sub3A_7 : f32
    %get3A_2206 = arith.constant 0 : i32
    %get3A_2207 = arith.constant 121 : i32
    %get3A_2208 = arith.index_cast %get3A_2206 : i32 to index
    %get3A_2209 = arith.index_cast %get3A_2207 : i32 to index
    %get3A_2210 = memref.load %arg6[%get3A_2208, %get3A_2209] : memref<1x128xf32, #tpu.memory_space<smem>>
    %mul3A_2211 = arith.mulf %sub3A_2205, %get3A_2210 : f32
    %add3A_2212 = arith.addf %mul3A_2203, %mul3A_2211 : f32
    %swap3A_2213 = arith.constant 121 : i32
    %swap3A_2214 = arith.index_cast %swap3A_2213 : i32 to index
    %swap3A_2215 = memref.load %arg7[%swap3A_2214] : memref<128xf32, #tpu.memory_space<smem>>
    memref.store %add3A_2212, %arg7[%swap3A_2214] : memref<128xf32, #tpu.memory_space<smem>>
    %get3A_2216 = arith.constant 0 : i32
    %get3A_2217 = arith.constant 122 : i32
    %get3A_2218 = arith.index_cast %get3A_2216 : i32 to index
    %get3A_2219 = arith.index_cast %get3A_2217 : i32 to index
    %get3A_2220 = memref.load %arg5[%get3A_2218, %get3A_2219] : memref<1x128xf32, #tpu.memory_space<smem>>
    %mul3A_2221 = arith.mulf %sub3A_7, %get3A_2220 : f32
    %sub3A_2222 = arith.constant 1.000000e+00 : f32
    %sub3A_2223 = arith.subf %sub3A_2222, %sub3A_7 : f32
    %get3A_2224 = arith.constant 0 : i32
    %get3A_2225 = arith.constant 122 : i32
    %get3A_2226 = arith.index_cast %get3A_2224 : i32 to index
    %get3A_2227 = arith.index_cast %get3A_2225 : i32 to index
    %get3A_2228 = memref.load %arg6[%get3A_2226, %get3A_2227] : memref<1x128xf32, #tpu.memory_space<smem>>
    %mul3A_2229 = arith.mulf %sub3A_2223, %get3A_2228 : f32
    %add3A_2230 = arith.addf %mul3A_2221, %mul3A_2229 : f32
    %swap3A_2231 = arith.constant 122 : i32
    %swap3A_2232 = arith.index_cast %swap3A_2231 : i32 to index
    %swap3A_2233 = memref.load %arg7[%swap3A_2232] : memref<128xf32, #tpu.memory_space<smem>>
    memref.store %add3A_2230, %arg7[%swap3A_2232] : memref<128xf32, #tpu.memory_space<smem>>
    %get3A_2234 = arith.constant 0 : i32
    %get3A_2235 = arith.constant 123 : i32
    %get3A_2236 = arith.index_cast %get3A_2234 : i32 to index
    %get3A_2237 = arith.index_cast %get3A_2235 : i32 to index
    %get3A_2238 = memref.load %arg5[%get3A_2236, %get3A_2237] : memref<1x128xf32, #tpu.memory_space<smem>>
    %mul3A_2239 = arith.mulf %sub3A_7, %get3A_2238 : f32
    %sub3A_2240 = arith.constant 1.000000e+00 : f32
    %sub3A_2241 = arith.subf %sub3A_2240, %sub3A_7 : f32
    %get3A_2242 = arith.constant 0 : i32
    %get3A_2243 = arith.constant 123 : i32
    %get3A_2244 = arith.index_cast %get3A_2242 : i32 to index
    %get3A_2245 = arith.index_cast %get3A_2243 : i32 to index
    %get3A_2246 = memref.load %arg6[%get3A_2244, %get3A_2245] : memref<1x128xf32, #tpu.memory_space<smem>>
    %mul3A_2247 = arith.mulf %sub3A_2241, %get3A_2246 : f32
    %add3A_2248 = arith.addf %mul3A_2239, %mul3A_2247 : f32
    %swap3A_2249 = arith.constant 123 : i32
    %swap3A_2250 = arith.index_cast %swap3A_2249 : i32 to index
    %swap3A_2251 = memref.load %arg7[%swap3A_2250] : memref<128xf32, #tpu.memory_space<smem>>
    memref.store %add3A_2248, %arg7[%swap3A_2250] : memref<128xf32, #tpu.memory_space<smem>>
    %get3A_2252 = arith.constant 0 : i32
    %get3A_2253 = arith.constant 124 : i32
    %get3A_2254 = arith.index_cast %get3A_2252 : i32 to index
    %get3A_2255 = arith.index_cast %get3A_2253 : i32 to index
    %get3A_2256 = memref.load %arg5[%get3A_2254, %get3A_2255] : memref<1x128xf32, #tpu.memory_space<smem>>
    %mul3A_2257 = arith.mulf %sub3A_7, %get3A_2256 : f32
    %sub3A_2258 = arith.constant 1.000000e+00 : f32
    %sub3A_2259 = arith.subf %sub3A_2258, %sub3A_7 : f32
    %get3A_2260 = arith.constant 0 : i32
    %get3A_2261 = arith.constant 124 : i32
    %get3A_2262 = arith.index_cast %get3A_2260 : i32 to index
    %get3A_2263 = arith.index_cast %get3A_2261 : i32 to index
    %get3A_2264 = memref.load %arg6[%get3A_2262, %get3A_2263] : memref<1x128xf32, #tpu.memory_space<smem>>
    %mul3A_2265 = arith.mulf %sub3A_2259, %get3A_2264 : f32
    %add3A_2266 = arith.addf %mul3A_2257, %mul3A_2265 : f32
    %swap3A_2267 = arith.constant 124 : i32
    %swap3A_2268 = arith.index_cast %swap3A_2267 : i32 to index
    %swap3A_2269 = memref.load %arg7[%swap3A_2268] : memref<128xf32, #tpu.memory_space<smem>>
    memref.store %add3A_2266, %arg7[%swap3A_2268] : memref<128xf32, #tpu.memory_space<smem>>
    %get3A_2270 = arith.constant 0 : i32
    %get3A_2271 = arith.constant 125 : i32
    %get3A_2272 = arith.index_cast %get3A_2270 : i32 to index
    %get3A_2273 = arith.index_cast %get3A_2271 : i32 to index
    %get3A_2274 = memref.load %arg5[%get3A_2272, %get3A_2273] : memref<1x128xf32, #tpu.memory_space<smem>>
    %mul3A_2275 = arith.mulf %sub3A_7, %get3A_2274 : f32
    %sub3A_2276 = arith.constant 1.000000e+00 : f32
    %sub3A_2277 = arith.subf %sub3A_2276, %sub3A_7 : f32
    %get3A_2278 = arith.constant 0 : i32
    %get3A_2279 = arith.constant 125 : i32
    %get3A_2280 = arith.index_cast %get3A_2278 : i32 to index
    %get3A_2281 = arith.index_cast %get3A_2279 : i32 to index
    %get3A_2282 = memref.load %arg6[%get3A_2280, %get3A_2281] : memref<1x128xf32, #tpu.memory_space<smem>>
    %mul3A_2283 = arith.mulf %sub3A_2277, %get3A_2282 : f32
    %add3A_2284 = arith.addf %mul3A_2275, %mul3A_2283 : f32
    %swap3A_2285 = arith.constant 125 : i32
    %swap3A_2286 = arith.index_cast %swap3A_2285 : i32 to index
    %swap3A_2287 = memref.load %arg7[%swap3A_2286] : memref<128xf32, #tpu.memory_space<smem>>
    memref.store %add3A_2284, %arg7[%swap3A_2286] : memref<128xf32, #tpu.memory_space<smem>>
    %get3A_2288 = arith.constant 0 : i32
    %get3A_2289 = arith.constant 126 : i32
    %get3A_2290 = arith.index_cast %get3A_2288 : i32 to index
    %get3A_2291 = arith.index_cast %get3A_2289 : i32 to index
    %get3A_2292 = memref.load %arg5[%get3A_2290, %get3A_2291] : memref<1x128xf32, #tpu.memory_space<smem>>
    %mul3A_2293 = arith.mulf %sub3A_7, %get3A_2292 : f32
    %sub3A_2294 = arith.constant 1.000000e+00 : f32
    %sub3A_2295 = arith.subf %sub3A_2294, %sub3A_7 : f32
    %get3A_2296 = arith.constant 0 : i32
    %get3A_2297 = arith.constant 126 : i32
    %get3A_2298 = arith.index_cast %get3A_2296 : i32 to index
    %get3A_2299 = arith.index_cast %get3A_2297 : i32 to index
    %get3A_2300 = memref.load %arg6[%get3A_2298, %get3A_2299] : memref<1x128xf32, #tpu.memory_space<smem>>
    %mul3A_2301 = arith.mulf %sub3A_2295, %get3A_2300 : f32
    %add3A_2302 = arith.addf %mul3A_2293, %mul3A_2301 : f32
    %swap3A_2303 = arith.constant 126 : i32
    %swap3A_2304 = arith.index_cast %swap3A_2303 : i32 to index
    %swap3A_2305 = memref.load %arg7[%swap3A_2304] : memref<128xf32, #tpu.memory_space<smem>>
    memref.store %add3A_2302, %arg7[%swap3A_2304] : memref<128xf32, #tpu.memory_space<smem>>
    %get3A_2306 = arith.constant 0 : i32
    %get3A_2307 = arith.constant 127 : i32
    %get3A_2308 = arith.index_cast %get3A_2306 : i32 to index
    %get3A_2309 = arith.index_cast %get3A_2307 : i32 to index
    %get3A_2310 = memref.load %arg5[%get3A_2308, %get3A_2309] : memref<1x128xf32, #tpu.memory_space<smem>>
    %mul3A_2311 = arith.mulf %sub3A_7, %get3A_2310 : f32
    %sub3A_2312 = arith.constant 1.000000e+00 : f32
    %sub3A_2313 = arith.subf %sub3A_2312, %sub3A_7 : f32
    %get3A_2314 = arith.constant 0 : i32
    %get3A_2315 = arith.constant 127 : i32
    %get3A_2316 = arith.index_cast %get3A_2314 : i32 to index
    %get3A_2317 = arith.index_cast %get3A_2315 : i32 to index
    %get3A_2318 = memref.load %arg6[%get3A_2316, %get3A_2317] : memref<1x128xf32, #tpu.memory_space<smem>>
    %mul3A_2319 = arith.mulf %sub3A_2313, %get3A_2318 : f32
    %add3A_2320 = arith.addf %mul3A_2311, %mul3A_2319 : f32
    %swap3A_2321 = arith.constant 127 : i32
    %swap3A_2322 = arith.index_cast %swap3A_2321 : i32 to index
    %swap3A_2323 = memref.load %arg7[%swap3A_2322] : memref<128xf32, #tpu.memory_space<smem>>
    memref.store %add3A_2320, %arg7[%swap3A_2322] : memref<128xf32, #tpu.memory_space<smem>>
    "tpu.region"() ({
      %run_scoped3A = tpu.sem_alloc : memref<!tpu.dma_semaphore, #tpu.memory_space<semaphore_mem>>
      tpu.enqueue_dma source(%arg7 : memref<128xf32, #tpu.memory_space<smem>>) target(%arg3 : memref<128xf32, #tpu.memory_space<hbm>>) target_semaphore(%run_scoped3A : memref<!tpu.dma_semaphore, #tpu.memory_space<semaphore_mem>>)
      tpu.wait_dma2 semaphore(%run_scoped3A : memref<!tpu.dma_semaphore, #tpu.memory_space<semaphore_mem>>) src(%arg7 : memref<128xf32, #tpu.memory_space<smem>>) dst(%arg3 : memref<128xf32, #tpu.memory_space<hbm>>)
      tpu.yield
    }) : () -> ()
    return
  }
}

</mosaic_0001>

<sc_bundles>
// kernel: kernel.3.cloned.1.call-start
scs
__scs_entry_jumppad:
0x0: {  	(pc) =	sbr.rel $0x88, $3  }
0x1: {  	(tag) =	ssettag $0x0;
	lr =	simm.s32 $0x1  }
0x2: {  	[smem:$0x3F9F] =	sst lr;
	_ =	strace $0xD0000000  }
0x3: {  	_ = 	snop  }
0x4: {  	_ = 	snop  }
0x5: {  	_ = 	snop  }
0x6: {  	_ = 	snop  }
0x7: {  	_ = 	snop  }
__scs_overlays_trampoline_lowered:
0x8: {  	[smem:$0x3FAE] =	sst s0  }
0x9: {  	[smem:$0x3FAF] =	sst s1  }
0xa: {  	[smem:$0x3FB0] =	sst s2  }
0xb: {  	[smem:$0x3FB1] =	sst s3  }
0xc: {  	[smem:$0x3FB2] =	sst s4  }
0xd: {  	[smem:$0x3FB3] =	sst s5  }
0xe: {  	[smem:$0x3FB4] =	sst s6  }
0xf: {  	[smem:$0x3FB5] =	sst s7  }
0x10: {  	[smem:$0x3FB6] =	sst s8  }
0x11: {  	[smem:$0x3FB7] =	sst s9;
	s0 =	simm.s32 @!p0 $0x0  }
0x12: {  	s1 =	sld [smem:$0x3F9D];
	s0 =	simm.s32 @p0 $0x1  }
0x13: {  	[smem:$0x3FB8] =	sst s0;
	s0 =	simm.s32 @!p1 $0x0  }
0x14: {  	s2 =	sld [smem:$0x3F9C];
	s0 =	simm.s32 @p1 $0x1  }
0x15: {  	[smem:$0x3FB9] =	sst s0;
	s0 =	simm.s32 @!p2 $0x0  }
0x16: {  	s3 =	sld [smem:$0x3FDB];
	s0 =	simm.s32 @p2 $0x1  }
0x17: {  	s4 =	simm.s32 $0x1BF5;
	[smem:$0x3FBB] =	sst s0  }
0x18: {  	s0 =	sld [smem:$0x3F9E];
	_ =	swait.ge [sflag:s4], $0x0  }
0x19: {  	s7 =	sld [smem:$0x3F9F]  }
0x1a: {  	s8 =	sadd.s32 $0xFFFFE003, lr  }
0x1b: {  	s9 =	sadd.s32 $0xFFFFFEF7, lr;
	s5 =	simm.s32 $0xFFFFFFFF;
	p2 =	slt.u32 s8, $0xFFFFF086  }
0x1c: {  	p1 =	slt.u32 s9, $0xF7A;
	s5 =	simm.s32 @!p2 $0x0  }
0x1d: {  	s5 =	simm.s32 @p1 $0x1;
	p0 =	seq.s32 s7, s2  }
0x1e: {  	s7 =	smul.u32 @!p0 $0xF7A, s2;
	p2 =	seq.s32 @!p0 s5, $0x0  }
0x1f: {  	s9 =	smul.u32 $0xF7A, s1;
	s8 =	simm.s32 @!p0 $0x1BF5;
	p2 =	por !p2, p0  }
0x20: {  	[sflag:s8] =	ssyncset.s32 @!p0 $0xFFFFF086;
	s6 =	sadd.s32 @!p0 s3, s7;
	s7 =	simm.s32 @!p0 $0x108  }
0x21: {  	s3 =	sadd.s32 s3, s9;
	s6 =	sadd.s32 @!p0 $0x88, s6;
	s7 =	simm.s32 @p2 $0x1082  }
0x22: {  	[simem:s7], [sflag:s8] =	dma.local @!p0 [hbm:s6], $0xF7A  }
0x23: {  	s9 =	sor.u32 $0xD0000000, s2;
	s6 =	simm.s32 $0x108;
	_ =	swait.ge @!p0 [sflag:s8], $0x0  }
0x24: {  	s3 =	sadd.s32 $0x88, s3;
	s6 =	simm.s32 @!p1 $0x1082;
	[sflag:s4] =	ssyncset.s32 $0xFFFFF086  }
0x25: {  	[simem:s6], [sflag:s4] =	dma.local [hbm:s3], $0xF7A  }
0x26: {  	[smem:$0x3F9F] =	sst s1;
	(tag) =	ssettag s2;
	_ =	strace s9  }
0x27: {  	s1 =	sld [smem:$0x3FAF]  }
0x28: {  	s2 =	sld [smem:$0x3FB0]  }
0x29: {  	s4 =	sld [smem:$0x3FB2]  }
0x2a: {  	p0 =	seq.s32 s5, $0x0;
	s5 =	sld [smem:$0x3FB3]  }
0x2b: {  	s6 =	sld [smem:$0x3FB4]  }
0x2c: {  	s7 =	sld [smem:$0x3FB5]  }
0x2d: {  	s3 =	simm.s32 $0x108;
	s8 =	sld [smem:$0x3FB6]  }
0x2e: {  	s3 =	simm.s32 @!p0 $0x1082;
	s9 =	sld [smem:$0x3FB7]  }
0x2f: {  	lr =	sadd.s32 s0, s3;
	s0 =	sld [smem:$0x3FAE]  }
0x30: {  	s3 =	sld [smem:$0x3FB1]  }
0x31: {  	[smem:$0x3FBA] =	sst s10  }
0x32: {  	s10 =	sld [smem:$0x3FB8];
	_ =	sdelay $0x3  }
0x33: {  	p0 =	seq.s32 s10, $0x1;
	s10 =	sld [smem:$0x3FBA];
	_ =	sdelay $0x3  }
0x34: {  	[smem:$0x3FBA] =	sst s10  }
0x35: {  	s10 =	sld [smem:$0x3FB9];
	_ =	sdelay $0x3  }
0x36: {  	p1 =	seq.s32 s10, $0x1;
	s10 =	sld [smem:$0x3FBA];
	_ =	sdelay $0x3  }
0x37: {  	[smem:$0x3FBA] =	sst s10  }
0x38: {  	s10 =	sld [smem:$0x3FBB]  }
0x39: {  	_ = 	snop;
	(pc) =	sbr.ind lr, $3  }
0x3a: {  	_ = 	snop  }
0x3b: {  	_ = 	snop  }
0x3c: {  	p2 =	seq.s32 s10, $0x1;
	s10 =	sld [smem:$0x3FBA]  }
0x3d: {  	_ =	shalt  }
0x3e: {  	_ =	shalt  }
0x3f: {  	_ =	shalt  }
0x40: {  	_ =	shalt  }
0x41: {  	_ =	shalt  }
0x42: {  	_ =	shalt  }
0x43: {  	_ =	shalt  }
0x44: {  	_ =	shalt  }
0x45: {  	_ =	shalt  }
0x46: {  	_ =	shalt  }
0x47: {  	_ =	shalt  }
0x48: {  	_ =	shalt  }
0x49: {  	_ =	shalt  }
0x4a: {  	_ =	shalt  }
0x4b: {  	_ =	shalt  }
0x4c: {  	_ =	shalt  }
0x4d: {  	_ =	shalt  }
0x4e: {  	_ =	shalt  }
0x4f: {  	_ =	shalt  }
0x50: {  	_ =	shalt  }
0x51: {  	_ =	shalt  }
0x52: {  	_ =	shalt  }
0x53: {  	_ =	shalt  }
0x54: {  	_ =	shalt  }
0x55: {  	_ =	shalt  }
0x56: {  	_ =	shalt  }
0x57: {  	_ =	shalt  }
0x58: {  	_ =	shalt  }
0x59: {  	_ =	shalt  }
0x5a: {  	_ =	shalt  }
0x5b: {  	_ =	shalt  }
0x5c: {  	_ =	shalt  }
0x5d: {  	_ =	shalt  }
0x5e: {  	_ =	shalt  }
0x5f: {  	_ =	shalt  }
0x60: {  	_ =	shalt  }
0x61: {  	_ =	shalt  }
0x62: {  	_ =	shalt  }
0x63: {  	_ =	shalt  }
0x64: {  	_ =	shalt  }
0x65: {  	_ =	shalt  }
0x66: {  	_ =	shalt  }
0x67: {  	_ =	shalt  }
0x68: {  	_ =	shalt  }
0x69: {  	_ =	shalt  }
0x6a: {  	_ =	shalt  }
0x6b: {  	_ =	shalt  }
0x6c: {  	_ =	shalt  }
0x6d: {  	_ =	shalt  }
0x6e: {  	_ =	shalt  }
0x6f: {  	_ =	shalt  }
0x70: {  	_ =	shalt  }
0x71: {  	_ =	shalt  }
0x72: {  	_ =	shalt  }
0x73: {  	_ =	shalt  }
0x74: {  	_ =	shalt  }
0x75: {  	_ =	shalt  }
0x76: {  	_ =	shalt  }
0x77: {  	_ =	shalt  }
0x78: {  	_ =	shalt  }
0x79: {  	_ =	shalt  }
0x7a: {  	_ =	shalt  }
0x7b: {  	_ =	shalt  }
0x7c: {  	_ =	shalt  }
0x7d: {  	_ =	shalt  }
0x7e: {  	_ =	shalt  }
0x7f: {  	_ =	shalt  }
0x80: {  	_ =	shalt  }
0x81: {  	_ =	shalt  }
0x82: {  	_ =	shalt  }
0x83: {  	_ =	shalt  }
0x84: {  	_ =	shalt  }
0x85: {  	_ =	shalt  }
0x86: {  	_ =	shalt  }
0x87: {  	_ =	shalt  }
.Lfunc_end0:
.L_simem_size_0:
called_computation_lowered:
.L_overlay_start_0:
0x88: {  	s0 =	sld [smem:$0x3FD9]  }
0x89: {  	s1 =	sld [smem:$0x3FFE];
	_ =	sdelay $0x3  }
0x8a: {  	s0 =	sadd.s32 s1, s0  }
0x8b: {  	s14 =	simm.s32 $0x0;
	[smem:$0x3FC6] =	sst s0  }
0x8c: {  	[smem:$0xF] =	sst s14  }
0x8d: {  	s2 =	sld [smem:$0x3FC9]  }
0x8e: {  	s3 =	sld [smem:$0x3FC8]  }
0x8f: {  	s0 =	sld [smem:$0x3FD0];
	(tm) =	ssettm $0x1  }
0x90: {  	s15 =	sld [smem:$0x3FFB];
	_ =	sdelay $0x3  }
0x91: {  	_ =	strace s15  }
0x92: {  	s1 =	sld [smem:$0x3FFC];
	_ =	sdelay $0x3  }
0x93: {  	_ =	strace s1  }
0x94: {  	s1 =	sld [smem:$0x3FFD];
	_ =	sdelay $0x3  }
0x95: {  	_ =	strace s1  }
0x96: {  	s16 =	simm.s32 $0x1B8B;
	_ =	strace $0x8FFFFFFF  }
0x97: {  	_ =	swait.ge [sflag:s16], $0x1  }
0x98: {  	[sflag:s16] =	ssyncset.done $0x0  }
0x99: {  	s17 =	simm.s32 $0x1B8E;
	[sflag:s16] =	ssyncadd.s32 $0xFFFFFFFF  }
0x9a: {  	[smem:$0x3FD2] =	sst s17  }
0x9b: {  	s4 =	simm.s32 $0x10;
	s1 =	simm.s32 $0xA;
	_ =	strace $0x80000046  }
0x9c: {  	[smem:s4], [sflag:s1] =	dma.local [hbm:s2], $0x10  }
0x9d: {  	_ =	swait.ge [sflag:s1], $0x10  }
0x9e: {  	[sflag:s1] =	ssyncset.done $0x0  }
0x9f: {  	[sflag:s1] =	ssyncadd.s32 $0xFFFFFFF0  }
0xa0: {  	s18 =	sld [smem:$0x10];
	_ =	sdelay $0x3  }
0xa1: {  	s2 =	smul.f32 $1.000000000e+03, s18;
	_ =	sdelay $0x1  }
0xa2: {  	s19 =	scvt.f32.s32 s2;
	_ =	sdelay $0x1  }
0xa3: {  	s5 =	scvt.s32.f32 s19;
	_ =	sdelay $0x1  }
0xa4: {  	p0 =	slt.f32 s2, s5  }
0xa5: {  	s5 =	simm.s32 $0x1  }
0xa6: {  	s5 =	simm.s32 @!p0 $0x0  }
0xa7: {  	s4 =	ssub.s32 s19, s5  }
0xa8: {  	s5 =	sadd.s32 $0x1, s4;
	p0 =	sgt.s32 s4, $0x0  }
0xa9: {  	s4 =	simm.s32 @!p0 $0x0;
	p0 =	sgt.s32 s5, $0x0  }
0xaa: {  	s20 =	scvt.s32.f32 s5;
	s4 =	smin.u32 s4, $0x1869F;
	s5 =	simm.s32 @!p0 $0x0  }
0xab: {  	s6 =	simm.s32 $0x9;
	s4 =	sshll.u32 s4, $0x4;
	s5 =	smin.u32 s5, $0x1869F  }
0xac: {  	s7 =	simm.s32 $0x90;
	s4 =	sadd.s32 s3, s4;
	s5 =	sshll.u32 s5, $0x4  }
0xad: {  	[smem:s7], [sflag:s6] =	dma.local [hbm:s4], $0x10  }
0xae: {  	s21 =	simm.s32 $0x110;
	s3 =	sadd.s32 s3, s5  }
0xaf: {  	[smem:s21], [sflag:s6] =	dma.local [hbm:s3], $0x10  }
0xb0: {  	_ =	swait.ge [sflag:s6], $0x10  }
0xb1: {  	[sflag:s6] =	ssyncset.done $0x0  }
0xb2: {  	[sflag:s6] =	ssyncadd.s32 $0xFFFFFFF0;
	_ =	sdelay $0x2  }
0xb3: {  	_ =	swait.ge [sflag:s6], $0x10  }
0xb4: {  	[sflag:s6] =	ssyncset.done $0x0  }
0xb5: {  	s2 =	ssub.f32 s20, s2;
	[sflag:s6] =	ssyncadd.s32 $0xFFFFFFF0  }
0xb6: {  	s22 =	sld [smem:$0x90]  }
0xb7: {  	s23 =	sld [smem:$0x110];
	_ =	sdelay $0x1  }
0xb8: {  	s3 =	ssub.f32 $1.000000000e+00, s2  }
0xb9: {  	s4 =	smul.f32 s22, s2  }
0xba: {  	s5 =	smul.f32 s23, s3;
	_ =	sdelay $0x1  }
0xbb: {  	s4 =	sadd.f32 s5, s4;
	_ =	sdelay $0x1  }
0xbc: {  	[smem:$0x190] =	sst s4  }
0xbd: {  	s4 =	sld [smem:$0x91]  }
0xbe: {  	s24 =	sld [smem:$0x111];
	_ =	sdelay $0x2  }
0xbf: {  	s4 =	smul.f32 s4, s2  }
0xc0: {  	s5 =	smul.f32 s24, s3;
	_ =	sdelay $0x1  }
0xc1: {  	s4 =	sadd.f32 s5, s4;
	_ =	sdelay $0x1  }
0xc2: {  	[smem:$0x191] =	sst s4  }
0xc3: {  	s4 =	sld [smem:$0x92]  }
0xc4: {  	s25 =	sld [smem:$0x112];
	_ =	sdelay $0x2  }
0xc5: {  	s4 =	smul.f32 s4, s2  }
0xc6: {  	s5 =	smul.f32 s25, s3;
	_ =	sdelay $0x1  }
0xc7: {  	s4 =	sadd.f32 s5, s4;
	_ =	sdelay $0x1  }
0xc8: {  	[smem:$0x192] =	sst s4  }
0xc9: {  	s4 =	sld [smem:$0x93]  }
0xca: {  	s26 =	sld [smem:$0x113];
	_ =	sdelay $0x2  }
0xcb: {  	s4 =	smul.f32 s4, s2  }
0xcc: {  	s5 =	smul.f32 s26, s3;
	_ =	sdelay $0x1  }
0xcd: {  	s4 =	sadd.f32 s5, s4;
	_ =	sdelay $0x1  }
0xce: {  	[smem:$0x193] =	sst s4  }
0xcf: {  	s4 =	sld [smem:$0x94]  }
0xd0: {  	s28 =	sld [smem:$0x114];
	_ =	sdelay $0x2  }
0xd1: {  	s4 =	smul.f32 s4, s2  }
0xd2: {  	s5 =	smul.f32 s28, s3;
	_ =	sdelay $0x1  }
0xd3: {  	s4 =	sadd.f32 s5, s4;
	_ =	sdelay $0x1  }
0xd4: {  	[smem:$0x194] =	sst s4  }
0xd5: {  	s4 =	sld [smem:$0x95]  }
0xd6: {  	s29 =	sld [smem:$0x115];
	_ =	sdelay $0x2  }
0xd7: {  	s4 =	smul.f32 s4, s2  }
0xd8: {  	s5 =	smul.f32 s29, s3;
	_ =	sdelay $0x1  }
0xd9: {  	s4 =	sadd.f32 s5, s4;
	_ =	sdelay $0x1  }
0xda: {  	[smem:$0x195] =	sst s4  }
0xdb: {  	s4 =	sld [smem:$0x96]  }
0xdc: {  	s30 =	sld [smem:$0x116];
	_ =	sdelay $0x2  }
0xdd: {  	s4 =	smul.f32 s4, s2  }
0xde: {  	s5 =	smul.f32 s30, s3;
	_ =	sdelay $0x1  }
0xdf: {  	s4 =	sadd.f32 s5, s4;
	_ =	sdelay $0x1  }
0xe0: {  	[smem:$0x196] =	sst s4  }
0xe1: {  	s4 =	sld [smem:$0x97]  }
0xe2: {  	s31 =	sld [smem:$0x117];
	_ =	sdelay $0x2  }
0xe3: {  	s4 =	smul.f32 s4, s2  }
0xe4: {  	s5 =	smul.f32 s31, s3;
	_ =	sdelay $0x1  }
0xe5: {  	s4 =	sadd.f32 s5, s4;
	_ =	sdelay $0x1  }
0xe6: {  	[smem:$0x197] =	sst s4  }
0xe7: {  	s4 =	sld [smem:$0x98]  }
0xe8: {  	s6 =	sld [smem:$0x118];
	_ =	sdelay $0x2  }
0xe9: {  	s4 =	smul.f32 s4, s2  }
0xea: {  	s5 =	smul.f32 s6, s3;
	_ =	sdelay $0x1  }
0xeb: {  	s4 =	sadd.f32 s5, s4;
	_ =	sdelay $0x1  }
0xec: {  	[smem:$0x198] =	sst s4  }
0xed: {  	s4 =	sld [smem:$0x99]  }
0xee: {  	s7 =	sld [smem:$0x119];
	_ =	sdelay $0x2  }
0xef: {  	s4 =	smul.f32 s4, s2  }
0xf0: {  	s5 =	smul.f32 s7, s3;
	_ =	sdelay $0x1  }
0xf1: {  	s4 =	sadd.f32 s5, s4;
	_ =	sdelay $0x1  }
0xf2: {  	[smem:$0x199] =	sst s4  }
0xf3: {  	s4 =	sld [smem:$0x9A]  }
0xf4: {  	s8 =	sld [smem:$0x11A];
	_ =	sdelay $0x2  }
0xf5: {  	s4 =	smul.f32 s4, s2  }
0xf6: {  	s5 =	smul.f32 s8, s3;
	_ =	sdelay $0x1  }
0xf7: {  	s4 =	sadd.f32 s5, s4;
	_ =	sdelay $0x1  }
0xf8: {  	[smem:$0x19A] =	sst s4  }
0xf9: {  	s4 =	sld [smem:$0x9B]  }
0xfa: {  	s9 =	sld [smem:$0x11B];
	_ =	sdelay $0x2  }
0xfb: {  	s4 =	smul.f32 s4, s2  }
0xfc: {  	s5 =	smul.f32 s9, s3;
	_ =	sdelay $0x1  }
0xfd: {  	s4 =	sadd.f32 s5, s4;
	_ =	sdelay $0x1  }
0xfe: {  	[smem:$0x19B] =	sst s4  }
0xff: {  	s4 =	sld [smem:$0x9C]  }
0x100: {  	s10 =	sld [smem:$0x11C];
	_ =	sdelay $0x2  }
0x101: {  	s4 =	smul.f32 s4, s2  }
0x102: {  	s5 =	smul.f32 s10, s3;
	_ =	sdelay $0x1  }
0x103: {  	s4 =	sadd.f32 s5, s4;
	_ =	sdelay $0x1  }
0x104: {  	[smem:$0x19C] =	sst s4  }
0x105: {  	s4 =	sld [smem:$0x9D]  }
0x106: {  	s11 =	sld [smem:$0x11D];
	_ =	sdelay $0x2  }
0x107: {  	s4 =	smul.f32 s4, s2  }
0x108: {  	s5 =	smul.f32 s11, s3;
	_ =	sdelay $0x1  }
0x109: {  	s4 =	sadd.f32 s5, s4;
	_ =	sdelay $0x1  }
0x10a: {  	[smem:$0x19D] =	sst s4  }
0x10b: {  	s4 =	sld [smem:$0x9E]  }
0x10c: {  	s12 =	sld [smem:$0x11E];
	_ =	sdelay $0x2  }
0x10d: {  	s4 =	smul.f32 s4, s2  }
0x10e: {  	s5 =	smul.f32 s12, s3;
	_ =	sdelay $0x1  }
0x10f: {  	s4 =	sadd.f32 s5, s4;
	_ =	sdelay $0x1  }
0x110: {  	[smem:$0x19E] =	sst s4  }
0x111: {  	s4 =	sld [smem:$0x9F]  }
0x112: {  	s13 =	sld [smem:$0x11F];
	_ =	sdelay $0x2  }
0x113: {  	s4 =	smul.f32 s4, s2  }
0x114: {  	s5 =	smul.f32 s13, s3;
	_ =	sdelay $0x1  }
0x115: {  	s4 =	sadd.f32 s5, s4;
	_ =	sdelay $0x1  }
0x116: {  	[smem:$0x19F] =	sst s4  }
0x117: {  	s4 =	sld [smem:$0xA0]  }
0x118: {  	s14 =	sld [smem:$0x120];
	_ =	sdelay $0x2  }
0x119: {  	s4 =	smul.f32 s4, s2  }
0x11a: {  	s5 =	smul.f32 s14, s3;
	_ =	sdelay $0x1  }
0x11b: {  	s4 =	sadd.f32 s5, s4;
	_ =	sdelay $0x1  }
0x11c: {  	[smem:$0x1A0] =	sst s4  }
0x11d: {  	s4 =	sld [smem:$0xA1]  }
0x11e: {  	s15 =	sld [smem:$0x121];
	_ =	sdelay $0x2  }
0x11f: {  	s4 =	smul.f32 s4, s2  }
0x120: {  	s5 =	smul.f32 s15, s3;
	_ =	sdelay $0x1  }
0x121: {  	s4 =	sadd.f32 s5, s4;
	_ =	sdelay $0x1  }
0x122: {  	[smem:$0x1A1] =	sst s4  }
0x123: {  	s4 =	sld [smem:$0xA2]  }
0x124: {  	s16 =	sld [smem:$0x122];
	_ =	sdelay $0x2  }
0x125: {  	s4 =	smul.f32 s4, s2  }
0x126: {  	s5 =	smul.f32 s16, s3;
	_ =	sdelay $0x1  }
0x127: {  	s4 =	sadd.f32 s5, s4;
	_ =	sdelay $0x1  }
0x128: {  	[smem:$0x1A2] =	sst s4  }
0x129: {  	s4 =	sld [smem:$0xA3]  }
0x12a: {  	s17 =	sld [smem:$0x123];
	_ =	sdelay $0x2  }
0x12b: {  	s4 =	smul.f32 s4, s2  }
0x12c: {  	s5 =	smul.f32 s17, s3;
	_ =	sdelay $0x1  }
0x12d: {  	s4 =	sadd.f32 s5, s4;
	_ =	sdelay $0x1  }
0x12e: {  	[smem:$0x1A3] =	sst s4  }
0x12f: {  	s4 =	sld [smem:$0xA4]  }
0x130: {  	s18 =	sld [smem:$0x124];
	_ =	sdelay $0x2  }
0x131: {  	s4 =	smul.f32 s4, s2  }
0x132: {  	s5 =	smul.f32 s18, s3;
	_ =	sdelay $0x1  }
0x133: {  	s4 =	sadd.f32 s5, s4;
	_ =	sdelay $0x1  }
0x134: {  	[smem:$0x1A4] =	sst s4  }
0x135: {  	s4 =	sld [smem:$0xA5]  }
0x136: {  	s19 =	sld [smem:$0x125];
	_ =	sdelay $0x2  }
0x137: {  	s4 =	smul.f32 s4, s2  }
0x138: {  	s5 =	smul.f32 s19, s3;
	_ =	sdelay $0x1  }
0x139: {  	s4 =	sadd.f32 s5, s4;
	_ =	sdelay $0x1  }
0x13a: {  	[smem:$0x1A5] =	sst s4  }
0x13b: {  	s4 =	sld [smem:$0xA6]  }
0x13c: {  	s20 =	sld [smem:$0x126];
	_ =	sdelay $0x2  }
0x13d: {  	s4 =	smul.f32 s4, s2  }
0x13e: {  	s5 =	smul.f32 s20, s3;
	_ =	sdelay $0x1  }
0x13f: {  	s4 =	sadd.f32 s5, s4;
	_ =	sdelay $0x1  }
0x140: {  	[smem:$0x1A6] =	sst s4  }
0x141: {  	s4 =	sld [smem:$0xA7]  }
0x142: {  	s21 =	sld [smem:$0x127];
	_ =	sdelay $0x2  }
0x143: {  	s4 =	smul.f32 s4, s2  }
0x144: {  	s5 =	smul.f32 s21, s3;
	_ =	sdelay $0x1  }
0x145: {  	s4 =	sadd.f32 s5, s4;
	_ =	sdelay $0x1  }
0x146: {  	[smem:$0x1A7] =	sst s4  }
0x147: {  	s4 =	sld [smem:$0xA8]  }
0x148: {  	s22 =	sld [smem:$0x128];
	_ =	sdelay $0x2  }
0x149: {  	s4 =	smul.f32 s4, s2  }
0x14a: {  	s5 =	smul.f32 s22, s3;
	_ =	sdelay $0x1  }
0x14b: {  	s4 =	sadd.f32 s5, s4;
	_ =	sdelay $0x1  }
0x14c: {  	[smem:$0x1A8] =	sst s4  }
0x14d: {  	s4 =	sld [smem:$0xA9]  }
0x14e: {  	s23 =	sld [smem:$0x129];
	_ =	sdelay $0x2  }
0x14f: {  	s4 =	smul.f32 s4, s2  }
0x150: {  	s5 =	smul.f32 s23, s3;
	_ =	sdelay $0x1  }
0x151: {  	s4 =	sadd.f32 s5, s4;
	_ =	sdelay $0x1  }
0x152: {  	[smem:$0x1A9] =	sst s4  }
0x153: {  	s4 =	sld [smem:$0xAA]  }
0x154: {  	s24 =	sld [smem:$0x12A];
	_ =	sdelay $0x2  }
0x155: {  	s4 =	smul.f32 s4, s2  }
0x156: {  	s5 =	smul.f32 s24, s3;
	_ =	sdelay $0x1  }
0x157: {  	s4 =	sadd.f32 s5, s4;
	_ =	sdelay $0x1  }
0x158: {  	[smem:$0x1AA] =	sst s4  }
0x159: {  	s4 =	sld [smem:$0xAB]  }
0x15a: {  	s25 =	sld [smem:$0x12B];
	_ =	sdelay $0x2  }
0x15b: {  	s4 =	smul.f32 s4, s2  }
0x15c: {  	s5 =	smul.f32 s25, s3;
	_ =	sdelay $0x1  }
0x15d: {  	s4 =	sadd.f32 s5, s4;
	_ =	sdelay $0x1  }
0x15e: {  	[smem:$0x1AB] =	sst s4  }
0x15f: {  	s4 =	sld [smem:$0xAC]  }
0x160: {  	s26 =	sld [smem:$0x12C];
	_ =	sdelay $0x2  }
0x161: {  	s4 =	smul.f32 s4, s2  }
0x162: {  	s5 =	smul.f32 s26, s3;
	_ =	sdelay $0x1  }
0x163: {  	s4 =	sadd.f32 s5, s4;
	_ =	sdelay $0x1  }
0x164: {  	[smem:$0x1AC] =	sst s4  }
0x165: {  	s4 =	sld [smem:$0xAD]  }
0x166: {  	s28 =	sld [smem:$0x12D];
	_ =	sdelay $0x2  }
0x167: {  	s4 =	smul.f32 s4, s2  }
0x168: {  	s5 =	smul.f32 s28, s3;
	_ =	sdelay $0x1  }
0x169: {  	s4 =	sadd.f32 s5, s4;
	_ =	sdelay $0x1  }
0x16a: {  	[smem:$0x1AD] =	sst s4  }
0x16b: {  	s4 =	sld [smem:$0xAE]  }
0x16c: {  	s29 =	sld [smem:$0x12E];
	_ =	sdelay $0x2  }
0x16d: {  	s4 =	smul.f32 s4, s2  }
0x16e: {  	s5 =	smul.f32 s29, s3;
	_ =	sdelay $0x1  }
0x16f: {  	s4 =	sadd.f32 s5, s4;
	_ =	sdelay $0x1  }
0x170: {  	[smem:$0x1AE] =	sst s4  }
0x171: {  	s4 =	sld [smem:$0xAF]  }
0x172: {  	s30 =	sld [smem:$0x12F];
	_ =	sdelay $0x2  }
0x173: {  	s4 =	smul.f32 s4, s2  }
0x174: {  	s5 =	smul.f32 s30, s3;
	_ =	sdelay $0x1  }
0x175: {  	s4 =	sadd.f32 s5, s4;
	_ =	sdelay $0x1  }
0x176: {  	[smem:$0x1AF] =	sst s4  }
0x177: {  	s4 =	sld [smem:$0xB0]  }
0x178: {  	s31 =	sld [smem:$0x130];
	_ =	sdelay $0x2  }
0x179: {  	s4 =	smul.f32 s4, s2  }
0x17a: {  	s5 =	smul.f32 s31, s3;
	_ =	sdelay $0x1  }
0x17b: {  	s4 =	sadd.f32 s5, s4;
	_ =	sdelay $0x1  }
0x17c: {  	[smem:$0x1B0] =	sst s4  }
0x17d: {  	s4 =	sld [smem:$0xB1]  }
0x17e: {  	s6 =	sld [smem:$0x131];
	_ =	sdelay $0x2  }
0x17f: {  	s4 =	smul.f32 s4, s2  }
0x180: {  	s5 =	smul.f32 s6, s3;
	_ =	sdelay $0x1  }
0x181: {  	s4 =	sadd.f32 s5, s4;
	_ =	sdelay $0x1  }
0x182: {  	[smem:$0x1B1] =	sst s4  }
0x183: {  	s4 =	sld [smem:$0xB2]  }
0x184: {  	s7 =	sld [smem:$0x132];
	_ =	sdelay $0x2  }
0x185: {  	s4 =	smul.f32 s4, s2  }
0x186: {  	s5 =	smul.f32 s7, s3;
	_ =	sdelay $0x1  }
0x187: {  	s4 =	sadd.f32 s5, s4;
	_ =	sdelay $0x1  }
0x188: {  	[smem:$0x1B2] =	sst s4  }
0x189: {  	s4 =	sld [smem:$0xB3]  }
0x18a: {  	s8 =	sld [smem:$0x133];
	_ =	sdelay $0x2  }
0x18b: {  	s4 =	smul.f32 s4, s2  }
0x18c: {  	s5 =	smul.f32 s8, s3;
	_ =	sdelay $0x1  }
0x18d: {  	s4 =	sadd.f32 s5, s4;
	_ =	sdelay $0x1  }
0x18e: {  	[smem:$0x1B3] =	sst s4  }
0x18f: {  	s4 =	sld [smem:$0xB4]  }
0x190: {  	s9 =	sld [smem:$0x134];
	_ =	sdelay $0x2  }
0x191: {  	s4 =	smul.f32 s4, s2  }
0x192: {  	s5 =	smul.f32 s9, s3;
	_ =	sdelay $0x1  }
0x193: {  	s4 =	sadd.f32 s5, s4;
	_ =	sdelay $0x1  }
0x194: {  	[smem:$0x1B4] =	sst s4  }
0x195: {  	s4 =	sld [smem:$0xB5]  }
0x196: {  	s10 =	sld [smem:$0x135];
	_ =	sdelay $0x2  }
0x197: {  	s4 =	smul.f32 s4, s2  }
0x198: {  	s5 =	smul.f32 s10, s3;
	_ =	sdelay $0x1  }
0x199: {  	s4 =	sadd.f32 s5, s4;
	_ =	sdelay $0x1  }
0x19a: {  	[smem:$0x1B5] =	sst s4  }
0x19b: {  	s4 =	sld [smem:$0xB6]  }
0x19c: {  	s11 =	sld [smem:$0x136];
	_ =	sdelay $0x2  }
0x19d: {  	s4 =	smul.f32 s4, s2  }
0x19e: {  	s5 =	smul.f32 s11, s3;
	_ =	sdelay $0x1  }
0x19f: {  	s4 =	sadd.f32 s5, s4;
	_ =	sdelay $0x1  }
0x1a0: {  	[smem:$0x1B6] =	sst s4  }
0x1a1: {  	s4 =	sld [smem:$0xB7]  }
0x1a2: {  	s12 =	sld [smem:$0x137];
	_ =	sdelay $0x2  }
0x1a3: {  	s4 =	smul.f32 s4, s2  }
0x1a4: {  	s5 =	smul.f32 s12, s3;
	_ =	sdelay $0x1  }
0x1a5: {  	s4 =	sadd.f32 s5, s4;
	_ =	sdelay $0x1  }
0x1a6: {  	[smem:$0x1B7] =	sst s4  }
0x1a7: {  	s4 =	sld [smem:$0xB8]  }
0x1a8: {  	s13 =	sld [smem:$0x138];
	_ =	sdelay $0x2  }
0x1a9: {  	s4 =	smul.f32 s4, s2  }
0x1aa: {  	s5 =	smul.f32 s13, s3;
	_ =	sdelay $0x1  }
0x1ab: {  	s4 =	sadd.f32 s5, s4;
	_ =	sdelay $0x1  }
0x1ac: {  	[smem:$0x1B8] =	sst s4  }
0x1ad: {  	s4 =	sld [smem:$0xB9]  }
0x1ae: {  	s14 =	sld [smem:$0x139];
	_ =	sdelay $0x2  }
0x1af: {  	s4 =	smul.f32 s4, s2  }
0x1b0: {  	s5 =	smul.f32 s14, s3;
	_ =	sdelay $0x1  }
0x1b1: {  	s4 =	sadd.f32 s5, s4;
	_ =	sdelay $0x1  }
0x1b2: {  	[smem:$0x1B9] =	sst s4  }
0x1b3: {  	s4 =	sld [smem:$0xBA]  }
0x1b4: {  	s15 =	sld [smem:$0x13A];
	_ =	sdelay $0x2  }
0x1b5: {  	s4 =	smul.f32 s4, s2  }
0x1b6: {  	s5 =	smul.f32 s15, s3;
	_ =	sdelay $0x1  }
0x1b7: {  	s4 =	sadd.f32 s5, s4;
	_ =	sdelay $0x1  }
0x1b8: {  	[smem:$0x1BA] =	sst s4  }
0x1b9: {  	s4 =	sld [smem:$0xBB]  }
0x1ba: {  	s16 =	sld [smem:$0x13B];
	_ =	sdelay $0x2  }
0x1bb: {  	s4 =	smul.f32 s4, s2  }
0x1bc: {  	s5 =	smul.f32 s16, s3;
	_ =	sdelay $0x1  }
0x1bd: {  	s4 =	sadd.f32 s5, s4;
	_ =	sdelay $0x1  }
0x1be: {  	[smem:$0x1BB] =	sst s4  }
0x1bf: {  	s4 =	sld [smem:$0xBC]  }
0x1c0: {  	s17 =	sld [smem:$0x13C];
	_ =	sdelay $0x2  }
0x1c1: {  	s4 =	smul.f32 s4, s2  }
0x1c2: {  	s5 =	smul.f32 s17, s3;
	_ =	sdelay $0x1  }
0x1c3: {  	s4 =	sadd.f32 s5, s4;
	_ =	sdelay $0x1  }
0x1c4: {  	[smem:$0x1BC] =	sst s4  }
0x1c5: {  	s4 =	sld [smem:$0xBD]  }
0x1c6: {  	s18 =	sld [smem:$0x13D];
	_ =	sdelay $0x2  }
0x1c7: {  	s4 =	smul.f32 s4, s2  }
0x1c8: {  	s5 =	smul.f32 s18, s3;
	_ =	sdelay $0x1  }
0x1c9: {  	s4 =	sadd.f32 s5, s4;
	_ =	sdelay $0x1  }
0x1ca: {  	[smem:$0x1BD] =	sst s4  }
0x1cb: {  	s4 =	sld [smem:$0xBE]  }
0x1cc: {  	s19 =	sld [smem:$0x13E];
	_ =	sdelay $0x2  }
0x1cd: {  	s4 =	smul.f32 s4, s2  }
0x1ce: {  	s5 =	smul.f32 s19, s3;
	_ =	sdelay $0x1  }
0x1cf: {  	s4 =	sadd.f32 s5, s4;
	_ =	sdelay $0x1  }
0x1d0: {  	[smem:$0x1BE] =	sst s4  }
0x1d1: {  	s4 =	sld [smem:$0xBF]  }
0x1d2: {  	s20 =	sld [smem:$0x13F];
	_ =	sdelay $0x2  }
0x1d3: {  	s4 =	smul.f32 s4, s2  }
0x1d4: {  	s5 =	smul.f32 s20, s3;
	_ =	sdelay $0x1  }
0x1d5: {  	s4 =	sadd.f32 s5, s4;
	_ =	sdelay $0x1  }
0x1d6: {  	[smem:$0x1BF] =	sst s4  }
0x1d7: {  	s4 =	sld [smem:$0xC0]  }
0x1d8: {  	s21 =	sld [smem:$0x140];
	_ =	sdelay $0x2  }
0x1d9: {  	s4 =	smul.f32 s4, s2  }
0x1da: {  	s5 =	smul.f32 s21, s3;
	_ =	sdelay $0x1  }
0x1db: {  	s4 =	sadd.f32 s5, s4;
	_ =	sdelay $0x1  }
0x1dc: {  	[smem:$0x1C0] =	sst s4  }
0x1dd: {  	s4 =	sld [smem:$0xC1]  }
0x1de: {  	s22 =	sld [smem:$0x141];
	_ =	sdelay $0x2  }
0x1df: {  	s4 =	smul.f32 s4, s2  }
0x1e0: {  	s5 =	smul.f32 s22, s3;
	_ =	sdelay $0x1  }
0x1e1: {  	s4 =	sadd.f32 s5, s4;
	_ =	sdelay $0x1  }
0x1e2: {  	[smem:$0x1C1] =	sst s4  }
0x1e3: {  	s4 =	sld [smem:$0xC2]  }
0x1e4: {  	s23 =	sld [smem:$0x142];
	_ =	sdelay $0x2  }
0x1e5: {  	s4 =	smul.f32 s4, s2  }
0x1e6: {  	s5 =	smul.f32 s23, s3;
	_ =	sdelay $0x1  }
0x1e7: {  	s4 =	sadd.f32 s5, s4;
	_ =	sdelay $0x1  }
0x1e8: {  	[smem:$0x1C2] =	sst s4  }
0x1e9: {  	s4 =	sld [smem:$0xC3]  }
0x1ea: {  	s24 =	sld [smem:$0x143];
	_ =	sdelay $0x2  }
0x1eb: {  	s4 =	smul.f32 s4, s2  }
0x1ec: {  	s5 =	smul.f32 s24, s3;
	_ =	sdelay $0x1  }
0x1ed: {  	s4 =	sadd.f32 s5, s4;
	_ =	sdelay $0x1  }
0x1ee: {  	[smem:$0x1C3] =	sst s4  }
0x1ef: {  	s4 =	sld [smem:$0xC4]  }
0x1f0: {  	s25 =	sld [smem:$0x144];
	_ =	sdelay $0x2  }
0x1f1: {  	s4 =	smul.f32 s4, s2  }
0x1f2: {  	s5 =	smul.f32 s25, s3;
	_ =	sdelay $0x1  }
0x1f3: {  	s4 =	sadd.f32 s5, s4;
	_ =	sdelay $0x1  }
0x1f4: {  	[smem:$0x1C4] =	sst s4  }
0x1f5: {  	s4 =	sld [smem:$0xC5]  }
0x1f6: {  	s26 =	sld [smem:$0x145];
	_ =	sdelay $0x2  }
0x1f7: {  	s4 =	smul.f32 s4, s2  }
0x1f8: {  	s5 =	smul.f32 s26, s3;
	_ =	sdelay $0x1  }
0x1f9: {  	s4 =	sadd.f32 s5, s4;
	_ =	sdelay $0x1  }
0x1fa: {  	[smem:$0x1C5] =	sst s4  }
0x1fb: {  	s4 =	sld [smem:$0xC6]  }
0x1fc: {  	s28 =	sld [smem:$0x146];
	_ =	sdelay $0x2  }
0x1fd: {  	s4 =	smul.f32 s4, s2  }
0x1fe: {  	s5 =	smul.f32 s28, s3;
	_ =	sdelay $0x1  }
0x1ff: {  	s4 =	sadd.f32 s5, s4;
	_ =	sdelay $0x1  }
0x200: {  	[smem:$0x1C6] =	sst s4  }
0x201: {  	s4 =	sld [smem:$0xC7]  }
0x202: {  	s29 =	sld [smem:$0x147];
	_ =	sdelay $0x2  }
0x203: {  	s4 =	smul.f32 s4, s2  }
0x204: {  	s5 =	smul.f32 s29, s3;
	_ =	sdelay $0x1  }
0x205: {  	s4 =	sadd.f32 s5, s4;
	_ =	sdelay $0x1  }
0x206: {  	[smem:$0x1C7] =	sst s4  }
0x207: {  	s4 =	sld [smem:$0xC8]  }
0x208: {  	s30 =	sld [smem:$0x148];
	_ =	sdelay $0x2  }
0x209: {  	s4 =	smul.f32 s4, s2  }
0x20a: {  	s5 =	smul.f32 s30, s3;
	_ =	sdelay $0x1  }
0x20b: {  	s4 =	sadd.f32 s5, s4;
	_ =	sdelay $0x1  }
0x20c: {  	[smem:$0x1C8] =	sst s4  }
0x20d: {  	s4 =	sld [smem:$0xC9]  }
0x20e: {  	s31 =	sld [smem:$0x149];
	_ =	sdelay $0x2  }
0x20f: {  	s4 =	smul.f32 s4, s2  }
0x210: {  	s5 =	smul.f32 s31, s3;
	_ =	sdelay $0x1  }
0x211: {  	s4 =	sadd.f32 s5, s4;
	_ =	sdelay $0x1  }
0x212: {  	[smem:$0x1C9] =	sst s4  }
0x213: {  	s4 =	sld [smem:$0xCA]  }
0x214: {  	s6 =	sld [smem:$0x14A];
	_ =	sdelay $0x2  }
0x215: {  	s4 =	smul.f32 s4, s2  }
0x216: {  	s5 =	smul.f32 s6, s3;
	_ =	sdelay $0x1  }
0x217: {  	s4 =	sadd.f32 s5, s4;
	_ =	sdelay $0x1  }
0x218: {  	[smem:$0x1CA] =	sst s4  }
0x219: {  	s4 =	sld [smem:$0xCB]  }
0x21a: {  	s7 =	sld [smem:$0x14B];
	_ =	sdelay $0x2  }
0x21b: {  	s4 =	smul.f32 s4, s2  }
0x21c: {  	s5 =	smul.f32 s7, s3;
	_ =	sdelay $0x1  }
0x21d: {  	s4 =	sadd.f32 s5, s4;
	_ =	sdelay $0x1  }
0x21e: {  	[smem:$0x1CB] =	sst s4  }
0x21f: {  	s4 =	sld [smem:$0xCC]  }
0x220: {  	s8 =	sld [smem:$0x14C];
	_ =	sdelay $0x2  }
0x221: {  	s4 =	smul.f32 s4, s2  }
0x222: {  	s5 =	smul.f32 s8, s3;
	_ =	sdelay $0x1  }
0x223: {  	s4 =	sadd.f32 s5, s4;
	_ =	sdelay $0x1  }
0x224: {  	[smem:$0x1CC] =	sst s4  }
0x225: {  	s4 =	sld [smem:$0xCD]  }
0x226: {  	s9 =	sld [smem:$0x14D];
	_ =	sdelay $0x2  }
0x227: {  	s4 =	smul.f32 s4, s2  }
0x228: {  	s5 =	smul.f32 s9, s3;
	_ =	sdelay $0x1  }
0x229: {  	s4 =	sadd.f32 s5, s4;
	_ =	sdelay $0x1  }
0x22a: {  	[smem:$0x1CD] =	sst s4  }
0x22b: {  	s4 =	sld [smem:$0xCE]  }
0x22c: {  	s10 =	sld [smem:$0x14E];
	_ =	sdelay $0x2  }
0x22d: {  	s4 =	smul.f32 s4, s2  }
0x22e: {  	s5 =	smul.f32 s10, s3;
	_ =	sdelay $0x1  }
0x22f: {  	s4 =	sadd.f32 s5, s4;
	_ =	sdelay $0x1  }
0x230: {  	[smem:$0x1CE] =	sst s4  }
0x231: {  	s4 =	sld [smem:$0xCF]  }
0x232: {  	s11 =	sld [smem:$0x14F];
	_ =	sdelay $0x2  }
0x233: {  	s4 =	smul.f32 s4, s2  }
0x234: {  	s5 =	smul.f32 s11, s3;
	_ =	sdelay $0x1  }
0x235: {  	s4 =	sadd.f32 s5, s4;
	_ =	sdelay $0x1  }
0x236: {  	[smem:$0x1CF] =	sst s4  }
0x237: {  	s4 =	sld [smem:$0xD0]  }
0x238: {  	s12 =	sld [smem:$0x150];
	_ =	sdelay $0x2  }
0x239: {  	s4 =	smul.f32 s4, s2  }
0x23a: {  	s5 =	smul.f32 s12, s3;
	_ =	sdelay $0x1  }
0x23b: {  	s4 =	sadd.f32 s5, s4;
	_ =	sdelay $0x1  }
0x23c: {  	[smem:$0x1D0] =	sst s4  }
0x23d: {  	s4 =	sld [smem:$0xD1]  }
0x23e: {  	s13 =	sld [smem:$0x151];
	_ =	sdelay $0x2  }
0x23f: {  	s4 =	smul.f32 s4, s2  }
0x240: {  	s5 =	smul.f32 s13, s3;
	_ =	sdelay $0x1  }
0x241: {  	s4 =	sadd.f32 s5, s4;
	_ =	sdelay $0x1  }
0x242: {  	[smem:$0x1D1] =	sst s4  }
0x243: {  	s4 =	sld [smem:$0xD2]  }
0x244: {  	s14 =	sld [smem:$0x152];
	_ =	sdelay $0x2  }
0x245: {  	s4 =	smul.f32 s4, s2  }
0x246: {  	s5 =	smul.f32 s14, s3;
	_ =	sdelay $0x1  }
0x247: {  	s4 =	sadd.f32 s5, s4;
	_ =	sdelay $0x1  }
0x248: {  	[smem:$0x1D2] =	sst s4  }
0x249: {  	s4 =	sld [smem:$0xD3]  }
0x24a: {  	s15 =	sld [smem:$0x153];
	_ =	sdelay $0x2  }
0x24b: {  	s4 =	smul.f32 s4, s2  }
0x24c: {  	s5 =	smul.f32 s15, s3;
	_ =	sdelay $0x1  }
0x24d: {  	s4 =	sadd.f32 s5, s4;
	_ =	sdelay $0x1  }
0x24e: {  	[smem:$0x1D3] =	sst s4  }
0x24f: {  	s4 =	sld [smem:$0xD4]  }
0x250: {  	s16 =	sld [smem:$0x154];
	_ =	sdelay $0x2  }
0x251: {  	s4 =	smul.f32 s4, s2  }
0x252: {  	s5 =	smul.f32 s16, s3;
	_ =	sdelay $0x1  }
0x253: {  	s4 =	sadd.f32 s5, s4;
	_ =	sdelay $0x1  }
0x254: {  	[smem:$0x1D4] =	sst s4  }
0x255: {  	s4 =	sld [smem:$0xD5]  }
0x256: {  	s17 =	sld [smem:$0x155];
	_ =	sdelay $0x2  }
0x257: {  	s4 =	smul.f32 s4, s2  }
0x258: {  	s5 =	smul.f32 s17, s3;
	_ =	sdelay $0x1  }
0x259: {  	s4 =	sadd.f32 s5, s4;
	_ =	sdelay $0x1  }
0x25a: {  	[smem:$0x1D5] =	sst s4  }
0x25b: {  	s4 =	sld [smem:$0xD6]  }
0x25c: {  	s18 =	sld [smem:$0x156];
	_ =	sdelay $0x2  }
0x25d: {  	s4 =	smul.f32 s4, s2  }
0x25e: {  	s5 =	smul.f32 s18, s3;
	_ =	sdelay $0x1  }
0x25f: {  	s4 =	sadd.f32 s5, s4;
	_ =	sdelay $0x1  }
0x260: {  	[smem:$0x1D6] =	sst s4  }
0x261: {  	s4 =	sld [smem:$0xD7]  }
0x262: {  	s19 =	sld [smem:$0x157];
	_ =	sdelay $0x2  }
0x263: {  	s4 =	smul.f32 s4, s2  }
0x264: {  	s5 =	smul.f32 s19, s3;
	_ =	sdelay $0x1  }
0x265: {  	s4 =	sadd.f32 s5, s4;
	_ =	sdelay $0x1  }
0x266: {  	[smem:$0x1D7] =	sst s4  }
0x267: {  	s4 =	sld [smem:$0xD8]  }
0x268: {  	s20 =	sld [smem:$0x158];
	_ =	sdelay $0x2  }
0x269: {  	s4 =	smul.f32 s4, s2  }
0x26a: {  	s5 =	smul.f32 s20, s3;
	_ =	sdelay $0x1  }
0x26b: {  	s4 =	sadd.f32 s5, s4;
	_ =	sdelay $0x1  }
0x26c: {  	[smem:$0x1D8] =	sst s4  }
0x26d: {  	s4 =	sld [smem:$0xD9]  }
0x26e: {  	s21 =	sld [smem:$0x159];
	_ =	sdelay $0x2  }
0x26f: {  	s4 =	smul.f32 s4, s2  }
0x270: {  	s5 =	smul.f32 s21, s3;
	_ =	sdelay $0x1  }
0x271: {  	s4 =	sadd.f32 s5, s4;
	_ =	sdelay $0x1  }
0x272: {  	[smem:$0x1D9] =	sst s4  }
0x273: {  	s4 =	sld [smem:$0xDA]  }
0x274: {  	s22 =	sld [smem:$0x15A];
	_ =	sdelay $0x2  }
0x275: {  	s4 =	smul.f32 s4, s2  }
0x276: {  	s5 =	smul.f32 s22, s3;
	_ =	sdelay $0x1  }
0x277: {  	s4 =	sadd.f32 s5, s4;
	_ =	sdelay $0x1  }
0x278: {  	[smem:$0x1DA] =	sst s4  }
0x279: {  	s4 =	sld [smem:$0xDB]  }
0x27a: {  	s23 =	sld [smem:$0x15B];
	_ =	sdelay $0x2  }
0x27b: {  	s4 =	smul.f32 s4, s2  }
0x27c: {  	s5 =	smul.f32 s23, s3;
	_ =	sdelay $0x1  }
0x27d: {  	s4 =	sadd.f32 s5, s4;
	_ =	sdelay $0x1  }
0x27e: {  	[smem:$0x1DB] =	sst s4  }
0x27f: {  	s4 =	sld [smem:$0xDC]  }
0x280: {  	s24 =	sld [smem:$0x15C];
	_ =	sdelay $0x2  }
0x281: {  	s4 =	smul.f32 s4, s2  }
0x282: {  	s5 =	smul.f32 s24, s3;
	_ =	sdelay $0x1  }
0x283: {  	s4 =	sadd.f32 s5, s4;
	_ =	sdelay $0x1  }
0x284: {  	[smem:$0x1DC] =	sst s4  }
0x285: {  	s4 =	sld [smem:$0xDD]  }
0x286: {  	s25 =	sld [smem:$0x15D];
	_ =	sdelay $0x2  }
0x287: {  	s4 =	smul.f32 s4, s2  }
0x288: {  	s5 =	smul.f32 s25, s3;
	_ =	sdelay $0x1  }
0x289: {  	s4 =	sadd.f32 s5, s4;
	_ =	sdelay $0x1  }
0x28a: {  	[smem:$0x1DD] =	sst s4  }
0x28b: {  	s4 =	sld [smem:$0xDE]  }
0x28c: {  	s26 =	sld [smem:$0x15E];
	_ =	sdelay $0x2  }
0x28d: {  	s4 =	smul.f32 s4, s2  }
0x28e: {  	s5 =	smul.f32 s26, s3;
	_ =	sdelay $0x1  }
0x28f: {  	s4 =	sadd.f32 s5, s4;
	_ =	sdelay $0x1  }
0x290: {  	[smem:$0x1DE] =	sst s4  }
0x291: {  	s4 =	sld [smem:$0xDF]  }
0x292: {  	s28 =	sld [smem:$0x15F];
	_ =	sdelay $0x2  }
0x293: {  	s4 =	smul.f32 s4, s2  }
0x294: {  	s5 =	smul.f32 s28, s3;
	_ =	sdelay $0x1  }
0x295: {  	s4 =	sadd.f32 s5, s4;
	_ =	sdelay $0x1  }
0x296: {  	[smem:$0x1DF] =	sst s4  }
0x297: {  	s4 =	sld [smem:$0xE0]  }
0x298: {  	s29 =	sld [smem:$0x160];
	_ =	sdelay $0x2  }
0x299: {  	s4 =	smul.f32 s4, s2  }
0x29a: {  	s5 =	smul.f32 s29, s3;
	_ =	sdelay $0x1  }
0x29b: {  	s4 =	sadd.f32 s5, s4;
	_ =	sdelay $0x1  }
0x29c: {  	[smem:$0x1E0] =	sst s4  }
0x29d: {  	s4 =	sld [smem:$0xE1]  }
0x29e: {  	s30 =	sld [smem:$0x161];
	_ =	sdelay $0x2  }
0x29f: {  	s4 =	smul.f32 s4, s2  }
0x2a0: {  	s5 =	smul.f32 s30, s3;
	_ =	sdelay $0x1  }
0x2a1: {  	s4 =	sadd.f32 s5, s4;
	_ =	sdelay $0x1  }
0x2a2: {  	[smem:$0x1E1] =	sst s4  }
0x2a3: {  	s4 =	sld [smem:$0xE2]  }
0x2a4: {  	s31 =	sld [smem:$0x162];
	_ =	sdelay $0x2  }
0x2a5: {  	s4 =	smul.f32 s4, s2  }
0x2a6: {  	s5 =	smul.f32 s31, s3;
	_ =	sdelay $0x1  }
0x2a7: {  	s4 =	sadd.f32 s5, s4;
	_ =	sdelay $0x1  }
0x2a8: {  	[smem:$0x1E2] =	sst s4  }
0x2a9: {  	s4 =	sld [smem:$0xE3]  }
0x2aa: {  	s6 =	sld [smem:$0x163];
	_ =	sdelay $0x2  }
0x2ab: {  	s4 =	smul.f32 s4, s2  }
0x2ac: {  	s5 =	smul.f32 s6, s3;
	_ =	sdelay $0x1  }
0x2ad: {  	s4 =	sadd.f32 s5, s4;
	_ =	sdelay $0x1  }
0x2ae: {  	[smem:$0x1E3] =	sst s4  }
0x2af: {  	s4 =	sld [smem:$0xE4]  }
0x2b0: {  	s7 =	sld [smem:$0x164];
	_ =	sdelay $0x2  }
0x2b1: {  	s4 =	smul.f32 s4, s2  }
0x2b2: {  	s5 =	smul.f32 s7, s3;
	_ =	sdelay $0x1  }
0x2b3: {  	s4 =	sadd.f32 s5, s4;
	_ =	sdelay $0x1  }
0x2b4: {  	[smem:$0x1E4] =	sst s4  }
0x2b5: {  	s4 =	sld [smem:$0xE5]  }
0x2b6: {  	s8 =	sld [smem:$0x165];
	_ =	sdelay $0x2  }
0x2b7: {  	s4 =	smul.f32 s4, s2  }
0x2b8: {  	s5 =	smul.f32 s8, s3;
	_ =	sdelay $0x1  }
0x2b9: {  	s4 =	sadd.f32 s5, s4;
	_ =	sdelay $0x1  }
0x2ba: {  	[smem:$0x1E5] =	sst s4  }
0x2bb: {  	s4 =	sld [smem:$0xE6]  }
0x2bc: {  	s9 =	sld [smem:$0x166];
	_ =	sdelay $0x2  }
0x2bd: {  	s4 =	smul.f32 s4, s2  }
0x2be: {  	s5 =	smul.f32 s9, s3;
	_ =	sdelay $0x1  }
0x2bf: {  	s4 =	sadd.f32 s5, s4;
	_ =	sdelay $0x1  }
0x2c0: {  	[smem:$0x1E6] =	sst s4  }
0x2c1: {  	s4 =	sld [smem:$0xE7]  }
0x2c2: {  	s10 =	sld [smem:$0x167];
	_ =	sdelay $0x2  }
0x2c3: {  	s4 =	smul.f32 s4, s2  }
0x2c4: {  	s5 =	smul.f32 s10, s3;
	_ =	sdelay $0x1  }
0x2c5: {  	s4 =	sadd.f32 s5, s4;
	_ =	sdelay $0x1  }
0x2c6: {  	[smem:$0x1E7] =	sst s4  }
0x2c7: {  	s4 =	sld [smem:$0xE8]  }
0x2c8: {  	s11 =	sld [smem:$0x168];
	_ =	sdelay $0x2  }
0x2c9: {  	s4 =	smul.f32 s4, s2  }
0x2ca: {  	s5 =	smul.f32 s11, s3;
	_ =	sdelay $0x1  }
0x2cb: {  	s4 =	sadd.f32 s5, s4;
	_ =	sdelay $0x1  }
0x2cc: {  	[smem:$0x1E8] =	sst s4  }
0x2cd: {  	s4 =	sld [smem:$0xE9]  }
0x2ce: {  	s12 =	sld [smem:$0x169];
	_ =	sdelay $0x2  }
0x2cf: {  	s4 =	smul.f32 s4, s2  }
0x2d0: {  	s5 =	smul.f32 s12, s3;
	_ =	sdelay $0x1  }
0x2d1: {  	s4 =	sadd.f32 s5, s4;
	_ =	sdelay $0x1  }
0x2d2: {  	[smem:$0x1E9] =	sst s4  }
0x2d3: {  	s4 =	sld [smem:$0xEA]  }
0x2d4: {  	s13 =	sld [smem:$0x16A];
	_ =	sdelay $0x2  }
0x2d5: {  	s4 =	smul.f32 s4, s2  }
0x2d6: {  	s5 =	smul.f32 s13, s3;
	_ =	sdelay $0x1  }
0x2d7: {  	s4 =	sadd.f32 s5, s4;
	_ =	sdelay $0x1  }
0x2d8: {  	[smem:$0x1EA] =	sst s4  }
0x2d9: {  	s4 =	sld [smem:$0xEB]  }
0x2da: {  	s14 =	sld [smem:$0x16B];
	_ =	sdelay $0x2  }
0x2db: {  	s4 =	smul.f32 s4, s2  }
0x2dc: {  	s5 =	smul.f32 s14, s3;
	_ =	sdelay $0x1  }
0x2dd: {  	s4 =	sadd.f32 s5, s4;
	_ =	sdelay $0x1  }
0x2de: {  	[smem:$0x1EB] =	sst s4  }
0x2df: {  	s4 =	sld [smem:$0xEC]  }
0x2e0: {  	s15 =	sld [smem:$0x16C];
	_ =	sdelay $0x2  }
0x2e1: {  	s4 =	smul.f32 s4, s2  }
0x2e2: {  	s5 =	smul.f32 s15, s3;
	_ =	sdelay $0x1  }
0x2e3: {  	s4 =	sadd.f32 s5, s4;
	_ =	sdelay $0x1  }
0x2e4: {  	[smem:$0x1EC] =	sst s4  }
0x2e5: {  	s4 =	sld [smem:$0xED]  }
0x2e6: {  	s16 =	sld [smem:$0x16D];
	_ =	sdelay $0x2  }
0x2e7: {  	s4 =	smul.f32 s4, s2  }
0x2e8: {  	s5 =	smul.f32 s16, s3;
	_ =	sdelay $0x1  }
0x2e9: {  	s4 =	sadd.f32 s5, s4;
	_ =	sdelay $0x1  }
0x2ea: {  	[smem:$0x1ED] =	sst s4  }
0x2eb: {  	s4 =	sld [smem:$0xEE]  }
0x2ec: {  	s17 =	sld [smem:$0x16E];
	_ =	sdelay $0x2  }
0x2ed: {  	s4 =	smul.f32 s4, s2  }
0x2ee: {  	s5 =	smul.f32 s17, s3;
	_ =	sdelay $0x1  }
0x2ef: {  	s4 =	sadd.f32 s5, s4;
	_ =	sdelay $0x1  }
0x2f0: {  	[smem:$0x1EE] =	sst s4  }
0x2f1: {  	s4 =	sld [smem:$0xEF]  }
0x2f2: {  	s18 =	sld [smem:$0x16F];
	_ =	sdelay $0x2  }
0x2f3: {  	s4 =	smul.f32 s4, s2  }
0x2f4: {  	s5 =	smul.f32 s18, s3;
	_ =	sdelay $0x1  }
0x2f5: {  	s4 =	sadd.f32 s5, s4;
	_ =	sdelay $0x1  }
0x2f6: {  	[smem:$0x1EF] =	sst s4  }
0x2f7: {  	s4 =	sld [smem:$0xF0]  }
0x2f8: {  	s19 =	sld [smem:$0x170];
	_ =	sdelay $0x2  }
0x2f9: {  	s4 =	smul.f32 s4, s2  }
0x2fa: {  	s5 =	smul.f32 s19, s3;
	_ =	sdelay $0x1  }
0x2fb: {  	s4 =	sadd.f32 s5, s4;
	_ =	sdelay $0x1  }
0x2fc: {  	[smem:$0x1F0] =	sst s4  }
0x2fd: {  	s4 =	sld [smem:$0xF1]  }
0x2fe: {  	s20 =	sld [smem:$0x171];
	_ =	sdelay $0x2  }
0x2ff: {  	s4 =	smul.f32 s4, s2  }
0x300: {  	s5 =	smul.f32 s20, s3;
	_ =	sdelay $0x1  }
0x301: {  	s4 =	sadd.f32 s5, s4;
	_ =	sdelay $0x1  }
0x302: {  	[smem:$0x1F1] =	sst s4  }
0x303: {  	s4 =	sld [smem:$0xF2]  }
0x304: {  	s21 =	sld [smem:$0x172];
	_ =	sdelay $0x2  }
0x305: {  	s4 =	smul.f32 s4, s2  }
0x306: {  	s5 =	smul.f32 s21, s3;
	_ =	sdelay $0x1  }
0x307: {  	s4 =	sadd.f32 s5, s4;
	_ =	sdelay $0x1  }
0x308: {  	[smem:$0x1F2] =	sst s4  }
0x309: {  	s4 =	sld [smem:$0xF3]  }
0x30a: {  	s22 =	sld [smem:$0x173];
	_ =	sdelay $0x2  }
0x30b: {  	s4 =	smul.f32 s4, s2  }
0x30c: {  	s5 =	smul.f32 s22, s3;
	_ =	sdelay $0x1  }
0x30d: {  	s4 =	sadd.f32 s5, s4;
	_ =	sdelay $0x1  }
0x30e: {  	[smem:$0x1F3] =	sst s4  }
0x30f: {  	s4 =	sld [smem:$0xF4]  }
0x310: {  	s23 =	sld [smem:$0x174];
	_ =	sdelay $0x2  }
0x311: {  	s4 =	smul.f32 s4, s2  }
0x312: {  	s5 =	smul.f32 s23, s3;
	_ =	sdelay $0x1  }
0x313: {  	s4 =	sadd.f32 s5, s4;
	_ =	sdelay $0x1  }
0x314: {  	[smem:$0x1F4] =	sst s4  }
0x315: {  	s4 =	sld [smem:$0xF5]  }
0x316: {  	s24 =	sld [smem:$0x175];
	_ =	sdelay $0x2  }
0x317: {  	s4 =	smul.f32 s4, s2  }
0x318: {  	s5 =	smul.f32 s24, s3;
	_ =	sdelay $0x1  }
0x319: {  	s4 =	sadd.f32 s5, s4;
	_ =	sdelay $0x1  }
0x31a: {  	[smem:$0x1F5] =	sst s4  }
0x31b: {  	s4 =	sld [smem:$0xF6]  }
0x31c: {  	s25 =	sld [smem:$0x176];
	_ =	sdelay $0x2  }
0x31d: {  	s4 =	smul.f32 s4, s2  }
0x31e: {  	s5 =	smul.f32 s25, s3;
	_ =	sdelay $0x1  }
0x31f: {  	s4 =	sadd.f32 s5, s4;
	_ =	sdelay $0x1  }
0x320: {  	[smem:$0x1F6] =	sst s4  }
0x321: {  	s4 =	sld [smem:$0xF7]  }
0x322: {  	s26 =	sld [smem:$0x177];
	_ =	sdelay $0x2  }
0x323: {  	s4 =	smul.f32 s4, s2  }
0x324: {  	s5 =	smul.f32 s26, s3;
	_ =	sdelay $0x1  }
0x325: {  	s4 =	sadd.f32 s5, s4;
	_ =	sdelay $0x1  }
0x326: {  	[smem:$0x1F7] =	sst s4  }
0x327: {  	s4 =	sld [smem:$0xF8]  }
0x328: {  	s28 =	sld [smem:$0x178];
	_ =	sdelay $0x2  }
0x329: {  	s4 =	smul.f32 s4, s2  }
0x32a: {  	s5 =	smul.f32 s28, s3;
	_ =	sdelay $0x1  }
0x32b: {  	s4 =	sadd.f32 s5, s4;
	_ =	sdelay $0x1  }
0x32c: {  	[smem:$0x1F8] =	sst s4  }
0x32d: {  	s4 =	sld [smem:$0xF9]  }
0x32e: {  	s29 =	sld [smem:$0x179];
	_ =	sdelay $0x2  }
0x32f: {  	s4 =	smul.f32 s4, s2  }
0x330: {  	s5 =	smul.f32 s29, s3;
	_ =	sdelay $0x1  }
0x331: {  	s4 =	sadd.f32 s5, s4;
	_ =	sdelay $0x1  }
0x332: {  	[smem:$0x1F9] =	sst s4  }
0x333: {  	s4 =	sld [smem:$0xFA]  }
0x334: {  	s30 =	sld [smem:$0x17A];
	_ =	sdelay $0x2  }
0x335: {  	s4 =	smul.f32 s4, s2  }
0x336: {  	s5 =	smul.f32 s30, s3;
	_ =	sdelay $0x1  }
0x337: {  	s4 =	sadd.f32 s5, s4;
	_ =	sdelay $0x1  }
0x338: {  	[smem:$0x1FA] =	sst s4  }
0x339: {  	s4 =	sld [smem:$0xFB]  }
0x33a: {  	s31 =	sld [smem:$0x17B];
	_ =	sdelay $0x2  }
0x33b: {  	s4 =	smul.f32 s4, s2  }
0x33c: {  	s5 =	smul.f32 s31, s3;
	_ =	sdelay $0x1  }
0x33d: {  	s4 =	sadd.f32 s5, s4;
	_ =	sdelay $0x1  }
0x33e: {  	[smem:$0x1FB] =	sst s4  }
0x33f: {  	s4 =	sld [smem:$0xFC]  }
0x340: {  	s6 =	sld [smem:$0x17C];
	_ =	sdelay $0x2  }
0x341: {  	s4 =	smul.f32 s4, s2  }
0x342: {  	s5 =	smul.f32 s6, s3;
	_ =	sdelay $0x1  }
0x343: {  	s4 =	sadd.f32 s5, s4;
	_ =	sdelay $0x1  }
0x344: {  	[smem:$0x1FC] =	sst s4  }
0x345: {  	s4 =	sld [smem:$0xFD]  }
0x346: {  	s7 =	sld [smem:$0x17D];
	_ =	sdelay $0x2  }
0x347: {  	s4 =	smul.f32 s4, s2  }
0x348: {  	s5 =	smul.f32 s7, s3;
	_ =	sdelay $0x1  }
0x349: {  	s4 =	sadd.f32 s5, s4;
	_ =	sdelay $0x1  }
0x34a: {  	[smem:$0x1FD] =	sst s4  }
0x34b: {  	s4 =	sld [smem:$0xFE]  }
0x34c: {  	s8 =	sld [smem:$0x17E];
	_ =	sdelay $0x2  }
0x34d: {  	s4 =	smul.f32 s4, s2  }
0x34e: {  	s5 =	smul.f32 s8, s3;
	_ =	sdelay $0x1  }
0x34f: {  	s4 =	sadd.f32 s5, s4;
	_ =	sdelay $0x1  }
0x350: {  	[smem:$0x1FE] =	sst s4  }
0x351: {  	s4 =	sld [smem:$0xFF]  }
0x352: {  	s9 =	sld [smem:$0x17F];
	_ =	sdelay $0x2  }
0x353: {  	s4 =	smul.f32 s4, s2  }
0x354: {  	s5 =	smul.f32 s9, s3;
	_ =	sdelay $0x1  }
0x355: {  	s4 =	sadd.f32 s5, s4;
	_ =	sdelay $0x1  }
0x356: {  	[smem:$0x1FF] =	sst s4  }
0x357: {  	s4 =	sld [smem:$0x100]  }
0x358: {  	s10 =	sld [smem:$0x180];
	_ =	sdelay $0x2  }
0x359: {  	s4 =	smul.f32 s4, s2  }
0x35a: {  	s5 =	smul.f32 s10, s3;
	_ =	sdelay $0x1  }
0x35b: {  	s4 =	sadd.f32 s5, s4;
	_ =	sdelay $0x1  }
0x35c: {  	[smem:$0x200] =	sst s4  }
0x35d: {  	s4 =	sld [smem:$0x101]  }
0x35e: {  	s11 =	sld [smem:$0x181];
	_ =	sdelay $0x2  }
0x35f: {  	s4 =	smul.f32 s4, s2  }
0x360: {  	s5 =	smul.f32 s11, s3;
	_ =	sdelay $0x1  }
0x361: {  	s4 =	sadd.f32 s5, s4;
	_ =	sdelay $0x1  }
0x362: {  	[smem:$0x201] =	sst s4  }
0x363: {  	s4 =	sld [smem:$0x102]  }
0x364: {  	s12 =	sld [smem:$0x182];
	_ =	sdelay $0x2  }
0x365: {  	s4 =	smul.f32 s4, s2  }
0x366: {  	s5 =	smul.f32 s12, s3;
	_ =	sdelay $0x1  }
0x367: {  	s4 =	sadd.f32 s5, s4;
	_ =	sdelay $0x1  }
0x368: {  	[smem:$0x202] =	sst s4  }
0x369: {  	s4 =	sld [smem:$0x103]  }
0x36a: {  	s13 =	sld [smem:$0x183];
	_ =	sdelay $0x2  }
0x36b: {  	s4 =	smul.f32 s4, s2  }
0x36c: {  	s5 =	smul.f32 s13, s3;
	_ =	sdelay $0x1  }
0x36d: {  	s4 =	sadd.f32 s5, s4;
	_ =	sdelay $0x1  }
0x36e: {  	[smem:$0x203] =	sst s4  }
0x36f: {  	s4 =	sld [smem:$0x104]  }
0x370: {  	s14 =	sld [smem:$0x184];
	_ =	sdelay $0x2  }
0x371: {  	s4 =	smul.f32 s4, s2  }
0x372: {  	s5 =	smul.f32 s14, s3;
	_ =	sdelay $0x1  }
0x373: {  	s4 =	sadd.f32 s5, s4;
	_ =	sdelay $0x1  }
0x374: {  	[smem:$0x204] =	sst s4  }
0x375: {  	s4 =	sld [smem:$0x105]  }
0x376: {  	s15 =	sld [smem:$0x185];
	_ =	sdelay $0x2  }
0x377: {  	s4 =	smul.f32 s4, s2  }
0x378: {  	s5 =	smul.f32 s15, s3;
	_ =	sdelay $0x1  }
0x379: {  	s4 =	sadd.f32 s5, s4;
	_ =	sdelay $0x1  }
0x37a: {  	[smem:$0x205] =	sst s4  }
0x37b: {  	s4 =	sld [smem:$0x106]  }
0x37c: {  	s16 =	sld [smem:$0x186];
	_ =	sdelay $0x2  }
0x37d: {  	s4 =	smul.f32 s4, s2  }
0x37e: {  	s5 =	smul.f32 s16, s3;
	_ =	sdelay $0x1  }
0x37f: {  	s4 =	sadd.f32 s5, s4;
	_ =	sdelay $0x1  }
0x380: {  	[smem:$0x206] =	sst s4  }
0x381: {  	s4 =	sld [smem:$0x107]  }
0x382: {  	s17 =	sld [smem:$0x187];
	_ =	sdelay $0x2  }
0x383: {  	s4 =	smul.f32 s4, s2  }
0x384: {  	s5 =	smul.f32 s17, s3;
	_ =	sdelay $0x1  }
0x385: {  	s4 =	sadd.f32 s5, s4;
	_ =	sdelay $0x1  }
0x386: {  	[smem:$0x207] =	sst s4  }
0x387: {  	s4 =	sld [smem:$0x108]  }
0x388: {  	s18 =	sld [smem:$0x188];
	_ =	sdelay $0x2  }
0x389: {  	s4 =	smul.f32 s4, s2  }
0x38a: {  	s5 =	smul.f32 s18, s3;
	_ =	sdelay $0x1  }
0x38b: {  	s4 =	sadd.f32 s5, s4;
	_ =	sdelay $0x1  }
0x38c: {  	[smem:$0x208] =	sst s4  }
0x38d: {  	s4 =	sld [smem:$0x109]  }
0x38e: {  	s19 =	sld [smem:$0x189];
	_ =	sdelay $0x2  }
0x38f: {  	s4 =	smul.f32 s4, s2  }
0x390: {  	s5 =	smul.f32 s19, s3;
	_ =	sdelay $0x1  }
0x391: {  	s4 =	sadd.f32 s5, s4;
	_ =	sdelay $0x1  }
0x392: {  	[smem:$0x209] =	sst s4  }
0x393: {  	s4 =	sld [smem:$0x10A]  }
0x394: {  	s20 =	sld [smem:$0x18A];
	_ =	sdelay $0x2  }
0x395: {  	s4 =	smul.f32 s4, s2  }
0x396: {  	s5 =	smul.f32 s20, s3;
	_ =	sdelay $0x1  }
0x397: {  	s4 =	sadd.f32 s5, s4;
	_ =	sdelay $0x1  }
0x398: {  	[smem:$0x20A] =	sst s4  }
0x399: {  	s4 =	sld [smem:$0x10B]  }
0x39a: {  	s21 =	sld [smem:$0x18B];
	_ =	sdelay $0x2  }
0x39b: {  	s4 =	smul.f32 s4, s2  }
0x39c: {  	s5 =	smul.f32 s21, s3;
	_ =	sdelay $0x1  }
0x39d: {  	s4 =	sadd.f32 s5, s4;
	_ =	sdelay $0x1  }
0x39e: {  	[smem:$0x20B] =	sst s4  }
0x39f: {  	s4 =	sld [smem:$0x10C]  }
0x3a0: {  	s22 =	sld [smem:$0x18C];
	_ =	sdelay $0x2  }
0x3a1: {  	s4 =	smul.f32 s4, s2  }
0x3a2: {  	s5 =	smul.f32 s22, s3;
	_ =	sdelay $0x1  }
0x3a3: {  	s4 =	sadd.f32 s5, s4;
	_ =	sdelay $0x1  }
0x3a4: {  	[smem:$0x20C] =	sst s4  }
0x3a5: {  	s4 =	sld [smem:$0x10D]  }
0x3a6: {  	s23 =	sld [smem:$0x18D];
	_ =	sdelay $0x2  }
0x3a7: {  	s4 =	smul.f32 s4, s2  }
0x3a8: {  	s5 =	smul.f32 s23, s3;
	_ =	sdelay $0x1  }
0x3a9: {  	s4 =	sadd.f32 s5, s4;
	_ =	sdelay $0x1  }
0x3aa: {  	[smem:$0x20D] =	sst s4  }
0x3ab: {  	s4 =	sld [smem:$0x10E]  }
0x3ac: {  	s24 =	sld [smem:$0x18E];
	_ =	sdelay $0x2  }
0x3ad: {  	s4 =	smul.f32 s4, s2  }
0x3ae: {  	s5 =	smul.f32 s24, s3;
	_ =	sdelay $0x1  }
0x3af: {  	s4 =	sadd.f32 s5, s4;
	_ =	sdelay $0x1  }
0x3b0: {  	[smem:$0x20E] =	sst s4  }
0x3b1: {  	s4 =	sld [smem:$0x10F]  }
0x3b2: {  	s25 =	sld [smem:$0x18F];
	_ =	sdelay $0x2  }
0x3b3: {  	s2 =	smul.f32 s4, s2  }
0x3b4: {  	s3 =	smul.f32 s25, s3;
	_ =	sdelay $0x1  }
0x3b5: {  	s2 =	sadd.f32 s3, s2;
	_ =	sdelay $0x1  }
0x3b6: {  	s26 =	simm.s32 $0x190;
	[smem:$0x20F] =	sst s2  }
0x3b7: {  	[hbm:s0], [sflag:s1] =	dma.local [smem:s26], $0x10  }
0x3b8: {  	_ =	swait.ge [sflag:s1], $0x10  }
0x3b9: {  	[sflag:s1] =	ssyncset.done $0x0  }
0x3ba: {  	[sflag:s1] =	ssyncadd.s32 $0xFFFFFFF0  }
0x3bb: {  	_ =	strace $0x90000046  }
0x3bc: {  	_ =	sfence  }
0x3bd: {  	s28 =	sld [smem:$0x0];
	_ =	sdelay $0x1  }
0x3be: {  	s29 =	srdreg.scid  }
0x3bf: {  	s30 =	sshll.u32 s29, $0xD;
	s31 =	sshrl.u32 s29, $0x2  }
0x3c0: {  	s2 =	sand.u32 $0x4000, s30;
	s1 =	sand.u32 $0x1, s29;
	s0 =	sadd.s32 s31, s28  }
0x3c1: {  	s1 =	sor.u32 s2, s1;
	s0 =	sshll.u32 s0, $0x11  }
0x3c2: {  	s0 =	sor.u32 s0, s1  }
0x3c3: {  	s0 =	sadd.s32 $0x8F2B, s0;
	(pc) =	sbr.abs _section_cstart, $3  }
0x3c4: {  	[sflag:s0] =	ssyncadd.remote.s32 $0x1  }
0x3c5: {  	_ =	strace $0x9FFFFFFF  }
0x3c6: {  	(tm) =	ssettm $0x7FFFFFFF  }
0x3c7: {  	_ =	shalt  }

</sc_bundles>
